<compile_context>
chip_gen: v7x
topology: tpu7x:2x2x1
jax: 0.10.2.dev20260603
libtpu: 0.0.44.dev20260713+nightly
codegen_flags: <defaults>
</compile_context>

<pallas_src>
import functools

import jax
import jax.numpy as jnp
from jax import lax
from jax.experimental import pallas as pl
from jax.experimental.pallas import tpu as pltpu
from jax.experimental.pallas import tpu_sc as plsc

_B = 128
_V = 100000
_K = 50
_BLK = 256
_NB = -(-_V // _BLK)
_NSB = -(-_NB // 16)
_NBP = _NSB * 16
_VP = _NB * _BLK
_KP = 64
_NEG = float("-inf")


def _splat_f(x):
    return jnp.full((16,), x, jnp.float32)


def _splat_i(x):
    return jnp.full((16,), x, jnp.int32)


def _tree_max(vs):
    vs = list(vs)
    while len(vs) > 1:
        vs = [jnp.maximum(vs[i], vs[i + 1]) for i in range(0, len(vs) - 1, 2)] \
            + ([vs[-1]] if len(vs) % 2 else [])
    return vs[0]


def _tree_min(vs):
    vs = list(vs)
    while len(vs) > 1:
        vs = [jnp.minimum(vs[i], vs[i + 1]) for i in range(0, len(vs) - 1, 2)] \
            + ([vs[-1]] if len(vs) % 2 else [])
    return vs[0]


def _ffs(mask):
    f = plsc.all_reduce_ffs(mask)
    if f.ndim == 0:
        f = jnp.full((16,), f, jnp.int32)
    return f


def _build_topk():
    info = plsc.get_sparse_core_info()
    nc, ns = info.num_cores, info.num_subcores
    nw = nc * ns
    rows_per = _B // nw
    mesh = plsc.VectorSubcoreMesh(core_axis_name="c", subcore_axis_name="s")

    @functools.partial(
        pl.kernel,
        out_type=[
            jax.ShapeDtypeStruct((_B * _KP,), jnp.float32),
            jax.ShapeDtypeStruct((_B * _KP,), jnp.int32),
        ],
        mesh=mesh,
        scratch_types=[
            pltpu.VMEM((_VP,), jnp.float32),
            pltpu.VMEM((_NBP * 16,), jnp.float32),
            pltpu.VMEM((_NSB * 16,), jnp.float32),
            pltpu.VMEM((_KP,), jnp.float32),
            pltpu.VMEM((_KP,), jnp.int32),
            pltpu.SemaphoreType.DMA,
            pltpu.SemaphoreType.DMA,
            pltpu.SemaphoreType.DMA,
            pltpu.SemaphoreType.DMA,
        ],
        compiler_params=pltpu.CompilerParams(needs_layout_passes=False),
    )
    def topk(logits_hbm, vals_hbm, idx_hbm, row_v, lm_v, l2_v, ov_v, oi_v,
             sem0, sem1, sem2, sem3):
        wid = lax.axis_index("s") * nc + lax.axis_index("c")
        lanes = lax.iota(jnp.int32, 16)
        neg = _splat_f(_NEG)
        bigi = _splat_i(1 << 30)

        for t in range(_NB * 16, _NBP * 16, 16):
            lm_v[pl.ds(t, 16)] = neg

        def row_body(r, carry):
            row = wid * rows_per + r
            base = row * _V
            qb = 98
            q = qb * _BLK
            sems = (sem0, sem1, sem2, sem3)
            copies = []
            for i in range(4):
                lo = i * q
                hi = min((i + 1) * q, _V)
                copies.append(pltpu.async_copy(
                    logits_hbm.at[pl.ds(base + lo, hi - lo)],
                    row_v.at[pl.ds(lo, hi - lo)], sems[i]))

            def _blk(j):
                lm_v[pl.ds(j * 16, 16)] = _tree_max(
                    [row_v[pl.ds(j * _BLK + ii * 16, 16)] for ii in range(16)])

            for i in range(4):
                copies[i].wait()
                if i == 3:
                    for t in range(_V, _VP, 16):
                        row_v[pl.ds(t, 16)] = neg
                hi = _NB if i == 3 else qb * (i + 1)
                plsc.parallel_loop(qb * i, hi, unroll=4)(_blk)

            def sb_body(s, c):
                l2_v[pl.ds(s * 16, 16)] = _tree_max(
                    [lm_v[pl.ds(s * 256 + jj * 16, 16)] for jj in range(16)])
                return c

            lax.fori_loop(0, _NSB, sb_body, 0)

            for t in range(0, _KP, 16):
                ov_v[pl.ds(t, 16)] = neg
                oi_v[pl.ds(t, 16)] = _splat_i(0)

            def k_body(k, c):
                g = _tree_max([l2_v[pl.ds(s * 16, 16)] for s in range(_NSB)])
                m = jnp.max(g)
                mv = jnp.full((16,), m, jnp.float32)

                sv = []
                for s in range(_NSB):
                    f = _ffs(l2_v[pl.ds(s * 16, 16)] == mv)
                    sv.append(jnp.where(f < 16, _splat_i(s), bigi))
                sstar = jnp.min(_tree_min(sv))

                bv = []
                for jj in range(16):
                    f = _ffs(lm_v[pl.ds(sstar * 256 + jj * 16, 16)] == mv)
                    bv.append(jnp.where(f < 16, _splat_i(jj), bigi))
                bstar = sstar * 16 + jnp.min(_tree_min(bv))

                pv = []
                for ii in range(16):
                    f = _ffs(row_v[pl.ds(bstar * _BLK + ii * 16, 16)] == mv)
                    pv.append(jnp.where(f < 16, f + ii * 16, bigi))
                pos = jnp.min(_tree_min(pv))
                flat = bstar * _BLK + pos

                q = (k // 16) * 16
                rl = k % 16
                ov_v[pl.ds(q, 16)] = jnp.where(lanes == rl, mv,
                                               ov_v[pl.ds(q, 16)])
                oi_v[pl.ds(q, 16)] = jnp.where(lanes == rl,
                                               jnp.full((16,), flat, jnp.int32),
                                               oi_v[pl.ds(q, 16)])

                base = bstar * _BLK + (pos // 16) * 16
                row_v[pl.ds(base, 16)] = jnp.where(lanes == pos % 16, neg,
                                                   row_v[pl.ds(base, 16)])

                lm_v[pl.ds(bstar * 16, 16)] = _tree_max(
                    [row_v[pl.ds(bstar * _BLK + ii * 16, 16)]
                     for ii in range(16)])
                l2_v[pl.ds(sstar * 16, 16)] = _tree_max(
                    [lm_v[pl.ds(sstar * 256 + jj * 16, 16)]
                     for jj in range(16)])
                return c

            lax.fori_loop(0, _K, k_body, 0)

            pltpu.sync_copy(ov_v, vals_hbm.at[pl.ds(row * _KP, _KP)])
            pltpu.sync_copy(oi_v, idx_hbm.at[pl.ds(row * _KP, _KP)])
            return carry

        lax.fori_loop(0, rows_per, row_body, 0)

    return topk


def _sample_body(vals_ref, idx_ref, u_ref, out_ref):
    v = vals_ref[...]
    lane = lax.broadcasted_iota(jnp.int32, (_B, _KP), 1)
    valid = lane < _K
    vm = jnp.where(valid, v, -jnp.inf)
    rmax = jnp.max(vm, axis=1, keepdims=True)
    e = jnp.where(valid, jnp.exp(vm - rmax), 0.0)
    p = e / jnp.sum(e, axis=1, keepdims=True)
    g = -jnp.log(-jnp.log(u_ref[...]))
    score = jnp.where(valid, jnp.log(p + 1e-12) + g, -jnp.inf)
    smax = jnp.max(score, axis=1, keepdims=True)
    choice = jnp.min(jnp.where(score == smax, lane, _KP), axis=1, keepdims=True)
    token = jnp.sum(jnp.where(lane == choice, idx_ref[...], 0), axis=1,
                    keepdims=True)
    out_ref[...] = token


def kernel(logits, u):
    vals_f, idx_f = _build_topk()(logits.reshape(-1))
    vals = vals_f.reshape(_B, _KP)
    idx = idx_f.reshape(_B, _KP)
    up = jnp.pad(u, ((0, 0), (0, _KP - _K)), constant_values=0.5)
    token = pl.pallas_call(
        _sample_body,
        out_shape=jax.ShapeDtypeStruct((_B, 1), jnp.int32),
    )(vals, idx, up)
    return token.reshape(_B)

# --- scband reference (transcript-rebuilt; emitter-appended) ---
"""Pipeline reference for scband-mlmpredictor-21912923144606 (READ-ONLY COPY).

The authoritative reference and input builder live on the scoring server;
editing this copy changes nothing except your own understanding.
"""

import jax, jax.numpy as jnp
import numpy as np

TOP_K = 50
BATCH = 128
VOCAB = 100000


def setup_inputs(seed: int = 0) -> dict:
    key = jax.random.key(seed)
    k1, k2 = jax.random.split(key)
    logits = jax.random.normal(k1, (BATCH, VOCAB), dtype=jnp.float32)
    # uniform noise for gumbel-max sampling over the top-k candidates
    u = jax.random.uniform(k2, (BATCH, TOP_K), dtype=jnp.float32, minval=1e-6, maxval=1.0 - 1e-6)
    return {"logits": logits, "u": u}


def reference(logits, u):
    # sample_from_top_k(top_k, logits): restrict to the top_k logits per row,
    # renormalize with softmax, and draw one token id per row.
    vals, idx = jax.lax.top_k(logits, TOP_K)           # [B, K] values, [B, K] vocab indices
    probs = jax.nn.softmax(vals, axis=-1)              # renormalized top-k distribution
    gumbel = -jnp.log(-jnp.log(u))                     # gumbel-max trick == categorical sample
    choice = jnp.argmax(jnp.log(probs + 1e-12) + gumbel, axis=-1)  # [B]
    sampled = jnp.take_along_axis(idx, choice[:, None], axis=-1)[:, 0]  # [B] vocab ids
    return sampled

if __name__ == "__main__":
    import jax
    _d = setup_inputs()
    print(jax.jit(kernel)(*tuple(_d.values())))

</pallas_src>

<mosaic_0001>
#map = affine_map<(d0, d1) -> (0)>
module attributes {stable_mosaic.version = 14 : i64} {
  func.func @topk(%arg0: i32, %arg1: i32, %arg2: memref<12800000xf32, #tpu.memory_space<hbm>>, %arg3: memref<8192xf32, #tpu.memory_space<hbm>>, %arg4: memref<8192xi32, #tpu.memory_space<hbm>>, %arg5: memref<100096xf32, #tpu.memory_space<vmem>>, %arg6: memref<6400xf32, #tpu.memory_space<vmem>>, %arg7: memref<400xf32, #tpu.memory_space<vmem>>, %arg8: memref<64xf32, #tpu.memory_space<vmem>>, %arg9: memref<64xi32, #tpu.memory_space<vmem>>, %arg10: memref<!tpu.dma_semaphore, #tpu.memory_space<semaphore_mem>>, %arg11: memref<!tpu.dma_semaphore, #tpu.memory_space<semaphore_mem>>, %arg12: memref<!tpu.dma_semaphore, #tpu.memory_space<semaphore_mem>>, %arg13: memref<!tpu.dma_semaphore, #tpu.memory_space<semaphore_mem>>) attributes {dimension_semantics = [#tpu.dimension_semantics<core_parallel>, #tpu.dimension_semantics<subcore_parallel>], iteration_bounds = array<i64: 2, 16>, scalar_prefetch = 0 : i64, scratch_operands = 9 : i64, tpu.core_type = #tpu.core_type<sc_vector_subcore>, window_params = [{transform_indices = #map}, {transform_indices = #map}, {transform_indices = #map}]} {
    %mul3A = arith.constant 2 : i32
    %mul3A_0 = arith.muli %arg1, %mul3A : i32
    %add3A = arith.addi %mul3A_0, %arg0 : i32
    %iota3A = tpu.iota {dimensions = array<i32: 0>} : vector<16xi32>
    %broadcast_in_dim3A = arith.constant 0xFF800000 : f32
    %broadcast_in_dim3A_1 = vector.broadcast %broadcast_in_dim3A : f32 to vector<16xf32>
    %broadcast_in_dim3A_2 = arith.constant 1073741824 : i32
    %broadcast_in_dim3A_3 = vector.broadcast %broadcast_in_dim3A_2 : i32 to vector<16xi32>
    %swap3A = arith.constant 6256 : index
    %swap3A_4 = tpu.vector_load %arg6[%swap3A] {strides = array<i32>} : memref<6400xf32, #tpu.memory_space<vmem>>, vector<16xf32>,
    tpu.vector_store %arg6[%swap3A], %broadcast_in_dim3A_1 {strides = array<i32>} : memref<6400xf32, #tpu.memory_space<vmem>>, vector<16xf32>,
    %swap3A_5 = arith.constant 6272 : index
    %swap3A_6 = tpu.vector_load %arg6[%swap3A_5] {strides = array<i32>} : memref<6400xf32, #tpu.memory_space<vmem>>, vector<16xf32>,
    tpu.vector_store %arg6[%swap3A_5], %broadcast_in_dim3A_1 {strides = array<i32>} : memref<6400xf32, #tpu.memory_space<vmem>>, vector<16xf32>,
    %swap3A_7 = arith.constant 6288 : index
    %swap3A_8 = tpu.vector_load %arg6[%swap3A_7] {strides = array<i32>} : memref<6400xf32, #tpu.memory_space<vmem>>, vector<16xf32>,
    tpu.vector_store %arg6[%swap3A_7], %broadcast_in_dim3A_1 {strides = array<i32>} : memref<6400xf32, #tpu.memory_space<vmem>>, vector<16xf32>,
    %swap3A_9 = arith.constant 6304 : index
    %swap3A_10 = tpu.vector_load %arg6[%swap3A_9] {strides = array<i32>} : memref<6400xf32, #tpu.memory_space<vmem>>, vector<16xf32>,
    tpu.vector_store %arg6[%swap3A_9], %broadcast_in_dim3A_1 {strides = array<i32>} : memref<6400xf32, #tpu.memory_space<vmem>>, vector<16xf32>,
    %swap3A_11 = arith.constant 6320 : index
    %swap3A_12 = tpu.vector_load %arg6[%swap3A_11] {strides = array<i32>} : memref<6400xf32, #tpu.memory_space<vmem>>, vector<16xf32>,
    tpu.vector_store %arg6[%swap3A_11], %broadcast_in_dim3A_1 {strides = array<i32>} : memref<6400xf32, #tpu.memory_space<vmem>>, vector<16xf32>,
    %swap3A_13 = arith.constant 6336 : index
    %swap3A_14 = tpu.vector_load %arg6[%swap3A_13] {strides = array<i32>} : memref<6400xf32, #tpu.memory_space<vmem>>, vector<16xf32>,
    tpu.vector_store %arg6[%swap3A_13], %broadcast_in_dim3A_1 {strides = array<i32>} : memref<6400xf32, #tpu.memory_space<vmem>>, vector<16xf32>,
    %swap3A_15 = arith.constant 6352 : index
    %swap3A_16 = tpu.vector_load %arg6[%swap3A_15] {strides = array<i32>} : memref<6400xf32, #tpu.memory_space<vmem>>, vector<16xf32>,
    tpu.vector_store %arg6[%swap3A_15], %broadcast_in_dim3A_1 {strides = array<i32>} : memref<6400xf32, #tpu.memory_space<vmem>>, vector<16xf32>,
    %swap3A_17 = arith.constant 6368 : index
    %swap3A_18 = tpu.vector_load %arg6[%swap3A_17] {strides = array<i32>} : memref<6400xf32, #tpu.memory_space<vmem>>, vector<16xf32>,
    tpu.vector_store %arg6[%swap3A_17], %broadcast_in_dim3A_1 {strides = array<i32>} : memref<6400xf32, #tpu.memory_space<vmem>>, vector<16xf32>,
    %swap3A_19 = arith.constant 6384 : index
    %swap3A_20 = tpu.vector_load %arg6[%swap3A_19] {strides = array<i32>} : memref<6400xf32, #tpu.memory_space<vmem>>, vector<16xf32>,
    tpu.vector_store %arg6[%swap3A_19], %broadcast_in_dim3A_1 {strides = array<i32>} : memref<6400xf32, #tpu.memory_space<vmem>>, vector<16xf32>,
    %scan3A = arith.constant 0 : i32
    %scan3A_21 = arith.constant 0 : i32
    %scan3A_22 = arith.constant 4 : i32
    %scan3A_23 = arith.addi %scan3A_21, %scan3A_22 : i32
    %scan3A_24 = arith.constant 1 : i32
    scf.for %scan3A_26 = %scan3A_21 to %scan3A_23 step %scan3A_24  : i32 {
      %mul3A_27 = arith.constant 4 : i32
      %mul3A_28 = arith.muli %add3A, %mul3A_27 : i32
      %add3A_29 = arith.addi %mul3A_28, %scan3A_26 : i32
      %mul3A_30 = arith.constant 100000 : i32
      %mul3A_31 = arith.muli %add3A_29, %mul3A_30 : i32
      %add3A_32 = arith.constant 0 : i32
      %add3A_33 = arith.addi %mul3A_31, %add3A_32 : i32
      %dma_start3A = arith.constant 0 : i32
      %dma_start3A_34 = tpu.memref_slice %arg5[%dma_start3A] : memref<100096xf32, #tpu.memory_space<vmem>> -> memref<25088xf32, #tpu.memory_space<vmem>>
      %dma_start3A_35 = tpu.memref_slice %arg2[%add3A_33] : memref<12800000xf32, #tpu.memory_space<hbm>> -> memref<25088xf32, #tpu.memory_space<hbm>>
      %dma_start3A_36 = arith.constant 0 : i32
      %dma_start3A_37 = tpu.memref_slice %arg5[%dma_start3A_36] : memref<100096xf32, #tpu.memory_space<vmem>> -> memref<25088xf32, #tpu.memory_space<vmem>>
      %dma_start3A_38 = tpu.memref_slice %arg2[%add3A_33] : memref<12800000xf32, #tpu.memory_space<hbm>> -> memref<25088xf32, #tpu.memory_space<hbm>>
      tpu.enqueue_dma source(%dma_start3A_38 : memref<25088xf32, #tpu.memory_space<hbm>>) target(%dma_start3A_37 : memref<25088xf32, #tpu.memory_space<vmem>>) target_semaphore(%arg10 : memref<!tpu.dma_semaphore, #tpu.memory_space<semaphore_mem>>)
      %add3A_39 = arith.constant 25088 : i32
      %add3A_40 = arith.addi %mul3A_31, %add3A_39 : i32
      %dma_start3A_41 = arith.constant 25088 : i32
      %dma_start3A_42 = tpu.memref_slice %arg5[%dma_start3A_41] : memref<100096xf32, #tpu.memory_space<vmem>> -> memref<25088xf32, #tpu.memory_space<vmem>>
      %dma_start3A_43 = tpu.memref_slice %arg2[%add3A_40] : memref<12800000xf32, #tpu.memory_space<hbm>> -> memref<25088xf32, #tpu.memory_space<hbm>>
      %dma_start3A_44 = arith.constant 25088 : i32
      %dma_start3A_45 = tpu.memref_slice %arg5[%dma_start3A_44] : memref<100096xf32, #tpu.memory_space<vmem>> -> memref<25088xf32, #tpu.memory_space<vmem>>
      %dma_start3A_46 = tpu.memref_slice %arg2[%add3A_40] : memref<12800000xf32, #tpu.memory_space<hbm>> -> memref<25088xf32, #tpu.memory_space<hbm>>
      tpu.enqueue_dma source(%dma_start3A_46 : memref<25088xf32, #tpu.memory_space<hbm>>) target(%dma_start3A_45 : memref<25088xf32, #tpu.memory_space<vmem>>) target_semaphore(%arg11 : memref<!tpu.dma_semaphore, #tpu.memory_space<semaphore_mem>>)
      %add3A_47 = arith.constant 50176 : i32
      %add3A_48 = arith.addi %mul3A_31, %add3A_47 : i32
      %dma_start3A_49 = arith.constant 50176 : i32
      %dma_start3A_50 = tpu.memref_slice %arg5[%dma_start3A_49] : memref<100096xf32, #tpu.memory_space<vmem>> -> memref<25088xf32, #tpu.memory_space<vmem>>
      %dma_start3A_51 = tpu.memref_slice %arg2[%add3A_48] : memref<12800000xf32, #tpu.memory_space<hbm>> -> memref<25088xf32, #tpu.memory_space<hbm>>
      %dma_start3A_52 = arith.constant 50176 : i32
      %dma_start3A_53 = tpu.memref_slice %arg5[%dma_start3A_52] : memref<100096xf32, #tpu.memory_space<vmem>> -> memref<25088xf32, #tpu.memory_space<vmem>>
      %dma_start3A_54 = tpu.memref_slice %arg2[%add3A_48] : memref<12800000xf32, #tpu.memory_space<hbm>> -> memref<25088xf32, #tpu.memory_space<hbm>>
      tpu.enqueue_dma source(%dma_start3A_54 : memref<25088xf32, #tpu.memory_space<hbm>>) target(%dma_start3A_53 : memref<25088xf32, #tpu.memory_space<vmem>>) target_semaphore(%arg12 : memref<!tpu.dma_semaphore, #tpu.memory_space<semaphore_mem>>)
      %add3A_55 = arith.constant 75264 : i32
      %add3A_56 = arith.addi %mul3A_31, %add3A_55 : i32
      %dma_start3A_57 = arith.constant 75264 : i32
      %dma_start3A_58 = tpu.memref_slice %arg5[%dma_start3A_57] : memref<100096xf32, #tpu.memory_space<vmem>> -> memref<24736xf32, #tpu.memory_space<vmem>>
      %dma_start3A_59 = tpu.memref_slice %arg2[%add3A_56] : memref<12800000xf32, #tpu.memory_space<hbm>> -> memref<24736xf32, #tpu.memory_space<hbm>>
      %dma_start3A_60 = arith.constant 75264 : i32
      %dma_start3A_61 = tpu.memref_slice %arg5[%dma_start3A_60] : memref<100096xf32, #tpu.memory_space<vmem>> -> memref<24736xf32, #tpu.memory_space<vmem>>
      %dma_start3A_62 = tpu.memref_slice %arg2[%add3A_56] : memref<12800000xf32, #tpu.memory_space<hbm>> -> memref<24736xf32, #tpu.memory_space<hbm>>
      tpu.enqueue_dma source(%dma_start3A_62 : memref<24736xf32, #tpu.memory_space<hbm>>) target(%dma_start3A_61 : memref<24736xf32, #tpu.memory_space<vmem>>) target_semaphore(%arg13 : memref<!tpu.dma_semaphore, #tpu.memory_space<semaphore_mem>>)
      %dma_wait3A = arith.constant 0 : i32
      %dma_wait3A_63 = tpu.memref_slice %arg5[%dma_wait3A] : memref<100096xf32, #tpu.memory_space<vmem>> -> memref<25088xf32, #tpu.memory_space<vmem>>
      %dma_wait3A_64 = tpu.memref_slice %arg2[%add3A_33] : memref<12800000xf32, #tpu.memory_space<hbm>> -> memref<25088xf32, #tpu.memory_space<hbm>>
      %dma_wait3A_65 = arith.constant 0 : i32
      %dma_wait3A_66 = tpu.memref_slice %arg5[%dma_wait3A_65] : memref<100096xf32, #tpu.memory_space<vmem>> -> memref<25088xf32, #tpu.memory_space<vmem>>
      %dma_wait3A_67 = tpu.memref_slice %arg2[%add3A_33] : memref<12800000xf32, #tpu.memory_space<hbm>> -> memref<25088xf32, #tpu.memory_space<hbm>>
      tpu.wait_dma2 semaphore(%arg10 : memref<!tpu.dma_semaphore, #tpu.memory_space<semaphore_mem>>) src(%dma_wait3A_67 : memref<25088xf32, #tpu.memory_space<hbm>>) dst(%dma_wait3A_66 : memref<25088xf32, #tpu.memory_space<vmem>>)
      %parallel_loop3A = arith.constant 0 : i32
      %parallel_loop3A_68 = arith.constant 98 : i32
      %parallel_loop3A_69 = arith.constant 1 : i32
      scf.for %parallel_loop3A_149 = %parallel_loop3A to %parallel_loop3A_68 step %parallel_loop3A_69  : i32 {
        %parallel_loop3A_150 = arith.constant 256 : i32
        %parallel_loop3A_151 = arith.muli %parallel_loop3A_149, %parallel_loop3A_150 : i32
        %parallel_loop3A_152 = arith.constant 0 : i32
        %parallel_loop3A_153 = arith.addi %parallel_loop3A_151, %parallel_loop3A_152 : i32
        %parallel_loop3A_154 = arith.index_cast %parallel_loop3A_153 : i32 to index
        %parallel_loop3A_155 = tpu.vector_load %arg5[%parallel_loop3A_154] {strides = array<i32>} : memref<100096xf32, #tpu.memory_space<vmem>>, vector<16xf32>,
        %parallel_loop3A_156 = arith.constant 256 : i32
        %parallel_loop3A_157 = arith.muli %parallel_loop3A_149, %parallel_loop3A_156 : i32
        %parallel_loop3A_158 = arith.constant 16 : i32
        %parallel_loop3A_159 = arith.addi %parallel_loop3A_157, %parallel_loop3A_158 : i32
        %parallel_loop3A_160 = arith.index_cast %parallel_loop3A_159 : i32 to index
        %parallel_loop3A_161 = tpu.vector_load %arg5[%parallel_loop3A_160] {strides = array<i32>} : memref<100096xf32, #tpu.memory_space<vmem>>, vector<16xf32>,
        %parallel_loop3A_162 = arith.constant 256 : i32
        %parallel_loop3A_163 = arith.muli %parallel_loop3A_149, %parallel_loop3A_162 : i32
        %parallel_loop3A_164 = arith.constant 32 : i32
        %parallel_loop3A_165 = arith.addi %parallel_loop3A_163, %parallel_loop3A_164 : i32
        %parallel_loop3A_166 = arith.index_cast %parallel_loop3A_165 : i32 to index
        %parallel_loop3A_167 = tpu.vector_load %arg5[%parallel_loop3A_166] {strides = array<i32>} : memref<100096xf32, #tpu.memory_space<vmem>>, vector<16xf32>,
        %parallel_loop3A_168 = arith.constant 256 : i32
        %parallel_loop3A_169 = arith.muli %parallel_loop3A_149, %parallel_loop3A_168 : i32
        %parallel_loop3A_170 = arith.constant 48 : i32
        %parallel_loop3A_171 = arith.addi %parallel_loop3A_169, %parallel_loop3A_170 : i32
        %parallel_loop3A_172 = arith.index_cast %parallel_loop3A_171 : i32 to index
        %parallel_loop3A_173 = tpu.vector_load %arg5[%parallel_loop3A_172] {strides = array<i32>} : memref<100096xf32, #tpu.memory_space<vmem>>, vector<16xf32>,
        %parallel_loop3A_174 = arith.constant 256 : i32
        %parallel_loop3A_175 = arith.muli %parallel_loop3A_149, %parallel_loop3A_174 : i32
        %parallel_loop3A_176 = arith.constant 64 : i32
        %parallel_loop3A_177 = arith.addi %parallel_loop3A_175, %parallel_loop3A_176 : i32
        %parallel_loop3A_178 = arith.index_cast %parallel_loop3A_177 : i32 to index
        %parallel_loop3A_179 = tpu.vector_load %arg5[%parallel_loop3A_178] {strides = array<i32>} : memref<100096xf32, #tpu.memory_space<vmem>>, vector<16xf32>,
        %parallel_loop3A_180 = arith.constant 256 : i32
        %parallel_loop3A_181 = arith.muli %parallel_loop3A_149, %parallel_loop3A_180 : i32
        %parallel_loop3A_182 = arith.constant 80 : i32
        %parallel_loop3A_183 = arith.addi %parallel_loop3A_181, %parallel_loop3A_182 : i32
        %parallel_loop3A_184 = arith.index_cast %parallel_loop3A_183 : i32 to index
        %parallel_loop3A_185 = tpu.vector_load %arg5[%parallel_loop3A_184] {strides = array<i32>} : memref<100096xf32, #tpu.memory_space<vmem>>, vector<16xf32>,
        %parallel_loop3A_186 = arith.constant 256 : i32
        %parallel_loop3A_187 = arith.muli %parallel_loop3A_149, %parallel_loop3A_186 : i32
        %parallel_loop3A_188 = arith.constant 96 : i32
        %parallel_loop3A_189 = arith.addi %parallel_loop3A_187, %parallel_loop3A_188 : i32
        %parallel_loop3A_190 = arith.index_cast %parallel_loop3A_189 : i32 to index
        %parallel_loop3A_191 = tpu.vector_load %arg5[%parallel_loop3A_190] {strides = array<i32>} : memref<100096xf32, #tpu.memory_space<vmem>>, vector<16xf32>,
        %parallel_loop3A_192 = arith.constant 256 : i32
        %parallel_loop3A_193 = arith.muli %parallel_loop3A_149, %parallel_loop3A_192 : i32
        %parallel_loop3A_194 = arith.constant 112 : i32
        %parallel_loop3A_195 = arith.addi %parallel_loop3A_193, %parallel_loop3A_194 : i32
        %parallel_loop3A_196 = arith.index_cast %parallel_loop3A_195 : i32 to index
        %parallel_loop3A_197 = tpu.vector_load %arg5[%parallel_loop3A_196] {strides = array<i32>} : memref<100096xf32, #tpu.memory_space<vmem>>, vector<16xf32>,
        %parallel_loop3A_198 = arith.constant 256 : i32
        %parallel_loop3A_199 = arith.muli %parallel_loop3A_149, %parallel_loop3A_198 : i32
        %parallel_loop3A_200 = arith.constant 128 : i32
        %parallel_loop3A_201 = arith.addi %parallel_loop3A_199, %parallel_loop3A_200 : i32
        %parallel_loop3A_202 = arith.index_cast %parallel_loop3A_201 : i32 to index
        %parallel_loop3A_203 = tpu.vector_load %arg5[%parallel_loop3A_202] {strides = array<i32>} : memref<100096xf32, #tpu.memory_space<vmem>>, vector<16xf32>,
        %parallel_loop3A_204 = arith.constant 256 : i32
        %parallel_loop3A_205 = arith.muli %parallel_loop3A_149, %parallel_loop3A_204 : i32
        %parallel_loop3A_206 = arith.constant 144 : i32
        %parallel_loop3A_207 = arith.addi %parallel_loop3A_205, %parallel_loop3A_206 : i32
        %parallel_loop3A_208 = arith.index_cast %parallel_loop3A_207 : i32 to index
        %parallel_loop3A_209 = tpu.vector_load %arg5[%parallel_loop3A_208] {strides = array<i32>} : memref<100096xf32, #tpu.memory_space<vmem>>, vector<16xf32>,
        %parallel_loop3A_210 = arith.constant 256 : i32
        %parallel_loop3A_211 = arith.muli %parallel_loop3A_149, %parallel_loop3A_210 : i32
        %parallel_loop3A_212 = arith.constant 160 : i32
        %parallel_loop3A_213 = arith.addi %parallel_loop3A_211, %parallel_loop3A_212 : i32
        %parallel_loop3A_214 = arith.index_cast %parallel_loop3A_213 : i32 to index
        %parallel_loop3A_215 = tpu.vector_load %arg5[%parallel_loop3A_214] {strides = array<i32>} : memref<100096xf32, #tpu.memory_space<vmem>>, vector<16xf32>,
        %parallel_loop3A_216 = arith.constant 256 : i32
        %parallel_loop3A_217 = arith.muli %parallel_loop3A_149, %parallel_loop3A_216 : i32
        %parallel_loop3A_218 = arith.constant 176 : i32
        %parallel_loop3A_219 = arith.addi %parallel_loop3A_217, %parallel_loop3A_218 : i32
        %parallel_loop3A_220 = arith.index_cast %parallel_loop3A_219 : i32 to index
        %parallel_loop3A_221 = tpu.vector_load %arg5[%parallel_loop3A_220] {strides = array<i32>} : memref<100096xf32, #tpu.memory_space<vmem>>, vector<16xf32>,
        %parallel_loop3A_222 = arith.constant 256 : i32
        %parallel_loop3A_223 = arith.muli %parallel_loop3A_149, %parallel_loop3A_222 : i32
        %parallel_loop3A_224 = arith.constant 192 : i32
        %parallel_loop3A_225 = arith.addi %parallel_loop3A_223, %parallel_loop3A_224 : i32
        %parallel_loop3A_226 = arith.index_cast %parallel_loop3A_225 : i32 to index
        %parallel_loop3A_227 = tpu.vector_load %arg5[%parallel_loop3A_226] {strides = array<i32>} : memref<100096xf32, #tpu.memory_space<vmem>>, vector<16xf32>,
        %parallel_loop3A_228 = arith.constant 256 : i32
        %parallel_loop3A_229 = arith.muli %parallel_loop3A_149, %parallel_loop3A_228 : i32
        %parallel_loop3A_230 = arith.constant 208 : i32
        %parallel_loop3A_231 = arith.addi %parallel_loop3A_229, %parallel_loop3A_230 : i32
        %parallel_loop3A_232 = arith.index_cast %parallel_loop3A_231 : i32 to index
        %parallel_loop3A_233 = tpu.vector_load %arg5[%parallel_loop3A_232] {strides = array<i32>} : memref<100096xf32, #tpu.memory_space<vmem>>, vector<16xf32>,
        %parallel_loop3A_234 = arith.constant 256 : i32
        %parallel_loop3A_235 = arith.muli %parallel_loop3A_149, %parallel_loop3A_234 : i32
        %parallel_loop3A_236 = arith.constant 224 : i32
        %parallel_loop3A_237 = arith.addi %parallel_loop3A_235, %parallel_loop3A_236 : i32
        %parallel_loop3A_238 = arith.index_cast %parallel_loop3A_237 : i32 to index
        %parallel_loop3A_239 = tpu.vector_load %arg5[%parallel_loop3A_238] {strides = array<i32>} : memref<100096xf32, #tpu.memory_space<vmem>>, vector<16xf32>,
        %parallel_loop3A_240 = arith.constant 256 : i32
        %parallel_loop3A_241 = arith.muli %parallel_loop3A_149, %parallel_loop3A_240 : i32
        %parallel_loop3A_242 = arith.constant 240 : i32
        %parallel_loop3A_243 = arith.addi %parallel_loop3A_241, %parallel_loop3A_242 : i32
        %parallel_loop3A_244 = arith.index_cast %parallel_loop3A_243 : i32 to index
        %parallel_loop3A_245 = tpu.vector_load %arg5[%parallel_loop3A_244] {strides = array<i32>} : memref<100096xf32, #tpu.memory_space<vmem>>, vector<16xf32>,
        %parallel_loop3A_246 = arith.maximumf %parallel_loop3A_155, %parallel_loop3A_161 : vector<16xf32>
        %parallel_loop3A_247 = arith.maximumf %parallel_loop3A_167, %parallel_loop3A_173 : vector<16xf32>
        %parallel_loop3A_248 = arith.maximumf %parallel_loop3A_179, %parallel_loop3A_185 : vector<16xf32>
        %parallel_loop3A_249 = arith.maximumf %parallel_loop3A_191, %parallel_loop3A_197 : vector<16xf32>
        %parallel_loop3A_250 = arith.maximumf %parallel_loop3A_203, %parallel_loop3A_209 : vector<16xf32>
        %parallel_loop3A_251 = arith.maximumf %parallel_loop3A_215, %parallel_loop3A_221 : vector<16xf32>
        %parallel_loop3A_252 = arith.maximumf %parallel_loop3A_227, %parallel_loop3A_233 : vector<16xf32>
        %parallel_loop3A_253 = arith.maximumf %parallel_loop3A_239, %parallel_loop3A_245 : vector<16xf32>
        %parallel_loop3A_254 = arith.maximumf %parallel_loop3A_246, %parallel_loop3A_247 : vector<16xf32>
        %parallel_loop3A_255 = arith.maximumf %parallel_loop3A_248, %parallel_loop3A_249 : vector<16xf32>
        %parallel_loop3A_256 = arith.maximumf %parallel_loop3A_250, %parallel_loop3A_251 : vector<16xf32>
        %parallel_loop3A_257 = arith.maximumf %parallel_loop3A_252, %parallel_loop3A_253 : vector<16xf32>
        %parallel_loop3A_258 = arith.maximumf %parallel_loop3A_254, %parallel_loop3A_255 : vector<16xf32>
        %parallel_loop3A_259 = arith.maximumf %parallel_loop3A_256, %parallel_loop3A_257 : vector<16xf32>
        %parallel_loop3A_260 = arith.maximumf %parallel_loop3A_258, %parallel_loop3A_259 : vector<16xf32>
        %parallel_loop3A_261 = arith.constant 16 : i32
        %parallel_loop3A_262 = arith.muli %parallel_loop3A_149, %parallel_loop3A_261 : i32
        %parallel_loop3A_263 = arith.index_cast %parallel_loop3A_262 : i32 to index
        %parallel_loop3A_264 = tpu.vector_load %arg6[%parallel_loop3A_263] {strides = array<i32>} : memref<6400xf32, #tpu.memory_space<vmem>>, vector<16xf32>,
        tpu.vector_store %arg6[%parallel_loop3A_263], %parallel_loop3A_260 {strides = array<i32>} : memref<6400xf32, #tpu.memory_space<vmem>>, vector<16xf32>,
      } {sc.loop_unroll_factor = 4 : i64, sc.parallel_access}
      %dma_wait3A_70 = arith.constant 25088 : i32
      %dma_wait3A_71 = tpu.memref_slice %arg5[%dma_wait3A_70] : memref<100096xf32, #tpu.memory_space<vmem>> -> memref<25088xf32, #tpu.memory_space<vmem>>
      %dma_wait3A_72 = tpu.memref_slice %arg2[%add3A_40] : memref<12800000xf32, #tpu.memory_space<hbm>> -> memref<25088xf32, #tpu.memory_space<hbm>>
      %dma_wait3A_73 = arith.constant 25088 : i32
      %dma_wait3A_74 = tpu.memref_slice %arg5[%dma_wait3A_73] : memref<100096xf32, #tpu.memory_space<vmem>> -> memref<25088xf32, #tpu.memory_space<vmem>>
      %dma_wait3A_75 = tpu.memref_slice %arg2[%add3A_40] : memref<12800000xf32, #tpu.memory_space<hbm>> -> memref<25088xf32, #tpu.memory_space<hbm>>
      tpu.wait_dma2 semaphore(%arg11 : memref<!tpu.dma_semaphore, #tpu.memory_space<semaphore_mem>>) src(%dma_wait3A_75 : memref<25088xf32, #tpu.memory_space<hbm>>) dst(%dma_wait3A_74 : memref<25088xf32, #tpu.memory_space<vmem>>)
      %parallel_loop3A_76 = arith.constant 98 : i32
      %parallel_loop3A_77 = arith.constant 196 : i32
      %parallel_loop3A_78 = arith.constant 1 : i32
      scf.for %parallel_loop3A_149 = %parallel_loop3A_76 to %parallel_loop3A_77 step %parallel_loop3A_78  : i32 {
        %parallel_loop3A_150 = arith.constant 256 : i32
        %parallel_loop3A_151 = arith.muli %parallel_loop3A_149, %parallel_loop3A_150 : i32
        %parallel_loop3A_152 = arith.constant 0 : i32
        %parallel_loop3A_153 = arith.addi %parallel_loop3A_151, %parallel_loop3A_152 : i32
        %parallel_loop3A_154 = arith.index_cast %parallel_loop3A_153 : i32 to index
        %parallel_loop3A_155 = tpu.vector_load %arg5[%parallel_loop3A_154] {strides = array<i32>} : memref<100096xf32, #tpu.memory_space<vmem>>, vector<16xf32>,
        %parallel_loop3A_156 = arith.constant 256 : i32
        %parallel_loop3A_157 = arith.muli %parallel_loop3A_149, %parallel_loop3A_156 : i32
        %parallel_loop3A_158 = arith.constant 16 : i32
        %parallel_loop3A_159 = arith.addi %parallel_loop3A_157, %parallel_loop3A_158 : i32
        %parallel_loop3A_160 = arith.index_cast %parallel_loop3A_159 : i32 to index
        %parallel_loop3A_161 = tpu.vector_load %arg5[%parallel_loop3A_160] {strides = array<i32>} : memref<100096xf32, #tpu.memory_space<vmem>>, vector<16xf32>,
        %parallel_loop3A_162 = arith.constant 256 : i32
        %parallel_loop3A_163 = arith.muli %parallel_loop3A_149, %parallel_loop3A_162 : i32
        %parallel_loop3A_164 = arith.constant 32 : i32
        %parallel_loop3A_165 = arith.addi %parallel_loop3A_163, %parallel_loop3A_164 : i32
        %parallel_loop3A_166 = arith.index_cast %parallel_loop3A_165 : i32 to index
        %parallel_loop3A_167 = tpu.vector_load %arg5[%parallel_loop3A_166] {strides = array<i32>} : memref<100096xf32, #tpu.memory_space<vmem>>, vector<16xf32>,
        %parallel_loop3A_168 = arith.constant 256 : i32
        %parallel_loop3A_169 = arith.muli %parallel_loop3A_149, %parallel_loop3A_168 : i32
        %parallel_loop3A_170 = arith.constant 48 : i32
        %parallel_loop3A_171 = arith.addi %parallel_loop3A_169, %parallel_loop3A_170 : i32
        %parallel_loop3A_172 = arith.index_cast %parallel_loop3A_171 : i32 to index
        %parallel_loop3A_173 = tpu.vector_load %arg5[%parallel_loop3A_172] {strides = array<i32>} : memref<100096xf32, #tpu.memory_space<vmem>>, vector<16xf32>,
        %parallel_loop3A_174 = arith.constant 256 : i32
        %parallel_loop3A_175 = arith.muli %parallel_loop3A_149, %parallel_loop3A_174 : i32
        %parallel_loop3A_176 = arith.constant 64 : i32
        %parallel_loop3A_177 = arith.addi %parallel_loop3A_175, %parallel_loop3A_176 : i32
        %parallel_loop3A_178 = arith.index_cast %parallel_loop3A_177 : i32 to index
        %parallel_loop3A_179 = tpu.vector_load %arg5[%parallel_loop3A_178] {strides = array<i32>} : memref<100096xf32, #tpu.memory_space<vmem>>, vector<16xf32>,
        %parallel_loop3A_180 = arith.constant 256 : i32
        %parallel_loop3A_181 = arith.muli %parallel_loop3A_149, %parallel_loop3A_180 : i32
        %parallel_loop3A_182 = arith.constant 80 : i32
        %parallel_loop3A_183 = arith.addi %parallel_loop3A_181, %parallel_loop3A_182 : i32
        %parallel_loop3A_184 = arith.index_cast %parallel_loop3A_183 : i32 to index
        %parallel_loop3A_185 = tpu.vector_load %arg5[%parallel_loop3A_184] {strides = array<i32>} : memref<100096xf32, #tpu.memory_space<vmem>>, vector<16xf32>,
        %parallel_loop3A_186 = arith.constant 256 : i32
        %parallel_loop3A_187 = arith.muli %parallel_loop3A_149, %parallel_loop3A_186 : i32
        %parallel_loop3A_188 = arith.constant 96 : i32
        %parallel_loop3A_189 = arith.addi %parallel_loop3A_187, %parallel_loop3A_188 : i32
        %parallel_loop3A_190 = arith.index_cast %parallel_loop3A_189 : i32 to index
        %parallel_loop3A_191 = tpu.vector_load %arg5[%parallel_loop3A_190] {strides = array<i32>} : memref<100096xf32, #tpu.memory_space<vmem>>, vector<16xf32>,
        %parallel_loop3A_192 = arith.constant 256 : i32
        %parallel_loop3A_193 = arith.muli %parallel_loop3A_149, %parallel_loop3A_192 : i32
        %parallel_loop3A_194 = arith.constant 112 : i32
        %parallel_loop3A_195 = arith.addi %parallel_loop3A_193, %parallel_loop3A_194 : i32
        %parallel_loop3A_196 = arith.index_cast %parallel_loop3A_195 : i32 to index
        %parallel_loop3A_197 = tpu.vector_load %arg5[%parallel_loop3A_196] {strides = array<i32>} : memref<100096xf32, #tpu.memory_space<vmem>>, vector<16xf32>,
        %parallel_loop3A_198 = arith.constant 256 : i32
        %parallel_loop3A_199 = arith.muli %parallel_loop3A_149, %parallel_loop3A_198 : i32
        %parallel_loop3A_200 = arith.constant 128 : i32
        %parallel_loop3A_201 = arith.addi %parallel_loop3A_199, %parallel_loop3A_200 : i32
        %parallel_loop3A_202 = arith.index_cast %parallel_loop3A_201 : i32 to index
        %parallel_loop3A_203 = tpu.vector_load %arg5[%parallel_loop3A_202] {strides = array<i32>} : memref<100096xf32, #tpu.memory_space<vmem>>, vector<16xf32>,
        %parallel_loop3A_204 = arith.constant 256 : i32
        %parallel_loop3A_205 = arith.muli %parallel_loop3A_149, %parallel_loop3A_204 : i32
        %parallel_loop3A_206 = arith.constant 144 : i32
        %parallel_loop3A_207 = arith.addi %parallel_loop3A_205, %parallel_loop3A_206 : i32
        %parallel_loop3A_208 = arith.index_cast %parallel_loop3A_207 : i32 to index
        %parallel_loop3A_209 = tpu.vector_load %arg5[%parallel_loop3A_208] {strides = array<i32>} : memref<100096xf32, #tpu.memory_space<vmem>>, vector<16xf32>,
        %parallel_loop3A_210 = arith.constant 256 : i32
        %parallel_loop3A_211 = arith.muli %parallel_loop3A_149, %parallel_loop3A_210 : i32
        %parallel_loop3A_212 = arith.constant 160 : i32
        %parallel_loop3A_213 = arith.addi %parallel_loop3A_211, %parallel_loop3A_212 : i32
        %parallel_loop3A_214 = arith.index_cast %parallel_loop3A_213 : i32 to index
        %parallel_loop3A_215 = tpu.vector_load %arg5[%parallel_loop3A_214] {strides = array<i32>} : memref<100096xf32, #tpu.memory_space<vmem>>, vector<16xf32>,
        %parallel_loop3A_216 = arith.constant 256 : i32
        %parallel_loop3A_217 = arith.muli %parallel_loop3A_149, %parallel_loop3A_216 : i32
        %parallel_loop3A_218 = arith.constant 176 : i32
        %parallel_loop3A_219 = arith.addi %parallel_loop3A_217, %parallel_loop3A_218 : i32
        %parallel_loop3A_220 = arith.index_cast %parallel_loop3A_219 : i32 to index
        %parallel_loop3A_221 = tpu.vector_load %arg5[%parallel_loop3A_220] {strides = array<i32>} : memref<100096xf32, #tpu.memory_space<vmem>>, vector<16xf32>,
        %parallel_loop3A_222 = arith.constant 256 : i32
        %parallel_loop3A_223 = arith.muli %parallel_loop3A_149, %parallel_loop3A_222 : i32
        %parallel_loop3A_224 = arith.constant 192 : i32
        %parallel_loop3A_225 = arith.addi %parallel_loop3A_223, %parallel_loop3A_224 : i32
        %parallel_loop3A_226 = arith.index_cast %parallel_loop3A_225 : i32 to index
        %parallel_loop3A_227 = tpu.vector_load %arg5[%parallel_loop3A_226] {strides = array<i32>} : memref<100096xf32, #tpu.memory_space<vmem>>, vector<16xf32>,
        %parallel_loop3A_228 = arith.constant 256 : i32
        %parallel_loop3A_229 = arith.muli %parallel_loop3A_149, %parallel_loop3A_228 : i32
        %parallel_loop3A_230 = arith.constant 208 : i32
        %parallel_loop3A_231 = arith.addi %parallel_loop3A_229, %parallel_loop3A_230 : i32
        %parallel_loop3A_232 = arith.index_cast %parallel_loop3A_231 : i32 to index
        %parallel_loop3A_233 = tpu.vector_load %arg5[%parallel_loop3A_232] {strides = array<i32>} : memref<100096xf32, #tpu.memory_space<vmem>>, vector<16xf32>,
        %parallel_loop3A_234 = arith.constant 256 : i32
        %parallel_loop3A_235 = arith.muli %parallel_loop3A_149, %parallel_loop3A_234 : i32
        %parallel_loop3A_236 = arith.constant 224 : i32
        %parallel_loop3A_237 = arith.addi %parallel_loop3A_235, %parallel_loop3A_236 : i32
        %parallel_loop3A_238 = arith.index_cast %parallel_loop3A_237 : i32 to index
        %parallel_loop3A_239 = tpu.vector_load %arg5[%parallel_loop3A_238] {strides = array<i32>} : memref<100096xf32, #tpu.memory_space<vmem>>, vector<16xf32>,
        %parallel_loop3A_240 = arith.constant 256 : i32
        %parallel_loop3A_241 = arith.muli %parallel_loop3A_149, %parallel_loop3A_240 : i32
        %parallel_loop3A_242 = arith.constant 240 : i32
        %parallel_loop3A_243 = arith.addi %parallel_loop3A_241, %parallel_loop3A_242 : i32
        %parallel_loop3A_244 = arith.index_cast %parallel_loop3A_243 : i32 to index
        %parallel_loop3A_245 = tpu.vector_load %arg5[%parallel_loop3A_244] {strides = array<i32>} : memref<100096xf32, #tpu.memory_space<vmem>>, vector<16xf32>,
        %parallel_loop3A_246 = arith.maximumf %parallel_loop3A_155, %parallel_loop3A_161 : vector<16xf32>
        %parallel_loop3A_247 = arith.maximumf %parallel_loop3A_167, %parallel_loop3A_173 : vector<16xf32>
        %parallel_loop3A_248 = arith.maximumf %parallel_loop3A_179, %parallel_loop3A_185 : vector<16xf32>
        %parallel_loop3A_249 = arith.maximumf %parallel_loop3A_191, %parallel_loop3A_197 : vector<16xf32>
        %parallel_loop3A_250 = arith.maximumf %parallel_loop3A_203, %parallel_loop3A_209 : vector<16xf32>
        %parallel_loop3A_251 = arith.maximumf %parallel_loop3A_215, %parallel_loop3A_221 : vector<16xf32>
        %parallel_loop3A_252 = arith.maximumf %parallel_loop3A_227, %parallel_loop3A_233 : vector<16xf32>
        %parallel_loop3A_253 = arith.maximumf %parallel_loop3A_239, %parallel_loop3A_245 : vector<16xf32>
        %parallel_loop3A_254 = arith.maximumf %parallel_loop3A_246, %parallel_loop3A_247 : vector<16xf32>
        %parallel_loop3A_255 = arith.maximumf %parallel_loop3A_248, %parallel_loop3A_249 : vector<16xf32>
        %parallel_loop3A_256 = arith.maximumf %parallel_loop3A_250, %parallel_loop3A_251 : vector<16xf32>
        %parallel_loop3A_257 = arith.maximumf %parallel_loop3A_252, %parallel_loop3A_253 : vector<16xf32>
        %parallel_loop3A_258 = arith.maximumf %parallel_loop3A_254, %parallel_loop3A_255 : vector<16xf32>
        %parallel_loop3A_259 = arith.maximumf %parallel_loop3A_256, %parallel_loop3A_257 : vector<16xf32>
        %parallel_loop3A_260 = arith.maximumf %parallel_loop3A_258, %parallel_loop3A_259 : vector<16xf32>
        %parallel_loop3A_261 = arith.constant 16 : i32
        %parallel_loop3A_262 = arith.muli %parallel_loop3A_149, %parallel_loop3A_261 : i32
        %parallel_loop3A_263 = arith.index_cast %parallel_loop3A_262 : i32 to index
        %parallel_loop3A_264 = tpu.vector_load %arg6[%parallel_loop3A_263] {strides = array<i32>} : memref<6400xf32, #tpu.memory_space<vmem>>, vector<16xf32>,
        tpu.vector_store %arg6[%parallel_loop3A_263], %parallel_loop3A_260 {strides = array<i32>} : memref<6400xf32, #tpu.memory_space<vmem>>, vector<16xf32>,
      } {sc.loop_unroll_factor = 4 : i64, sc.parallel_access}
      %dma_wait3A_79 = arith.constant 50176 : i32
      %dma_wait3A_80 = tpu.memref_slice %arg5[%dma_wait3A_79] : memref<100096xf32, #tpu.memory_space<vmem>> -> memref<25088xf32, #tpu.memory_space<vmem>>
      %dma_wait3A_81 = tpu.memref_slice %arg2[%add3A_48] : memref<12800000xf32, #tpu.memory_space<hbm>> -> memref<25088xf32, #tpu.memory_space<hbm>>
      %dma_wait3A_82 = arith.constant 50176 : i32
      %dma_wait3A_83 = tpu.memref_slice %arg5[%dma_wait3A_82] : memref<100096xf32, #tpu.memory_space<vmem>> -> memref<25088xf32, #tpu.memory_space<vmem>>
      %dma_wait3A_84 = tpu.memref_slice %arg2[%add3A_48] : memref<12800000xf32, #tpu.memory_space<hbm>> -> memref<25088xf32, #tpu.memory_space<hbm>>
      tpu.wait_dma2 semaphore(%arg12 : memref<!tpu.dma_semaphore, #tpu.memory_space<semaphore_mem>>) src(%dma_wait3A_84 : memref<25088xf32, #tpu.memory_space<hbm>>) dst(%dma_wait3A_83 : memref<25088xf32, #tpu.memory_space<vmem>>)
      %parallel_loop3A_85 = arith.constant 196 : i32
      %parallel_loop3A_86 = arith.constant 294 : i32
      %parallel_loop3A_87 = arith.constant 1 : i32
      scf.for %parallel_loop3A_149 = %parallel_loop3A_85 to %parallel_loop3A_86 step %parallel_loop3A_87  : i32 {
        %parallel_loop3A_150 = arith.constant 256 : i32
        %parallel_loop3A_151 = arith.muli %parallel_loop3A_149, %parallel_loop3A_150 : i32
        %parallel_loop3A_152 = arith.constant 0 : i32
        %parallel_loop3A_153 = arith.addi %parallel_loop3A_151, %parallel_loop3A_152 : i32
        %parallel_loop3A_154 = arith.index_cast %parallel_loop3A_153 : i32 to index
        %parallel_loop3A_155 = tpu.vector_load %arg5[%parallel_loop3A_154] {strides = array<i32>} : memref<100096xf32, #tpu.memory_space<vmem>>, vector<16xf32>,
        %parallel_loop3A_156 = arith.constant 256 : i32
        %parallel_loop3A_157 = arith.muli %parallel_loop3A_149, %parallel_loop3A_156 : i32
        %parallel_loop3A_158 = arith.constant 16 : i32
        %parallel_loop3A_159 = arith.addi %parallel_loop3A_157, %parallel_loop3A_158 : i32
        %parallel_loop3A_160 = arith.index_cast %parallel_loop3A_159 : i32 to index
        %parallel_loop3A_161 = tpu.vector_load %arg5[%parallel_loop3A_160] {strides = array<i32>} : memref<100096xf32, #tpu.memory_space<vmem>>, vector<16xf32>,
        %parallel_loop3A_162 = arith.constant 256 : i32
        %parallel_loop3A_163 = arith.muli %parallel_loop3A_149, %parallel_loop3A_162 : i32
        %parallel_loop3A_164 = arith.constant 32 : i32
        %parallel_loop3A_165 = arith.addi %parallel_loop3A_163, %parallel_loop3A_164 : i32
        %parallel_loop3A_166 = arith.index_cast %parallel_loop3A_165 : i32 to index
        %parallel_loop3A_167 = tpu.vector_load %arg5[%parallel_loop3A_166] {strides = array<i32>} : memref<100096xf32, #tpu.memory_space<vmem>>, vector<16xf32>,
        %parallel_loop3A_168 = arith.constant 256 : i32
        %parallel_loop3A_169 = arith.muli %parallel_loop3A_149, %parallel_loop3A_168 : i32
        %parallel_loop3A_170 = arith.constant 48 : i32
        %parallel_loop3A_171 = arith.addi %parallel_loop3A_169, %parallel_loop3A_170 : i32
        %parallel_loop3A_172 = arith.index_cast %parallel_loop3A_171 : i32 to index
        %parallel_loop3A_173 = tpu.vector_load %arg5[%parallel_loop3A_172] {strides = array<i32>} : memref<100096xf32, #tpu.memory_space<vmem>>, vector<16xf32>,
        %parallel_loop3A_174 = arith.constant 256 : i32
        %parallel_loop3A_175 = arith.muli %parallel_loop3A_149, %parallel_loop3A_174 : i32
        %parallel_loop3A_176 = arith.constant 64 : i32
        %parallel_loop3A_177 = arith.addi %parallel_loop3A_175, %parallel_loop3A_176 : i32
        %parallel_loop3A_178 = arith.index_cast %parallel_loop3A_177 : i32 to index
        %parallel_loop3A_179 = tpu.vector_load %arg5[%parallel_loop3A_178] {strides = array<i32>} : memref<100096xf32, #tpu.memory_space<vmem>>, vector<16xf32>,
        %parallel_loop3A_180 = arith.constant 256 : i32
        %parallel_loop3A_181 = arith.muli %parallel_loop3A_149, %parallel_loop3A_180 : i32
        %parallel_loop3A_182 = arith.constant 80 : i32
        %parallel_loop3A_183 = arith.addi %parallel_loop3A_181, %parallel_loop3A_182 : i32
        %parallel_loop3A_184 = arith.index_cast %parallel_loop3A_183 : i32 to index
        %parallel_loop3A_185 = tpu.vector_load %arg5[%parallel_loop3A_184] {strides = array<i32>} : memref<100096xf32, #tpu.memory_space<vmem>>, vector<16xf32>,
        %parallel_loop3A_186 = arith.constant 256 : i32
        %parallel_loop3A_187 = arith.muli %parallel_loop3A_149, %parallel_loop3A_186 : i32
        %parallel_loop3A_188 = arith.constant 96 : i32
        %parallel_loop3A_189 = arith.addi %parallel_loop3A_187, %parallel_loop3A_188 : i32
        %parallel_loop3A_190 = arith.index_cast %parallel_loop3A_189 : i32 to index
        %parallel_loop3A_191 = tpu.vector_load %arg5[%parallel_loop3A_190] {strides = array<i32>} : memref<100096xf32, #tpu.memory_space<vmem>>, vector<16xf32>,
        %parallel_loop3A_192 = arith.constant 256 : i32
        %parallel_loop3A_193 = arith.muli %parallel_loop3A_149, %parallel_loop3A_192 : i32
        %parallel_loop3A_194 = arith.constant 112 : i32
        %parallel_loop3A_195 = arith.addi %parallel_loop3A_193, %parallel_loop3A_194 : i32
        %parallel_loop3A_196 = arith.index_cast %parallel_loop3A_195 : i32 to index
        %parallel_loop3A_197 = tpu.vector_load %arg5[%parallel_loop3A_196] {strides = array<i32>} : memref<100096xf32, #tpu.memory_space<vmem>>, vector<16xf32>,
        %parallel_loop3A_198 = arith.constant 256 : i32
        %parallel_loop3A_199 = arith.muli %parallel_loop3A_149, %parallel_loop3A_198 : i32
        %parallel_loop3A_200 = arith.constant 128 : i32
        %parallel_loop3A_201 = arith.addi %parallel_loop3A_199, %parallel_loop3A_200 : i32
        %parallel_loop3A_202 = arith.index_cast %parallel_loop3A_201 : i32 to index
        %parallel_loop3A_203 = tpu.vector_load %arg5[%parallel_loop3A_202] {strides = array<i32>} : memref<100096xf32, #tpu.memory_space<vmem>>, vector<16xf32>,
        %parallel_loop3A_204 = arith.constant 256 : i32
        %parallel_loop3A_205 = arith.muli %parallel_loop3A_149, %parallel_loop3A_204 : i32
        %parallel_loop3A_206 = arith.constant 144 : i32
        %parallel_loop3A_207 = arith.addi %parallel_loop3A_205, %parallel_loop3A_206 : i32
        %parallel_loop3A_208 = arith.index_cast %parallel_loop3A_207 : i32 to index
        %parallel_loop3A_209 = tpu.vector_load %arg5[%parallel_loop3A_208] {strides = array<i32>} : memref<100096xf32, #tpu.memory_space<vmem>>, vector<16xf32>,
        %parallel_loop3A_210 = arith.constant 256 : i32
        %parallel_loop3A_211 = arith.muli %parallel_loop3A_149, %parallel_loop3A_210 : i32
        %parallel_loop3A_212 = arith.constant 160 : i32
        %parallel_loop3A_213 = arith.addi %parallel_loop3A_211, %parallel_loop3A_212 : i32
        %parallel_loop3A_214 = arith.index_cast %parallel_loop3A_213 : i32 to index
        %parallel_loop3A_215 = tpu.vector_load %arg5[%parallel_loop3A_214] {strides = array<i32>} : memref<100096xf32, #tpu.memory_space<vmem>>, vector<16xf32>,
        %parallel_loop3A_216 = arith.constant 256 : i32
        %parallel_loop3A_217 = arith.muli %parallel_loop3A_149, %parallel_loop3A_216 : i32
        %parallel_loop3A_218 = arith.constant 176 : i32
        %parallel_loop3A_219 = arith.addi %parallel_loop3A_217, %parallel_loop3A_218 : i32
        %parallel_loop3A_220 = arith.index_cast %parallel_loop3A_219 : i32 to index
        %parallel_loop3A_221 = tpu.vector_load %arg5[%parallel_loop3A_220] {strides = array<i32>} : memref<100096xf32, #tpu.memory_space<vmem>>, vector<16xf32>,
        %parallel_loop3A_222 = arith.constant 256 : i32
        %parallel_loop3A_223 = arith.muli %parallel_loop3A_149, %parallel_loop3A_222 : i32
        %parallel_loop3A_224 = arith.constant 192 : i32
        %parallel_loop3A_225 = arith.addi %parallel_loop3A_223, %parallel_loop3A_224 : i32
        %parallel_loop3A_226 = arith.index_cast %parallel_loop3A_225 : i32 to index
        %parallel_loop3A_227 = tpu.vector_load %arg5[%parallel_loop3A_226] {strides = array<i32>} : memref<100096xf32, #tpu.memory_space<vmem>>, vector<16xf32>,
        %parallel_loop3A_228 = arith.constant 256 : i32
        %parallel_loop3A_229 = arith.muli %parallel_loop3A_149, %parallel_loop3A_228 : i32
        %parallel_loop3A_230 = arith.constant 208 : i32
        %parallel_loop3A_231 = arith.addi %parallel_loop3A_229, %parallel_loop3A_230 : i32
        %parallel_loop3A_232 = arith.index_cast %parallel_loop3A_231 : i32 to index
        %parallel_loop3A_233 = tpu.vector_load %arg5[%parallel_loop3A_232] {strides = array<i32>} : memref<100096xf32, #tpu.memory_space<vmem>>, vector<16xf32>,
        %parallel_loop3A_234 = arith.constant 256 : i32
        %parallel_loop3A_235 = arith.muli %parallel_loop3A_149, %parallel_loop3A_234 : i32
        %parallel_loop3A_236 = arith.constant 224 : i32
        %parallel_loop3A_237 = arith.addi %parallel_loop3A_235, %parallel_loop3A_236 : i32
        %parallel_loop3A_238 = arith.index_cast %parallel_loop3A_237 : i32 to index
        %parallel_loop3A_239 = tpu.vector_load %arg5[%parallel_loop3A_238] {strides = array<i32>} : memref<100096xf32, #tpu.memory_space<vmem>>, vector<16xf32>,
        %parallel_loop3A_240 = arith.constant 256 : i32
        %parallel_loop3A_241 = arith.muli %parallel_loop3A_149, %parallel_loop3A_240 : i32
        %parallel_loop3A_242 = arith.constant 240 : i32
        %parallel_loop3A_243 = arith.addi %parallel_loop3A_241, %parallel_loop3A_242 : i32
        %parallel_loop3A_244 = arith.index_cast %parallel_loop3A_243 : i32 to index
        %parallel_loop3A_245 = tpu.vector_load %arg5[%parallel_loop3A_244] {strides = array<i32>} : memref<100096xf32, #tpu.memory_space<vmem>>, vector<16xf32>,
        %parallel_loop3A_246 = arith.maximumf %parallel_loop3A_155, %parallel_loop3A_161 : vector<16xf32>
        %parallel_loop3A_247 = arith.maximumf %parallel_loop3A_167, %parallel_loop3A_173 : vector<16xf32>
        %parallel_loop3A_248 = arith.maximumf %parallel_loop3A_179, %parallel_loop3A_185 : vector<16xf32>
        %parallel_loop3A_249 = arith.maximumf %parallel_loop3A_191, %parallel_loop3A_197 : vector<16xf32>
        %parallel_loop3A_250 = arith.maximumf %parallel_loop3A_203, %parallel_loop3A_209 : vector<16xf32>
        %parallel_loop3A_251 = arith.maximumf %parallel_loop3A_215, %parallel_loop3A_221 : vector<16xf32>
        %parallel_loop3A_252 = arith.maximumf %parallel_loop3A_227, %parallel_loop3A_233 : vector<16xf32>
        %parallel_loop3A_253 = arith.maximumf %parallel_loop3A_239, %parallel_loop3A_245 : vector<16xf32>
        %parallel_loop3A_254 = arith.maximumf %parallel_loop3A_246, %parallel_loop3A_247 : vector<16xf32>
        %parallel_loop3A_255 = arith.maximumf %parallel_loop3A_248, %parallel_loop3A_249 : vector<16xf32>
        %parallel_loop3A_256 = arith.maximumf %parallel_loop3A_250, %parallel_loop3A_251 : vector<16xf32>
        %parallel_loop3A_257 = arith.maximumf %parallel_loop3A_252, %parallel_loop3A_253 : vector<16xf32>
        %parallel_loop3A_258 = arith.maximumf %parallel_loop3A_254, %parallel_loop3A_255 : vector<16xf32>
        %parallel_loop3A_259 = arith.maximumf %parallel_loop3A_256, %parallel_loop3A_257 : vector<16xf32>
        %parallel_loop3A_260 = arith.maximumf %parallel_loop3A_258, %parallel_loop3A_259 : vector<16xf32>
        %parallel_loop3A_261 = arith.constant 16 : i32
        %parallel_loop3A_262 = arith.muli %parallel_loop3A_149, %parallel_loop3A_261 : i32
        %parallel_loop3A_263 = arith.index_cast %parallel_loop3A_262 : i32 to index
        %parallel_loop3A_264 = tpu.vector_load %arg6[%parallel_loop3A_263] {strides = array<i32>} : memref<6400xf32, #tpu.memory_space<vmem>>, vector<16xf32>,
        tpu.vector_store %arg6[%parallel_loop3A_263], %parallel_loop3A_260 {strides = array<i32>} : memref<6400xf32, #tpu.memory_space<vmem>>, vector<16xf32>,
      } {sc.loop_unroll_factor = 4 : i64, sc.parallel_access}
      %dma_wait3A_88 = arith.constant 75264 : i32
      %dma_wait3A_89 = tpu.memref_slice %arg5[%dma_wait3A_88] : memref<100096xf32, #tpu.memory_space<vmem>> -> memref<24736xf32, #tpu.memory_space<vmem>>
      %dma_wait3A_90 = tpu.memref_slice %arg2[%add3A_56] : memref<12800000xf32, #tpu.memory_space<hbm>> -> memref<24736xf32, #tpu.memory_space<hbm>>
      %dma_wait3A_91 = arith.constant 75264 : i32
      %dma_wait3A_92 = tpu.memref_slice %arg5[%dma_wait3A_91] : memref<100096xf32, #tpu.memory_space<vmem>> -> memref<24736xf32, #tpu.memory_space<vmem>>
      %dma_wait3A_93 = tpu.memref_slice %arg2[%add3A_56] : memref<12800000xf32, #tpu.memory_space<hbm>> -> memref<24736xf32, #tpu.memory_space<hbm>>
      tpu.wait_dma2 semaphore(%arg13 : memref<!tpu.dma_semaphore, #tpu.memory_space<semaphore_mem>>) src(%dma_wait3A_93 : memref<24736xf32, #tpu.memory_space<hbm>>) dst(%dma_wait3A_92 : memref<24736xf32, #tpu.memory_space<vmem>>)
      %swap3A_94 = arith.constant 100000 : index
      %swap3A_95 = tpu.vector_load %arg5[%swap3A_94] {strides = array<i32>} : memref<100096xf32, #tpu.memory_space<vmem>>, vector<16xf32>,
      tpu.vector_store %arg5[%swap3A_94], %broadcast_in_dim3A_1 {strides = array<i32>} : memref<100096xf32, #tpu.memory_space<vmem>>, vector<16xf32>,
      %swap3A_96 = arith.constant 100016 : index
      %swap3A_97 = tpu.vector_load %arg5[%swap3A_96] {strides = array<i32>} : memref<100096xf32, #tpu.memory_space<vmem>>, vector<16xf32>,
      tpu.vector_store %arg5[%swap3A_96], %broadcast_in_dim3A_1 {strides = array<i32>} : memref<100096xf32, #tpu.memory_space<vmem>>, vector<16xf32>,
      %swap3A_98 = arith.constant 100032 : index
      %swap3A_99 = tpu.vector_load %arg5[%swap3A_98] {strides = array<i32>} : memref<100096xf32, #tpu.memory_space<vmem>>, vector<16xf32>,
      tpu.vector_store %arg5[%swap3A_98], %broadcast_in_dim3A_1 {strides = array<i32>} : memref<100096xf32, #tpu.memory_space<vmem>>, vector<16xf32>,
      %swap3A_100 = arith.constant 100048 : index
      %swap3A_101 = tpu.vector_load %arg5[%swap3A_100] {strides = array<i32>} : memref<100096xf32, #tpu.memory_space<vmem>>, vector<16xf32>,
      tpu.vector_store %arg5[%swap3A_100], %broadcast_in_dim3A_1 {strides = array<i32>} : memref<100096xf32, #tpu.memory_space<vmem>>, vector<16xf32>,
      %swap3A_102 = arith.constant 100064 : index
      %swap3A_103 = tpu.vector_load %arg5[%swap3A_102] {strides = array<i32>} : memref<100096xf32, #tpu.memory_space<vmem>>, vector<16xf32>,
      tpu.vector_store %arg5[%swap3A_102], %broadcast_in_dim3A_1 {strides = array<i32>} : memref<100096xf32, #tpu.memory_space<vmem>>, vector<16xf32>,
      %swap3A_104 = arith.constant 100080 : index
      %swap3A_105 = tpu.vector_load %arg5[%swap3A_104] {strides = array<i32>} : memref<100096xf32, #tpu.memory_space<vmem>>, vector<16xf32>,
      tpu.vector_store %arg5[%swap3A_104], %broadcast_in_dim3A_1 {strides = array<i32>} : memref<100096xf32, #tpu.memory_space<vmem>>, vector<16xf32>,
      %parallel_loop3A_106 = arith.constant 294 : i32
      %parallel_loop3A_107 = arith.constant 391 : i32
      %parallel_loop3A_108 = arith.constant 1 : i32
      scf.for %parallel_loop3A_149 = %parallel_loop3A_106 to %parallel_loop3A_107 step %parallel_loop3A_108  : i32 {
        %parallel_loop3A_150 = arith.constant 256 : i32
        %parallel_loop3A_151 = arith.muli %parallel_loop3A_149, %parallel_loop3A_150 : i32
        %parallel_loop3A_152 = arith.constant 0 : i32
        %parallel_loop3A_153 = arith.addi %parallel_loop3A_151, %parallel_loop3A_152 : i32
        %parallel_loop3A_154 = arith.index_cast %parallel_loop3A_153 : i32 to index
        %parallel_loop3A_155 = tpu.vector_load %arg5[%parallel_loop3A_154] {strides = array<i32>} : memref<100096xf32, #tpu.memory_space<vmem>>, vector<16xf32>,
        %parallel_loop3A_156 = arith.constant 256 : i32
        %parallel_loop3A_157 = arith.muli %parallel_loop3A_149, %parallel_loop3A_156 : i32
        %parallel_loop3A_158 = arith.constant 16 : i32
        %parallel_loop3A_159 = arith.addi %parallel_loop3A_157, %parallel_loop3A_158 : i32
        %parallel_loop3A_160 = arith.index_cast %parallel_loop3A_159 : i32 to index
        %parallel_loop3A_161 = tpu.vector_load %arg5[%parallel_loop3A_160] {strides = array<i32>} : memref<100096xf32, #tpu.memory_space<vmem>>, vector<16xf32>,
        %parallel_loop3A_162 = arith.constant 256 : i32
        %parallel_loop3A_163 = arith.muli %parallel_loop3A_149, %parallel_loop3A_162 : i32
        %parallel_loop3A_164 = arith.constant 32 : i32
        %parallel_loop3A_165 = arith.addi %parallel_loop3A_163, %parallel_loop3A_164 : i32
        %parallel_loop3A_166 = arith.index_cast %parallel_loop3A_165 : i32 to index
        %parallel_loop3A_167 = tpu.vector_load %arg5[%parallel_loop3A_166] {strides = array<i32>} : memref<100096xf32, #tpu.memory_space<vmem>>, vector<16xf32>,
        %parallel_loop3A_168 = arith.constant 256 : i32
        %parallel_loop3A_169 = arith.muli %parallel_loop3A_149, %parallel_loop3A_168 : i32
        %parallel_loop3A_170 = arith.constant 48 : i32
        %parallel_loop3A_171 = arith.addi %parallel_loop3A_169, %parallel_loop3A_170 : i32
        %parallel_loop3A_172 = arith.index_cast %parallel_loop3A_171 : i32 to index
        %parallel_loop3A_173 = tpu.vector_load %arg5[%parallel_loop3A_172] {strides = array<i32>} : memref<100096xf32, #tpu.memory_space<vmem>>, vector<16xf32>,
        %parallel_loop3A_174 = arith.constant 256 : i32
        %parallel_loop3A_175 = arith.muli %parallel_loop3A_149, %parallel_loop3A_174 : i32
        %parallel_loop3A_176 = arith.constant 64 : i32
        %parallel_loop3A_177 = arith.addi %parallel_loop3A_175, %parallel_loop3A_176 : i32
        %parallel_loop3A_178 = arith.index_cast %parallel_loop3A_177 : i32 to index
        %parallel_loop3A_179 = tpu.vector_load %arg5[%parallel_loop3A_178] {strides = array<i32>} : memref<100096xf32, #tpu.memory_space<vmem>>, vector<16xf32>,
        %parallel_loop3A_180 = arith.constant 256 : i32
        %parallel_loop3A_181 = arith.muli %parallel_loop3A_149, %parallel_loop3A_180 : i32
        %parallel_loop3A_182 = arith.constant 80 : i32
        %parallel_loop3A_183 = arith.addi %parallel_loop3A_181, %parallel_loop3A_182 : i32
        %parallel_loop3A_184 = arith.index_cast %parallel_loop3A_183 : i32 to index
        %parallel_loop3A_185 = tpu.vector_load %arg5[%parallel_loop3A_184] {strides = array<i32>} : memref<100096xf32, #tpu.memory_space<vmem>>, vector<16xf32>,
        %parallel_loop3A_186 = arith.constant 256 : i32
        %parallel_loop3A_187 = arith.muli %parallel_loop3A_149, %parallel_loop3A_186 : i32
        %parallel_loop3A_188 = arith.constant 96 : i32
        %parallel_loop3A_189 = arith.addi %parallel_loop3A_187, %parallel_loop3A_188 : i32
        %parallel_loop3A_190 = arith.index_cast %parallel_loop3A_189 : i32 to index
        %parallel_loop3A_191 = tpu.vector_load %arg5[%parallel_loop3A_190] {strides = array<i32>} : memref<100096xf32, #tpu.memory_space<vmem>>, vector<16xf32>,
        %parallel_loop3A_192 = arith.constant 256 : i32
        %parallel_loop3A_193 = arith.muli %parallel_loop3A_149, %parallel_loop3A_192 : i32
        %parallel_loop3A_194 = arith.constant 112 : i32
        %parallel_loop3A_195 = arith.addi %parallel_loop3A_193, %parallel_loop3A_194 : i32
        %parallel_loop3A_196 = arith.index_cast %parallel_loop3A_195 : i32 to index
        %parallel_loop3A_197 = tpu.vector_load %arg5[%parallel_loop3A_196] {strides = array<i32>} : memref<100096xf32, #tpu.memory_space<vmem>>, vector<16xf32>,
        %parallel_loop3A_198 = arith.constant 256 : i32
        %parallel_loop3A_199 = arith.muli %parallel_loop3A_149, %parallel_loop3A_198 : i32
        %parallel_loop3A_200 = arith.constant 128 : i32
        %parallel_loop3A_201 = arith.addi %parallel_loop3A_199, %parallel_loop3A_200 : i32
        %parallel_loop3A_202 = arith.index_cast %parallel_loop3A_201 : i32 to index
        %parallel_loop3A_203 = tpu.vector_load %arg5[%parallel_loop3A_202] {strides = array<i32>} : memref<100096xf32, #tpu.memory_space<vmem>>, vector<16xf32>,
        %parallel_loop3A_204 = arith.constant 256 : i32
        %parallel_loop3A_205 = arith.muli %parallel_loop3A_149, %parallel_loop3A_204 : i32
        %parallel_loop3A_206 = arith.constant 144 : i32
        %parallel_loop3A_207 = arith.addi %parallel_loop3A_205, %parallel_loop3A_206 : i32
        %parallel_loop3A_208 = arith.index_cast %parallel_loop3A_207 : i32 to index
        %parallel_loop3A_209 = tpu.vector_load %arg5[%parallel_loop3A_208] {strides = array<i32>} : memref<100096xf32, #tpu.memory_space<vmem>>, vector<16xf32>,
        %parallel_loop3A_210 = arith.constant 256 : i32
        %parallel_loop3A_211 = arith.muli %parallel_loop3A_149, %parallel_loop3A_210 : i32
        %parallel_loop3A_212 = arith.constant 160 : i32
        %parallel_loop3A_213 = arith.addi %parallel_loop3A_211, %parallel_loop3A_212 : i32
        %parallel_loop3A_214 = arith.index_cast %parallel_loop3A_213 : i32 to index
        %parallel_loop3A_215 = tpu.vector_load %arg5[%parallel_loop3A_214] {strides = array<i32>} : memref<100096xf32, #tpu.memory_space<vmem>>, vector<16xf32>,
        %parallel_loop3A_216 = arith.constant 256 : i32
        %parallel_loop3A_217 = arith.muli %parallel_loop3A_149, %parallel_loop3A_216 : i32
        %parallel_loop3A_218 = arith.constant 176 : i32
        %parallel_loop3A_219 = arith.addi %parallel_loop3A_217, %parallel_loop3A_218 : i32
        %parallel_loop3A_220 = arith.index_cast %parallel_loop3A_219 : i32 to index
        %parallel_loop3A_221 = tpu.vector_load %arg5[%parallel_loop3A_220] {strides = array<i32>} : memref<100096xf32, #tpu.memory_space<vmem>>, vector<16xf32>,
        %parallel_loop3A_222 = arith.constant 256 : i32
        %parallel_loop3A_223 = arith.muli %parallel_loop3A_149, %parallel_loop3A_222 : i32
        %parallel_loop3A_224 = arith.constant 192 : i32
        %parallel_loop3A_225 = arith.addi %parallel_loop3A_223, %parallel_loop3A_224 : i32
        %parallel_loop3A_226 = arith.index_cast %parallel_loop3A_225 : i32 to index
        %parallel_loop3A_227 = tpu.vector_load %arg5[%parallel_loop3A_226] {strides = array<i32>} : memref<100096xf32, #tpu.memory_space<vmem>>, vector<16xf32>,
        %parallel_loop3A_228 = arith.constant 256 : i32
        %parallel_loop3A_229 = arith.muli %parallel_loop3A_149, %parallel_loop3A_228 : i32
        %parallel_loop3A_230 = arith.constant 208 : i32
        %parallel_loop3A_231 = arith.addi %parallel_loop3A_229, %parallel_loop3A_230 : i32
        %parallel_loop3A_232 = arith.index_cast %parallel_loop3A_231 : i32 to index
        %parallel_loop3A_233 = tpu.vector_load %arg5[%parallel_loop3A_232] {strides = array<i32>} : memref<100096xf32, #tpu.memory_space<vmem>>, vector<16xf32>,
        %parallel_loop3A_234 = arith.constant 256 : i32
        %parallel_loop3A_235 = arith.muli %parallel_loop3A_149, %parallel_loop3A_234 : i32
        %parallel_loop3A_236 = arith.constant 224 : i32
        %parallel_loop3A_237 = arith.addi %parallel_loop3A_235, %parallel_loop3A_236 : i32
        %parallel_loop3A_238 = arith.index_cast %parallel_loop3A_237 : i32 to index
        %parallel_loop3A_239 = tpu.vector_load %arg5[%parallel_loop3A_238] {strides = array<i32>} : memref<100096xf32, #tpu.memory_space<vmem>>, vector<16xf32>,
        %parallel_loop3A_240 = arith.constant 256 : i32
        %parallel_loop3A_241 = arith.muli %parallel_loop3A_149, %parallel_loop3A_240 : i32
        %parallel_loop3A_242 = arith.constant 240 : i32
        %parallel_loop3A_243 = arith.addi %parallel_loop3A_241, %parallel_loop3A_242 : i32
        %parallel_loop3A_244 = arith.index_cast %parallel_loop3A_243 : i32 to index
        %parallel_loop3A_245 = tpu.vector_load %arg5[%parallel_loop3A_244] {strides = array<i32>} : memref<100096xf32, #tpu.memory_space<vmem>>, vector<16xf32>,
        %parallel_loop3A_246 = arith.maximumf %parallel_loop3A_155, %parallel_loop3A_161 : vector<16xf32>
        %parallel_loop3A_247 = arith.maximumf %parallel_loop3A_167, %parallel_loop3A_173 : vector<16xf32>
        %parallel_loop3A_248 = arith.maximumf %parallel_loop3A_179, %parallel_loop3A_185 : vector<16xf32>
        %parallel_loop3A_249 = arith.maximumf %parallel_loop3A_191, %parallel_loop3A_197 : vector<16xf32>
        %parallel_loop3A_250 = arith.maximumf %parallel_loop3A_203, %parallel_loop3A_209 : vector<16xf32>
        %parallel_loop3A_251 = arith.maximumf %parallel_loop3A_215, %parallel_loop3A_221 : vector<16xf32>
        %parallel_loop3A_252 = arith.maximumf %parallel_loop3A_227, %parallel_loop3A_233 : vector<16xf32>
        %parallel_loop3A_253 = arith.maximumf %parallel_loop3A_239, %parallel_loop3A_245 : vector<16xf32>
        %parallel_loop3A_254 = arith.maximumf %parallel_loop3A_246, %parallel_loop3A_247 : vector<16xf32>
        %parallel_loop3A_255 = arith.maximumf %parallel_loop3A_248, %parallel_loop3A_249 : vector<16xf32>
        %parallel_loop3A_256 = arith.maximumf %parallel_loop3A_250, %parallel_loop3A_251 : vector<16xf32>
        %parallel_loop3A_257 = arith.maximumf %parallel_loop3A_252, %parallel_loop3A_253 : vector<16xf32>
        %parallel_loop3A_258 = arith.maximumf %parallel_loop3A_254, %parallel_loop3A_255 : vector<16xf32>
        %parallel_loop3A_259 = arith.maximumf %parallel_loop3A_256, %parallel_loop3A_257 : vector<16xf32>
        %parallel_loop3A_260 = arith.maximumf %parallel_loop3A_258, %parallel_loop3A_259 : vector<16xf32>
        %parallel_loop3A_261 = arith.constant 16 : i32
        %parallel_loop3A_262 = arith.muli %parallel_loop3A_149, %parallel_loop3A_261 : i32
        %parallel_loop3A_263 = arith.index_cast %parallel_loop3A_262 : i32 to index
        %parallel_loop3A_264 = tpu.vector_load %arg6[%parallel_loop3A_263] {strides = array<i32>} : memref<6400xf32, #tpu.memory_space<vmem>>, vector<16xf32>,
        tpu.vector_store %arg6[%parallel_loop3A_263], %parallel_loop3A_260 {strides = array<i32>} : memref<6400xf32, #tpu.memory_space<vmem>>, vector<16xf32>,
      } {sc.loop_unroll_factor = 4 : i64, sc.parallel_access}
      %scan3A_109 = arith.constant 0 : i32
      %scan3A_110 = arith.constant 0 : i32
      %scan3A_111 = arith.constant 25 : i32
      %scan3A_112 = arith.addi %scan3A_110, %scan3A_111 : i32
      %scan3A_113 = arith.constant 1 : i32
      scf.for %scan3A_149 = %scan3A_110 to %scan3A_112 step %scan3A_113  : i32 {
        %mul3A_150 = arith.constant 256 : i32
        %mul3A_151 = arith.muli %scan3A_149, %mul3A_150 : i32
        %add3A_152 = arith.constant 0 : i32
        %add3A_153 = arith.addi %mul3A_151, %add3A_152 : i32
        %get3A = arith.index_cast %add3A_153 : i32 to index
        %get3A_154 = tpu.vector_load %arg6[%get3A] {strides = array<i32>} : memref<6400xf32, #tpu.memory_space<vmem>>, vector<16xf32>,
        %mul3A_155 = arith.constant 256 : i32
        %mul3A_156 = arith.muli %scan3A_149, %mul3A_155 : i32
        %add3A_157 = arith.constant 16 : i32
        %add3A_158 = arith.addi %mul3A_156, %add3A_157 : i32
        %get3A_159 = arith.index_cast %add3A_158 : i32 to index
        %get3A_160 = tpu.vector_load %arg6[%get3A_159] {strides = array<i32>} : memref<6400xf32, #tpu.memory_space<vmem>>, vector<16xf32>,
        %mul3A_161 = arith.constant 256 : i32
        %mul3A_162 = arith.muli %scan3A_149, %mul3A_161 : i32
        %add3A_163 = arith.constant 32 : i32
        %add3A_164 = arith.addi %mul3A_162, %add3A_163 : i32
        %get3A_165 = arith.index_cast %add3A_164 : i32 to index
        %get3A_166 = tpu.vector_load %arg6[%get3A_165] {strides = array<i32>} : memref<6400xf32, #tpu.memory_space<vmem>>, vector<16xf32>,
        %mul3A_167 = arith.constant 256 : i32
        %mul3A_168 = arith.muli %scan3A_149, %mul3A_167 : i32
        %add3A_169 = arith.constant 48 : i32
        %add3A_170 = arith.addi %mul3A_168, %add3A_169 : i32
        %get3A_171 = arith.index_cast %add3A_170 : i32 to index
        %get3A_172 = tpu.vector_load %arg6[%get3A_171] {strides = array<i32>} : memref<6400xf32, #tpu.memory_space<vmem>>, vector<16xf32>,
        %mul3A_173 = arith.constant 256 : i32
        %mul3A_174 = arith.muli %scan3A_149, %mul3A_173 : i32
        %add3A_175 = arith.constant 64 : i32
        %add3A_176 = arith.addi %mul3A_174, %add3A_175 : i32
        %get3A_177 = arith.index_cast %add3A_176 : i32 to index
        %get3A_178 = tpu.vector_load %arg6[%get3A_177] {strides = array<i32>} : memref<6400xf32, #tpu.memory_space<vmem>>, vector<16xf32>,
        %mul3A_179 = arith.constant 256 : i32
        %mul3A_180 = arith.muli %scan3A_149, %mul3A_179 : i32
        %add3A_181 = arith.constant 80 : i32
        %add3A_182 = arith.addi %mul3A_180, %add3A_181 : i32
        %get3A_183 = arith.index_cast %add3A_182 : i32 to index
        %get3A_184 = tpu.vector_load %arg6[%get3A_183] {strides = array<i32>} : memref<6400xf32, #tpu.memory_space<vmem>>, vector<16xf32>,
        %mul3A_185 = arith.constant 256 : i32
        %mul3A_186 = arith.muli %scan3A_149, %mul3A_185 : i32
        %add3A_187 = arith.constant 96 : i32
        %add3A_188 = arith.addi %mul3A_186, %add3A_187 : i32
        %get3A_189 = arith.index_cast %add3A_188 : i32 to index
        %get3A_190 = tpu.vector_load %arg6[%get3A_189] {strides = array<i32>} : memref<6400xf32, #tpu.memory_space<vmem>>, vector<16xf32>,
        %mul3A_191 = arith.constant 256 : i32
        %mul3A_192 = arith.muli %scan3A_149, %mul3A_191 : i32
        %add3A_193 = arith.constant 112 : i32
        %add3A_194 = arith.addi %mul3A_192, %add3A_193 : i32
        %get3A_195 = arith.index_cast %add3A_194 : i32 to index
        %get3A_196 = tpu.vector_load %arg6[%get3A_195] {strides = array<i32>} : memref<6400xf32, #tpu.memory_space<vmem>>, vector<16xf32>,
        %mul3A_197 = arith.constant 256 : i32
        %mul3A_198 = arith.muli %scan3A_149, %mul3A_197 : i32
        %add3A_199 = arith.constant 128 : i32
        %add3A_200 = arith.addi %mul3A_198, %add3A_199 : i32
        %get3A_201 = arith.index_cast %add3A_200 : i32 to index
        %get3A_202 = tpu.vector_load %arg6[%get3A_201] {strides = array<i32>} : memref<6400xf32, #tpu.memory_space<vmem>>, vector<16xf32>,
        %mul3A_203 = arith.constant 256 : i32
        %mul3A_204 = arith.muli %scan3A_149, %mul3A_203 : i32
        %add3A_205 = arith.constant 144 : i32
        %add3A_206 = arith.addi %mul3A_204, %add3A_205 : i32
        %get3A_207 = arith.index_cast %add3A_206 : i32 to index
        %get3A_208 = tpu.vector_load %arg6[%get3A_207] {strides = array<i32>} : memref<6400xf32, #tpu.memory_space<vmem>>, vector<16xf32>,
        %mul3A_209 = arith.constant 256 : i32
        %mul3A_210 = arith.muli %scan3A_149, %mul3A_209 : i32
        %add3A_211 = arith.constant 160 : i32
        %add3A_212 = arith.addi %mul3A_210, %add3A_211 : i32
        %get3A_213 = arith.index_cast %add3A_212 : i32 to index
        %get3A_214 = tpu.vector_load %arg6[%get3A_213] {strides = array<i32>} : memref<6400xf32, #tpu.memory_space<vmem>>, vector<16xf32>,
        %mul3A_215 = arith.constant 256 : i32
        %mul3A_216 = arith.muli %scan3A_149, %mul3A_215 : i32
        %add3A_217 = arith.constant 176 : i32
        %add3A_218 = arith.addi %mul3A_216, %add3A_217 : i32
        %get3A_219 = arith.index_cast %add3A_218 : i32 to index
        %get3A_220 = tpu.vector_load %arg6[%get3A_219] {strides = array<i32>} : memref<6400xf32, #tpu.memory_space<vmem>>, vector<16xf32>,
        %mul3A_221 = arith.constant 256 : i32
        %mul3A_222 = arith.muli %scan3A_149, %mul3A_221 : i32
        %add3A_223 = arith.constant 192 : i32
        %add3A_224 = arith.addi %mul3A_222, %add3A_223 : i32
        %get3A_225 = arith.index_cast %add3A_224 : i32 to index
        %get3A_226 = tpu.vector_load %arg6[%get3A_225] {strides = array<i32>} : memref<6400xf32, #tpu.memory_space<vmem>>, vector<16xf32>,
        %mul3A_227 = arith.constant 256 : i32
        %mul3A_228 = arith.muli %scan3A_149, %mul3A_227 : i32
        %add3A_229 = arith.constant 208 : i32
        %add3A_230 = arith.addi %mul3A_228, %add3A_229 : i32
        %get3A_231 = arith.index_cast %add3A_230 : i32 to index
        %get3A_232 = tpu.vector_load %arg6[%get3A_231] {strides = array<i32>} : memref<6400xf32, #tpu.memory_space<vmem>>, vector<16xf32>,
        %mul3A_233 = arith.constant 256 : i32
        %mul3A_234 = arith.muli %scan3A_149, %mul3A_233 : i32
        %add3A_235 = arith.constant 224 : i32
        %add3A_236 = arith.addi %mul3A_234, %add3A_235 : i32
        %get3A_237 = arith.index_cast %add3A_236 : i32 to index
        %get3A_238 = tpu.vector_load %arg6[%get3A_237] {strides = array<i32>} : memref<6400xf32, #tpu.memory_space<vmem>>, vector<16xf32>,
        %mul3A_239 = arith.constant 256 : i32
        %mul3A_240 = arith.muli %scan3A_149, %mul3A_239 : i32
        %add3A_241 = arith.constant 240 : i32
        %add3A_242 = arith.addi %mul3A_240, %add3A_241 : i32
        %get3A_243 = arith.index_cast %add3A_242 : i32 to index
        %get3A_244 = tpu.vector_load %arg6[%get3A_243] {strides = array<i32>} : memref<6400xf32, #tpu.memory_space<vmem>>, vector<16xf32>,
        %max3A = arith.maximumf %get3A_154, %get3A_160 : vector<16xf32>
        %max3A_245 = arith.maximumf %get3A_166, %get3A_172 : vector<16xf32>
        %max3A_246 = arith.maximumf %get3A_178, %get3A_184 : vector<16xf32>
        %max3A_247 = arith.maximumf %get3A_190, %get3A_196 : vector<16xf32>
        %max3A_248 = arith.maximumf %get3A_202, %get3A_208 : vector<16xf32>
        %max3A_249 = arith.maximumf %get3A_214, %get3A_220 : vector<16xf32>
        %max3A_250 = arith.maximumf %get3A_226, %get3A_232 : vector<16xf32>
        %max3A_251 = arith.maximumf %get3A_238, %get3A_244 : vector<16xf32>
        %max3A_252 = arith.maximumf %max3A, %max3A_245 : vector<16xf32>
        %max3A_253 = arith.maximumf %max3A_246, %max3A_247 : vector<16xf32>
        %max3A_254 = arith.maximumf %max3A_248, %max3A_249 : vector<16xf32>
        %max3A_255 = arith.maximumf %max3A_250, %max3A_251 : vector<16xf32>
        %max3A_256 = arith.maximumf %max3A_252, %max3A_253 : vector<16xf32>
        %max3A_257 = arith.maximumf %max3A_254, %max3A_255 : vector<16xf32>
        %max3A_258 = arith.maximumf %max3A_256, %max3A_257 : vector<16xf32>
        %mul3A_259 = arith.constant 16 : i32
        %mul3A_260 = arith.muli %scan3A_149, %mul3A_259 : i32
        %swap3A_261 = arith.index_cast %mul3A_260 : i32 to index
        %swap3A_262 = tpu.vector_load %arg7[%swap3A_261] {strides = array<i32>} : memref<400xf32, #tpu.memory_space<vmem>>, vector<16xf32>,
        tpu.vector_store %arg7[%swap3A_261], %max3A_258 {strides = array<i32>} : memref<400xf32, #tpu.memory_space<vmem>>, vector<16xf32>,
      }
      %scan3A_114 = arith.constant 25 : i32
      %swap3A_115 = arith.constant 0 : index
      %swap3A_116 = tpu.vector_load %arg8[%swap3A_115] {strides = array<i32>} : memref<64xf32, #tpu.memory_space<vmem>>, vector<16xf32>,
      tpu.vector_store %arg8[%swap3A_115], %broadcast_in_dim3A_1 {strides = array<i32>} : memref<64xf32, #tpu.memory_space<vmem>>, vector<16xf32>,
      %broadcast_in_dim3A_117 = arith.constant 0 : i32
      %broadcast_in_dim3A_118 = vector.broadcast %broadcast_in_dim3A_117 : i32 to vector<16xi32>
      %swap3A_119 = arith.constant 0 : index
      %swap3A_120 = tpu.vector_load %arg9[%swap3A_119] {strides = array<i32>} : memref<64xi32, #tpu.memory_space<vmem>>, vector<16xi32>,
      tpu.vector_store %arg9[%swap3A_119], %broadcast_in_dim3A_118 {strides = array<i32>} : memref<64xi32, #tpu.memory_space<vmem>>, vector<16xi32>,
      %swap3A_121 = arith.constant 16 : index
      %swap3A_122 = tpu.vector_load %arg8[%swap3A_121] {strides = array<i32>} : memref<64xf32, #tpu.memory_space<vmem>>, vector<16xf32>,
      tpu.vector_store %arg8[%swap3A_121], %broadcast_in_dim3A_1 {strides = array<i32>} : memref<64xf32, #tpu.memory_space<vmem>>, vector<16xf32>,
      %broadcast_in_dim3A_123 = arith.constant 0 : i32
      %broadcast_in_dim3A_124 = vector.broadcast %broadcast_in_dim3A_123 : i32 to vector<16xi32>
      %swap3A_125 = arith.constant 16 : index
      %swap3A_126 = tpu.vector_load %arg9[%swap3A_125] {strides = array<i32>} : memref<64xi32, #tpu.memory_space<vmem>>, vector<16xi32>,
      tpu.vector_store %arg9[%swap3A_125], %broadcast_in_dim3A_124 {strides = array<i32>} : memref<64xi32, #tpu.memory_space<vmem>>, vector<16xi32>,
      %swap3A_127 = arith.constant 32 : index
      %swap3A_128 = tpu.vector_load %arg8[%swap3A_127] {strides = array<i32>} : memref<64xf32, #tpu.memory_space<vmem>>, vector<16xf32>,
      tpu.vector_store %arg8[%swap3A_127], %broadcast_in_dim3A_1 {strides = array<i32>} : memref<64xf32, #tpu.memory_space<vmem>>, vector<16xf32>,
      %broadcast_in_dim3A_129 = arith.constant 0 : i32
      %broadcast_in_dim3A_130 = vector.broadcast %broadcast_in_dim3A_129 : i32 to vector<16xi32>
      %swap3A_131 = arith.constant 32 : index
      %swap3A_132 = tpu.vector_load %arg9[%swap3A_131] {strides = array<i32>} : memref<64xi32, #tpu.memory_space<vmem>>, vector<16xi32>,
      tpu.vector_store %arg9[%swap3A_131], %broadcast_in_dim3A_130 {strides = array<i32>} : memref<64xi32, #tpu.memory_space<vmem>>, vector<16xi32>,
      %swap3A_133 = arith.constant 48 : index
      %swap3A_134 = tpu.vector_load %arg8[%swap3A_133] {strides = array<i32>} : memref<64xf32, #tpu.memory_space<vmem>>, vector<16xf32>,
      tpu.vector_store %arg8[%swap3A_133], %broadcast_in_dim3A_1 {strides = array<i32>} : memref<64xf32, #tpu.memory_space<vmem>>, vector<16xf32>,
      %broadcast_in_dim3A_135 = arith.constant 0 : i32
      %broadcast_in_dim3A_136 = vector.broadcast %broadcast_in_dim3A_135 : i32 to vector<16xi32>
      %swap3A_137 = arith.constant 48 : index
      %swap3A_138 = tpu.vector_load %arg9[%swap3A_137] {strides = array<i32>} : memref<64xi32, #tpu.memory_space<vmem>>, vector<16xi32>,
      tpu.vector_store %arg9[%swap3A_137], %broadcast_in_dim3A_136 {strides = array<i32>} : memref<64xi32, #tpu.memory_space<vmem>>, vector<16xi32>,
      %scan3A_139 = arith.constant 0 : i32
      %scan3A_140 = arith.constant 0 : i32
      %scan3A_141 = arith.constant 50 : i32
      %scan3A_142 = arith.addi %scan3A_140, %scan3A_141 : i32
      %scan3A_143 = arith.constant 1 : i32
      scf.for %scan3A_149 = %scan3A_140 to %scan3A_142 step %scan3A_143  : i32 {
        %get3A = arith.constant 0 : index
        %get3A_150 = tpu.vector_load %arg7[%get3A] {strides = array<i32>} : memref<400xf32, #tpu.memory_space<vmem>>, vector<16xf32>,
        %get3A_151 = arith.constant 16 : index
        %get3A_152 = tpu.vector_load %arg7[%get3A_151] {strides = array<i32>} : memref<400xf32, #tpu.memory_space<vmem>>, vector<16xf32>,
        %get3A_153 = arith.constant 32 : index
        %get3A_154 = tpu.vector_load %arg7[%get3A_153] {strides = array<i32>} : memref<400xf32, #tpu.memory_space<vmem>>, vector<16xf32>,
        %get3A_155 = arith.constant 48 : index
        %get3A_156 = tpu.vector_load %arg7[%get3A_155] {strides = array<i32>} : memref<400xf32, #tpu.memory_space<vmem>>, vector<16xf32>,
        %get3A_157 = arith.constant 64 : index
        %get3A_158 = tpu.vector_load %arg7[%get3A_157] {strides = array<i32>} : memref<400xf32, #tpu.memory_space<vmem>>, vector<16xf32>,
        %get3A_159 = arith.constant 80 : index
        %get3A_160 = tpu.vector_load %arg7[%get3A_159] {strides = array<i32>} : memref<400xf32, #tpu.memory_space<vmem>>, vector<16xf32>,
        %get3A_161 = arith.constant 96 : index
        %get3A_162 = tpu.vector_load %arg7[%get3A_161] {strides = array<i32>} : memref<400xf32, #tpu.memory_space<vmem>>, vector<16xf32>,
        %get3A_163 = arith.constant 112 : index
        %get3A_164 = tpu.vector_load %arg7[%get3A_163] {strides = array<i32>} : memref<400xf32, #tpu.memory_space<vmem>>, vector<16xf32>,
        %get3A_165 = arith.constant 128 : index
        %get3A_166 = tpu.vector_load %arg7[%get3A_165] {strides = array<i32>} : memref<400xf32, #tpu.memory_space<vmem>>, vector<16xf32>,
        %get3A_167 = arith.constant 144 : index
        %get3A_168 = tpu.vector_load %arg7[%get3A_167] {strides = array<i32>} : memref<400xf32, #tpu.memory_space<vmem>>, vector<16xf32>,
        %get3A_169 = arith.constant 160 : index
        %get3A_170 = tpu.vector_load %arg7[%get3A_169] {strides = array<i32>} : memref<400xf32, #tpu.memory_space<vmem>>, vector<16xf32>,
        %get3A_171 = arith.constant 176 : index
        %get3A_172 = tpu.vector_load %arg7[%get3A_171] {strides = array<i32>} : memref<400xf32, #tpu.memory_space<vmem>>, vector<16xf32>,
        %get3A_173 = arith.constant 192 : index
        %get3A_174 = tpu.vector_load %arg7[%get3A_173] {strides = array<i32>} : memref<400xf32, #tpu.memory_space<vmem>>, vector<16xf32>,
        %get3A_175 = arith.constant 208 : index
        %get3A_176 = tpu.vector_load %arg7[%get3A_175] {strides = array<i32>} : memref<400xf32, #tpu.memory_space<vmem>>, vector<16xf32>,
        %get3A_177 = arith.constant 224 : index
        %get3A_178 = tpu.vector_load %arg7[%get3A_177] {strides = array<i32>} : memref<400xf32, #tpu.memory_space<vmem>>, vector<16xf32>,
        %get3A_179 = arith.constant 240 : index
        %get3A_180 = tpu.vector_load %arg7[%get3A_179] {strides = array<i32>} : memref<400xf32, #tpu.memory_space<vmem>>, vector<16xf32>,
        %get3A_181 = arith.constant 256 : index
        %get3A_182 = tpu.vector_load %arg7[%get3A_181] {strides = array<i32>} : memref<400xf32, #tpu.memory_space<vmem>>, vector<16xf32>,
        %get3A_183 = arith.constant 272 : index
        %get3A_184 = tpu.vector_load %arg7[%get3A_183] {strides = array<i32>} : memref<400xf32, #tpu.memory_space<vmem>>, vector<16xf32>,
        %get3A_185 = arith.constant 288 : index
        %get3A_186 = tpu.vector_load %arg7[%get3A_185] {strides = array<i32>} : memref<400xf32, #tpu.memory_space<vmem>>, vector<16xf32>,
        %get3A_187 = arith.constant 304 : index
        %get3A_188 = tpu.vector_load %arg7[%get3A_187] {strides = array<i32>} : memref<400xf32, #tpu.memory_space<vmem>>, vector<16xf32>,
        %get3A_189 = arith.constant 320 : index
        %get3A_190 = tpu.vector_load %arg7[%get3A_189] {strides = array<i32>} : memref<400xf32, #tpu.memory_space<vmem>>, vector<16xf32>,
        %get3A_191 = arith.constant 336 : index
        %get3A_192 = tpu.vector_load %arg7[%get3A_191] {strides = array<i32>} : memref<400xf32, #tpu.memory_space<vmem>>, vector<16xf32>,
        %get3A_193 = arith.constant 352 : index
        %get3A_194 = tpu.vector_load %arg7[%get3A_193] {strides = array<i32>} : memref<400xf32, #tpu.memory_space<vmem>>, vector<16xf32>,
        %get3A_195 = arith.constant 368 : index
        %get3A_196 = tpu.vector_load %arg7[%get3A_195] {strides = array<i32>} : memref<400xf32, #tpu.memory_space<vmem>>, vector<16xf32>,
        %get3A_197 = arith.constant 384 : index
        %get3A_198 = tpu.vector_load %arg7[%get3A_197] {strides = array<i32>} : memref<400xf32, #tpu.memory_space<vmem>>, vector<16xf32>,
        %max3A = arith.maximumf %get3A_150, %get3A_152 : vector<16xf32>
        %max3A_199 = arith.maximumf %get3A_154, %get3A_156 : vector<16xf32>
        %max3A_200 = arith.maximumf %get3A_158, %get3A_160 : vector<16xf32>
        %max3A_201 = arith.maximumf %get3A_162, %get3A_164 : vector<16xf32>
        %max3A_202 = arith.maximumf %get3A_166, %get3A_168 : vector<16xf32>
        %max3A_203 = arith.maximumf %get3A_170, %get3A_172 : vector<16xf32>
        %max3A_204 = arith.maximumf %get3A_174, %get3A_176 : vector<16xf32>
        %max3A_205 = arith.maximumf %get3A_178, %get3A_180 : vector<16xf32>
        %max3A_206 = arith.maximumf %get3A_182, %get3A_184 : vector<16xf32>
        %max3A_207 = arith.maximumf %get3A_186, %get3A_188 : vector<16xf32>
        %max3A_208 = arith.maximumf %get3A_190, %get3A_192 : vector<16xf32>
        %max3A_209 = arith.maximumf %get3A_194, %get3A_196 : vector<16xf32>
        %max3A_210 = arith.maximumf %max3A, %max3A_199 : vector<16xf32>
        %max3A_211 = arith.maximumf %max3A_200, %max3A_201 : vector<16xf32>
        %max3A_212 = arith.maximumf %max3A_202, %max3A_203 : vector<16xf32>
        %max3A_213 = arith.maximumf %max3A_204, %max3A_205 : vector<16xf32>
        %max3A_214 = arith.maximumf %max3A_206, %max3A_207 : vector<16xf32>
        %max3A_215 = arith.maximumf %max3A_208, %max3A_209 : vector<16xf32>
        %max3A_216 = arith.maximumf %max3A_210, %max3A_211 : vector<16xf32>
        %max3A_217 = arith.maximumf %max3A_212, %max3A_213 : vector<16xf32>
        %max3A_218 = arith.maximumf %max3A_214, %max3A_215 : vector<16xf32>
        %max3A_219 = arith.maximumf %max3A_216, %max3A_217 : vector<16xf32>
        %max3A_220 = arith.maximumf %max3A_218, %get3A_198 : vector<16xf32>
        %max3A_221 = arith.maximumf %max3A_219, %max3A_220 : vector<16xf32>
        %reduce_max3A = arith.constant true
        %reduce_max3A_222 = vector.broadcast %reduce_max3A : i1 to vector<16xi1>
        %reduce_max3A_223 = tpu.scan <max>, %max3A_221 masked %reduce_max3A_222 : vector<16xf32>, vector<16xi1> -> vector<16xf32>
        %reduce_max3A_224 = vector.extract %reduce_max3A_223[15] : f32 from vector<16xf32>
        %broadcast_in_dim3A_225 = vector.broadcast %reduce_max3A_224 : f32 to vector<16xf32>
        %get3A_226 = arith.constant 0 : index
        %get3A_227 = tpu.vector_load %arg7[%get3A_226] {strides = array<i32>} : memref<400xf32, #tpu.memory_space<vmem>>, vector<16xf32>,
        %eq3A = arith.cmpf oeq, %get3A_227, %broadcast_in_dim3A_225 : vector<16xf32>
        %all_reduce_ffs3A = tpu.all_reduce %eq3A {dim = 0 : i64, kind = #tpu.reduction_kind<find_first_set>} : vector<16xi1> -> vector<16xi32>
        %lt3A = arith.constant 16 : i32
        %lt3A_228 = vector.broadcast %lt3A : i32 to vector<16xi32>
        %lt3A_229 = arith.cmpi slt, %all_reduce_ffs3A, %lt3A_228 : vector<16xi32>
        %broadcast_in_dim3A_230 = arith.constant 0 : i32
        %broadcast_in_dim3A_231 = vector.broadcast %broadcast_in_dim3A_230 : i32 to vector<16xi32>
        %select_n3A = arith.select %lt3A_229, %broadcast_in_dim3A_231, %broadcast_in_dim3A_3 : vector<16xi1>, vector<16xi32>
        %get3A_232 = arith.constant 16 : index
        %get3A_233 = tpu.vector_load %arg7[%get3A_232] {strides = array<i32>} : memref<400xf32, #tpu.memory_space<vmem>>, vector<16xf32>,
        %eq3A_234 = arith.cmpf oeq, %get3A_233, %broadcast_in_dim3A_225 : vector<16xf32>
        %all_reduce_ffs3A_235 = tpu.all_reduce %eq3A_234 {dim = 0 : i64, kind = #tpu.reduction_kind<find_first_set>} : vector<16xi1> -> vector<16xi32>
        %lt3A_236 = arith.constant 16 : i32
        %lt3A_237 = vector.broadcast %lt3A_236 : i32 to vector<16xi32>
        %lt3A_238 = arith.cmpi slt, %all_reduce_ffs3A_235, %lt3A_237 : vector<16xi32>
        %broadcast_in_dim3A_239 = arith.constant 1 : i32
        %broadcast_in_dim3A_240 = vector.broadcast %broadcast_in_dim3A_239 : i32 to vector<16xi32>
        %select_n3A_241 = arith.select %lt3A_238, %broadcast_in_dim3A_240, %broadcast_in_dim3A_3 : vector<16xi1>, vector<16xi32>
        %get3A_242 = arith.constant 32 : index
        %get3A_243 = tpu.vector_load %arg7[%get3A_242] {strides = array<i32>} : memref<400xf32, #tpu.memory_space<vmem>>, vector<16xf32>,
        %eq3A_244 = arith.cmpf oeq, %get3A_243, %broadcast_in_dim3A_225 : vector<16xf32>
        %all_reduce_ffs3A_245 = tpu.all_reduce %eq3A_244 {dim = 0 : i64, kind = #tpu.reduction_kind<find_first_set>} : vector<16xi1> -> vector<16xi32>
        %lt3A_246 = arith.constant 16 : i32
        %lt3A_247 = vector.broadcast %lt3A_246 : i32 to vector<16xi32>
        %lt3A_248 = arith.cmpi slt, %all_reduce_ffs3A_245, %lt3A_247 : vector<16xi32>
        %broadcast_in_dim3A_249 = arith.constant 2 : i32
        %broadcast_in_dim3A_250 = vector.broadcast %broadcast_in_dim3A_249 : i32 to vector<16xi32>
        %select_n3A_251 = arith.select %lt3A_248, %broadcast_in_dim3A_250, %broadcast_in_dim3A_3 : vector<16xi1>, vector<16xi32>
        %get3A_252 = arith.constant 48 : index
        %get3A_253 = tpu.vector_load %arg7[%get3A_252] {strides = array<i32>} : memref<400xf32, #tpu.memory_space<vmem>>, vector<16xf32>,
        %eq3A_254 = arith.cmpf oeq, %get3A_253, %broadcast_in_dim3A_225 : vector<16xf32>
        %all_reduce_ffs3A_255 = tpu.all_reduce %eq3A_254 {dim = 0 : i64, kind = #tpu.reduction_kind<find_first_set>} : vector<16xi1> -> vector<16xi32>
        %lt3A_256 = arith.constant 16 : i32
        %lt3A_257 = vector.broadcast %lt3A_256 : i32 to vector<16xi32>
        %lt3A_258 = arith.cmpi slt, %all_reduce_ffs3A_255, %lt3A_257 : vector<16xi32>
        %broadcast_in_dim3A_259 = arith.constant 3 : i32
        %broadcast_in_dim3A_260 = vector.broadcast %broadcast_in_dim3A_259 : i32 to vector<16xi32>
        %select_n3A_261 = arith.select %lt3A_258, %broadcast_in_dim3A_260, %broadcast_in_dim3A_3 : vector<16xi1>, vector<16xi32>
        %get3A_262 = arith.constant 64 : index
        %get3A_263 = tpu.vector_load %arg7[%get3A_262] {strides = array<i32>} : memref<400xf32, #tpu.memory_space<vmem>>, vector<16xf32>,
        %eq3A_264 = arith.cmpf oeq, %get3A_263, %broadcast_in_dim3A_225 : vector<16xf32>
        %all_reduce_ffs3A_265 = tpu.all_reduce %eq3A_264 {dim = 0 : i64, kind = #tpu.reduction_kind<find_first_set>} : vector<16xi1> -> vector<16xi32>
        %lt3A_266 = arith.constant 16 : i32
        %lt3A_267 = vector.broadcast %lt3A_266 : i32 to vector<16xi32>
        %lt3A_268 = arith.cmpi slt, %all_reduce_ffs3A_265, %lt3A_267 : vector<16xi32>
        %broadcast_in_dim3A_269 = arith.constant 4 : i32
        %broadcast_in_dim3A_270 = vector.broadcast %broadcast_in_dim3A_269 : i32 to vector<16xi32>
        %select_n3A_271 = arith.select %lt3A_268, %broadcast_in_dim3A_270, %broadcast_in_dim3A_3 : vector<16xi1>, vector<16xi32>
        %get3A_272 = arith.constant 80 : index
        %get3A_273 = tpu.vector_load %arg7[%get3A_272] {strides = array<i32>} : memref<400xf32, #tpu.memory_space<vmem>>, vector<16xf32>,
        %eq3A_274 = arith.cmpf oeq, %get3A_273, %broadcast_in_dim3A_225 : vector<16xf32>
        %all_reduce_ffs3A_275 = tpu.all_reduce %eq3A_274 {dim = 0 : i64, kind = #tpu.reduction_kind<find_first_set>} : vector<16xi1> -> vector<16xi32>
        %lt3A_276 = arith.constant 16 : i32
        %lt3A_277 = vector.broadcast %lt3A_276 : i32 to vector<16xi32>
        %lt3A_278 = arith.cmpi slt, %all_reduce_ffs3A_275, %lt3A_277 : vector<16xi32>
        %broadcast_in_dim3A_279 = arith.constant 5 : i32
        %broadcast_in_dim3A_280 = vector.broadcast %broadcast_in_dim3A_279 : i32 to vector<16xi32>
        %select_n3A_281 = arith.select %lt3A_278, %broadcast_in_dim3A_280, %broadcast_in_dim3A_3 : vector<16xi1>, vector<16xi32>
        %get3A_282 = arith.constant 96 : index
        %get3A_283 = tpu.vector_load %arg7[%get3A_282] {strides = array<i32>} : memref<400xf32, #tpu.memory_space<vmem>>, vector<16xf32>,
        %eq3A_284 = arith.cmpf oeq, %get3A_283, %broadcast_in_dim3A_225 : vector<16xf32>
        %all_reduce_ffs3A_285 = tpu.all_reduce %eq3A_284 {dim = 0 : i64, kind = #tpu.reduction_kind<find_first_set>} : vector<16xi1> -> vector<16xi32>
        %lt3A_286 = arith.constant 16 : i32
        %lt3A_287 = vector.broadcast %lt3A_286 : i32 to vector<16xi32>
        %lt3A_288 = arith.cmpi slt, %all_reduce_ffs3A_285, %lt3A_287 : vector<16xi32>
        %broadcast_in_dim3A_289 = arith.constant 6 : i32
        %broadcast_in_dim3A_290 = vector.broadcast %broadcast_in_dim3A_289 : i32 to vector<16xi32>
        %select_n3A_291 = arith.select %lt3A_288, %broadcast_in_dim3A_290, %broadcast_in_dim3A_3 : vector<16xi1>, vector<16xi32>
        %get3A_292 = arith.constant 112 : index
        %get3A_293 = tpu.vector_load %arg7[%get3A_292] {strides = array<i32>} : memref<400xf32, #tpu.memory_space<vmem>>, vector<16xf32>,
        %eq3A_294 = arith.cmpf oeq, %get3A_293, %broadcast_in_dim3A_225 : vector<16xf32>
        %all_reduce_ffs3A_295 = tpu.all_reduce %eq3A_294 {dim = 0 : i64, kind = #tpu.reduction_kind<find_first_set>} : vector<16xi1> -> vector<16xi32>
        %lt3A_296 = arith.constant 16 : i32
        %lt3A_297 = vector.broadcast %lt3A_296 : i32 to vector<16xi32>
        %lt3A_298 = arith.cmpi slt, %all_reduce_ffs3A_295, %lt3A_297 : vector<16xi32>
        %broadcast_in_dim3A_299 = arith.constant 7 : i32
        %broadcast_in_dim3A_300 = vector.broadcast %broadcast_in_dim3A_299 : i32 to vector<16xi32>
        %select_n3A_301 = arith.select %lt3A_298, %broadcast_in_dim3A_300, %broadcast_in_dim3A_3 : vector<16xi1>, vector<16xi32>
        %get3A_302 = arith.constant 128 : index
        %get3A_303 = tpu.vector_load %arg7[%get3A_302] {strides = array<i32>} : memref<400xf32, #tpu.memory_space<vmem>>, vector<16xf32>,
        %eq3A_304 = arith.cmpf oeq, %get3A_303, %broadcast_in_dim3A_225 : vector<16xf32>
        %all_reduce_ffs3A_305 = tpu.all_reduce %eq3A_304 {dim = 0 : i64, kind = #tpu.reduction_kind<find_first_set>} : vector<16xi1> -> vector<16xi32>
        %lt3A_306 = arith.constant 16 : i32
        %lt3A_307 = vector.broadcast %lt3A_306 : i32 to vector<16xi32>
        %lt3A_308 = arith.cmpi slt, %all_reduce_ffs3A_305, %lt3A_307 : vector<16xi32>
        %broadcast_in_dim3A_309 = arith.constant 8 : i32
        %broadcast_in_dim3A_310 = vector.broadcast %broadcast_in_dim3A_309 : i32 to vector<16xi32>
        %select_n3A_311 = arith.select %lt3A_308, %broadcast_in_dim3A_310, %broadcast_in_dim3A_3 : vector<16xi1>, vector<16xi32>
        %get3A_312 = arith.constant 144 : index
        %get3A_313 = tpu.vector_load %arg7[%get3A_312] {strides = array<i32>} : memref<400xf32, #tpu.memory_space<vmem>>, vector<16xf32>,
        %eq3A_314 = arith.cmpf oeq, %get3A_313, %broadcast_in_dim3A_225 : vector<16xf32>
        %all_reduce_ffs3A_315 = tpu.all_reduce %eq3A_314 {dim = 0 : i64, kind = #tpu.reduction_kind<find_first_set>} : vector<16xi1> -> vector<16xi32>
        %lt3A_316 = arith.constant 16 : i32
        %lt3A_317 = vector.broadcast %lt3A_316 : i32 to vector<16xi32>
        %lt3A_318 = arith.cmpi slt, %all_reduce_ffs3A_315, %lt3A_317 : vector<16xi32>
        %broadcast_in_dim3A_319 = arith.constant 9 : i32
        %broadcast_in_dim3A_320 = vector.broadcast %broadcast_in_dim3A_319 : i32 to vector<16xi32>
        %select_n3A_321 = arith.select %lt3A_318, %broadcast_in_dim3A_320, %broadcast_in_dim3A_3 : vector<16xi1>, vector<16xi32>
        %get3A_322 = arith.constant 160 : index
        %get3A_323 = tpu.vector_load %arg7[%get3A_322] {strides = array<i32>} : memref<400xf32, #tpu.memory_space<vmem>>, vector<16xf32>,
        %eq3A_324 = arith.cmpf oeq, %get3A_323, %broadcast_in_dim3A_225 : vector<16xf32>
        %all_reduce_ffs3A_325 = tpu.all_reduce %eq3A_324 {dim = 0 : i64, kind = #tpu.reduction_kind<find_first_set>} : vector<16xi1> -> vector<16xi32>
        %lt3A_326 = arith.constant 16 : i32
        %lt3A_327 = vector.broadcast %lt3A_326 : i32 to vector<16xi32>
        %lt3A_328 = arith.cmpi slt, %all_reduce_ffs3A_325, %lt3A_327 : vector<16xi32>
        %broadcast_in_dim3A_329 = arith.constant 10 : i32
        %broadcast_in_dim3A_330 = vector.broadcast %broadcast_in_dim3A_329 : i32 to vector<16xi32>
        %select_n3A_331 = arith.select %lt3A_328, %broadcast_in_dim3A_330, %broadcast_in_dim3A_3 : vector<16xi1>, vector<16xi32>
        %get3A_332 = arith.constant 176 : index
        %get3A_333 = tpu.vector_load %arg7[%get3A_332] {strides = array<i32>} : memref<400xf32, #tpu.memory_space<vmem>>, vector<16xf32>,
        %eq3A_334 = arith.cmpf oeq, %get3A_333, %broadcast_in_dim3A_225 : vector<16xf32>
        %all_reduce_ffs3A_335 = tpu.all_reduce %eq3A_334 {dim = 0 : i64, kind = #tpu.reduction_kind<find_first_set>} : vector<16xi1> -> vector<16xi32>
        %lt3A_336 = arith.constant 16 : i32
        %lt3A_337 = vector.broadcast %lt3A_336 : i32 to vector<16xi32>
        %lt3A_338 = arith.cmpi slt, %all_reduce_ffs3A_335, %lt3A_337 : vector<16xi32>
        %broadcast_in_dim3A_339 = arith.constant 11 : i32
        %broadcast_in_dim3A_340 = vector.broadcast %broadcast_in_dim3A_339 : i32 to vector<16xi32>
        %select_n3A_341 = arith.select %lt3A_338, %broadcast_in_dim3A_340, %broadcast_in_dim3A_3 : vector<16xi1>, vector<16xi32>
        %get3A_342 = arith.constant 192 : index
        %get3A_343 = tpu.vector_load %arg7[%get3A_342] {strides = array<i32>} : memref<400xf32, #tpu.memory_space<vmem>>, vector<16xf32>,
        %eq3A_344 = arith.cmpf oeq, %get3A_343, %broadcast_in_dim3A_225 : vector<16xf32>
        %all_reduce_ffs3A_345 = tpu.all_reduce %eq3A_344 {dim = 0 : i64, kind = #tpu.reduction_kind<find_first_set>} : vector<16xi1> -> vector<16xi32>
        %lt3A_346 = arith.constant 16 : i32
        %lt3A_347 = vector.broadcast %lt3A_346 : i32 to vector<16xi32>
        %lt3A_348 = arith.cmpi slt, %all_reduce_ffs3A_345, %lt3A_347 : vector<16xi32>
        %broadcast_in_dim3A_349 = arith.constant 12 : i32
        %broadcast_in_dim3A_350 = vector.broadcast %broadcast_in_dim3A_349 : i32 to vector<16xi32>
        %select_n3A_351 = arith.select %lt3A_348, %broadcast_in_dim3A_350, %broadcast_in_dim3A_3 : vector<16xi1>, vector<16xi32>
        %get3A_352 = arith.constant 208 : index
        %get3A_353 = tpu.vector_load %arg7[%get3A_352] {strides = array<i32>} : memref<400xf32, #tpu.memory_space<vmem>>, vector<16xf32>,
        %eq3A_354 = arith.cmpf oeq, %get3A_353, %broadcast_in_dim3A_225 : vector<16xf32>
        %all_reduce_ffs3A_355 = tpu.all_reduce %eq3A_354 {dim = 0 : i64, kind = #tpu.reduction_kind<find_first_set>} : vector<16xi1> -> vector<16xi32>
        %lt3A_356 = arith.constant 16 : i32
        %lt3A_357 = vector.broadcast %lt3A_356 : i32 to vector<16xi32>
        %lt3A_358 = arith.cmpi slt, %all_reduce_ffs3A_355, %lt3A_357 : vector<16xi32>
        %broadcast_in_dim3A_359 = arith.constant 13 : i32
        %broadcast_in_dim3A_360 = vector.broadcast %broadcast_in_dim3A_359 : i32 to vector<16xi32>
        %select_n3A_361 = arith.select %lt3A_358, %broadcast_in_dim3A_360, %broadcast_in_dim3A_3 : vector<16xi1>, vector<16xi32>
        %get3A_362 = arith.constant 224 : index
        %get3A_363 = tpu.vector_load %arg7[%get3A_362] {strides = array<i32>} : memref<400xf32, #tpu.memory_space<vmem>>, vector<16xf32>,
        %eq3A_364 = arith.cmpf oeq, %get3A_363, %broadcast_in_dim3A_225 : vector<16xf32>
        %all_reduce_ffs3A_365 = tpu.all_reduce %eq3A_364 {dim = 0 : i64, kind = #tpu.reduction_kind<find_first_set>} : vector<16xi1> -> vector<16xi32>
        %lt3A_366 = arith.constant 16 : i32
        %lt3A_367 = vector.broadcast %lt3A_366 : i32 to vector<16xi32>
        %lt3A_368 = arith.cmpi slt, %all_reduce_ffs3A_365, %lt3A_367 : vector<16xi32>
        %broadcast_in_dim3A_369 = arith.constant 14 : i32
        %broadcast_in_dim3A_370 = vector.broadcast %broadcast_in_dim3A_369 : i32 to vector<16xi32>
        %select_n3A_371 = arith.select %lt3A_368, %broadcast_in_dim3A_370, %broadcast_in_dim3A_3 : vector<16xi1>, vector<16xi32>
        %get3A_372 = arith.constant 240 : index
        %get3A_373 = tpu.vector_load %arg7[%get3A_372] {strides = array<i32>} : memref<400xf32, #tpu.memory_space<vmem>>, vector<16xf32>,
        %eq3A_374 = arith.cmpf oeq, %get3A_373, %broadcast_in_dim3A_225 : vector<16xf32>
        %all_reduce_ffs3A_375 = tpu.all_reduce %eq3A_374 {dim = 0 : i64, kind = #tpu.reduction_kind<find_first_set>} : vector<16xi1> -> vector<16xi32>
        %lt3A_376 = arith.constant 16 : i32
        %lt3A_377 = vector.broadcast %lt3A_376 : i32 to vector<16xi32>
        %lt3A_378 = arith.cmpi slt, %all_reduce_ffs3A_375, %lt3A_377 : vector<16xi32>
        %broadcast_in_dim3A_379 = arith.constant 15 : i32
        %broadcast_in_dim3A_380 = vector.broadcast %broadcast_in_dim3A_379 : i32 to vector<16xi32>
        %select_n3A_381 = arith.select %lt3A_378, %broadcast_in_dim3A_380, %broadcast_in_dim3A_3 : vector<16xi1>, vector<16xi32>
        %get3A_382 = arith.constant 256 : index
        %get3A_383 = tpu.vector_load %arg7[%get3A_382] {strides = array<i32>} : memref<400xf32, #tpu.memory_space<vmem>>, vector<16xf32>,
        %eq3A_384 = arith.cmpf oeq, %get3A_383, %broadcast_in_dim3A_225 : vector<16xf32>
        %all_reduce_ffs3A_385 = tpu.all_reduce %eq3A_384 {dim = 0 : i64, kind = #tpu.reduction_kind<find_first_set>} : vector<16xi1> -> vector<16xi32>
        %lt3A_386 = arith.constant 16 : i32
        %lt3A_387 = vector.broadcast %lt3A_386 : i32 to vector<16xi32>
        %lt3A_388 = arith.cmpi slt, %all_reduce_ffs3A_385, %lt3A_387 : vector<16xi32>
        %broadcast_in_dim3A_389 = arith.constant 16 : i32
        %broadcast_in_dim3A_390 = vector.broadcast %broadcast_in_dim3A_389 : i32 to vector<16xi32>
        %select_n3A_391 = arith.select %lt3A_388, %broadcast_in_dim3A_390, %broadcast_in_dim3A_3 : vector<16xi1>, vector<16xi32>
        %get3A_392 = arith.constant 272 : index
        %get3A_393 = tpu.vector_load %arg7[%get3A_392] {strides = array<i32>} : memref<400xf32, #tpu.memory_space<vmem>>, vector<16xf32>,
        %eq3A_394 = arith.cmpf oeq, %get3A_393, %broadcast_in_dim3A_225 : vector<16xf32>
        %all_reduce_ffs3A_395 = tpu.all_reduce %eq3A_394 {dim = 0 : i64, kind = #tpu.reduction_kind<find_first_set>} : vector<16xi1> -> vector<16xi32>
        %lt3A_396 = arith.constant 16 : i32
        %lt3A_397 = vector.broadcast %lt3A_396 : i32 to vector<16xi32>
        %lt3A_398 = arith.cmpi slt, %all_reduce_ffs3A_395, %lt3A_397 : vector<16xi32>
        %broadcast_in_dim3A_399 = arith.constant 17 : i32
        %broadcast_in_dim3A_400 = vector.broadcast %broadcast_in_dim3A_399 : i32 to vector<16xi32>
        %select_n3A_401 = arith.select %lt3A_398, %broadcast_in_dim3A_400, %broadcast_in_dim3A_3 : vector<16xi1>, vector<16xi32>
        %get3A_402 = arith.constant 288 : index
        %get3A_403 = tpu.vector_load %arg7[%get3A_402] {strides = array<i32>} : memref<400xf32, #tpu.memory_space<vmem>>, vector<16xf32>,
        %eq3A_404 = arith.cmpf oeq, %get3A_403, %broadcast_in_dim3A_225 : vector<16xf32>
        %all_reduce_ffs3A_405 = tpu.all_reduce %eq3A_404 {dim = 0 : i64, kind = #tpu.reduction_kind<find_first_set>} : vector<16xi1> -> vector<16xi32>
        %lt3A_406 = arith.constant 16 : i32
        %lt3A_407 = vector.broadcast %lt3A_406 : i32 to vector<16xi32>
        %lt3A_408 = arith.cmpi slt, %all_reduce_ffs3A_405, %lt3A_407 : vector<16xi32>
        %broadcast_in_dim3A_409 = arith.constant 18 : i32
        %broadcast_in_dim3A_410 = vector.broadcast %broadcast_in_dim3A_409 : i32 to vector<16xi32>
        %select_n3A_411 = arith.select %lt3A_408, %broadcast_in_dim3A_410, %broadcast_in_dim3A_3 : vector<16xi1>, vector<16xi32>
        %get3A_412 = arith.constant 304 : index
        %get3A_413 = tpu.vector_load %arg7[%get3A_412] {strides = array<i32>} : memref<400xf32, #tpu.memory_space<vmem>>, vector<16xf32>,
        %eq3A_414 = arith.cmpf oeq, %get3A_413, %broadcast_in_dim3A_225 : vector<16xf32>
        %all_reduce_ffs3A_415 = tpu.all_reduce %eq3A_414 {dim = 0 : i64, kind = #tpu.reduction_kind<find_first_set>} : vector<16xi1> -> vector<16xi32>
        %lt3A_416 = arith.constant 16 : i32
        %lt3A_417 = vector.broadcast %lt3A_416 : i32 to vector<16xi32>
        %lt3A_418 = arith.cmpi slt, %all_reduce_ffs3A_415, %lt3A_417 : vector<16xi32>
        %broadcast_in_dim3A_419 = arith.constant 19 : i32
        %broadcast_in_dim3A_420 = vector.broadcast %broadcast_in_dim3A_419 : i32 to vector<16xi32>
        %select_n3A_421 = arith.select %lt3A_418, %broadcast_in_dim3A_420, %broadcast_in_dim3A_3 : vector<16xi1>, vector<16xi32>
        %get3A_422 = arith.constant 320 : index
        %get3A_423 = tpu.vector_load %arg7[%get3A_422] {strides = array<i32>} : memref<400xf32, #tpu.memory_space<vmem>>, vector<16xf32>,
        %eq3A_424 = arith.cmpf oeq, %get3A_423, %broadcast_in_dim3A_225 : vector<16xf32>
        %all_reduce_ffs3A_425 = tpu.all_reduce %eq3A_424 {dim = 0 : i64, kind = #tpu.reduction_kind<find_first_set>} : vector<16xi1> -> vector<16xi32>
        %lt3A_426 = arith.constant 16 : i32
        %lt3A_427 = vector.broadcast %lt3A_426 : i32 to vector<16xi32>
        %lt3A_428 = arith.cmpi slt, %all_reduce_ffs3A_425, %lt3A_427 : vector<16xi32>
        %broadcast_in_dim3A_429 = arith.constant 20 : i32
        %broadcast_in_dim3A_430 = vector.broadcast %broadcast_in_dim3A_429 : i32 to vector<16xi32>
        %select_n3A_431 = arith.select %lt3A_428, %broadcast_in_dim3A_430, %broadcast_in_dim3A_3 : vector<16xi1>, vector<16xi32>
        %get3A_432 = arith.constant 336 : index
        %get3A_433 = tpu.vector_load %arg7[%get3A_432] {strides = array<i32>} : memref<400xf32, #tpu.memory_space<vmem>>, vector<16xf32>,
        %eq3A_434 = arith.cmpf oeq, %get3A_433, %broadcast_in_dim3A_225 : vector<16xf32>
        %all_reduce_ffs3A_435 = tpu.all_reduce %eq3A_434 {dim = 0 : i64, kind = #tpu.reduction_kind<find_first_set>} : vector<16xi1> -> vector<16xi32>
        %lt3A_436 = arith.constant 16 : i32
        %lt3A_437 = vector.broadcast %lt3A_436 : i32 to vector<16xi32>
        %lt3A_438 = arith.cmpi slt, %all_reduce_ffs3A_435, %lt3A_437 : vector<16xi32>
        %broadcast_in_dim3A_439 = arith.constant 21 : i32
        %broadcast_in_dim3A_440 = vector.broadcast %broadcast_in_dim3A_439 : i32 to vector<16xi32>
        %select_n3A_441 = arith.select %lt3A_438, %broadcast_in_dim3A_440, %broadcast_in_dim3A_3 : vector<16xi1>, vector<16xi32>
        %get3A_442 = arith.constant 352 : index
        %get3A_443 = tpu.vector_load %arg7[%get3A_442] {strides = array<i32>} : memref<400xf32, #tpu.memory_space<vmem>>, vector<16xf32>,
        %eq3A_444 = arith.cmpf oeq, %get3A_443, %broadcast_in_dim3A_225 : vector<16xf32>
        %all_reduce_ffs3A_445 = tpu.all_reduce %eq3A_444 {dim = 0 : i64, kind = #tpu.reduction_kind<find_first_set>} : vector<16xi1> -> vector<16xi32>
        %lt3A_446 = arith.constant 16 : i32
        %lt3A_447 = vector.broadcast %lt3A_446 : i32 to vector<16xi32>
        %lt3A_448 = arith.cmpi slt, %all_reduce_ffs3A_445, %lt3A_447 : vector<16xi32>
        %broadcast_in_dim3A_449 = arith.constant 22 : i32
        %broadcast_in_dim3A_450 = vector.broadcast %broadcast_in_dim3A_449 : i32 to vector<16xi32>
        %select_n3A_451 = arith.select %lt3A_448, %broadcast_in_dim3A_450, %broadcast_in_dim3A_3 : vector<16xi1>, vector<16xi32>
        %get3A_452 = arith.constant 368 : index
        %get3A_453 = tpu.vector_load %arg7[%get3A_452] {strides = array<i32>} : memref<400xf32, #tpu.memory_space<vmem>>, vector<16xf32>,
        %eq3A_454 = arith.cmpf oeq, %get3A_453, %broadcast_in_dim3A_225 : vector<16xf32>
        %all_reduce_ffs3A_455 = tpu.all_reduce %eq3A_454 {dim = 0 : i64, kind = #tpu.reduction_kind<find_first_set>} : vector<16xi1> -> vector<16xi32>
        %lt3A_456 = arith.constant 16 : i32
        %lt3A_457 = vector.broadcast %lt3A_456 : i32 to vector<16xi32>
        %lt3A_458 = arith.cmpi slt, %all_reduce_ffs3A_455, %lt3A_457 : vector<16xi32>
        %broadcast_in_dim3A_459 = arith.constant 23 : i32
        %broadcast_in_dim3A_460 = vector.broadcast %broadcast_in_dim3A_459 : i32 to vector<16xi32>
        %select_n3A_461 = arith.select %lt3A_458, %broadcast_in_dim3A_460, %broadcast_in_dim3A_3 : vector<16xi1>, vector<16xi32>
        %get3A_462 = arith.constant 384 : index
        %get3A_463 = tpu.vector_load %arg7[%get3A_462] {strides = array<i32>} : memref<400xf32, #tpu.memory_space<vmem>>, vector<16xf32>,
        %eq3A_464 = arith.cmpf oeq, %get3A_463, %broadcast_in_dim3A_225 : vector<16xf32>
        %all_reduce_ffs3A_465 = tpu.all_reduce %eq3A_464 {dim = 0 : i64, kind = #tpu.reduction_kind<find_first_set>} : vector<16xi1> -> vector<16xi32>
        %lt3A_466 = arith.constant 16 : i32
        %lt3A_467 = vector.broadcast %lt3A_466 : i32 to vector<16xi32>
        %lt3A_468 = arith.cmpi slt, %all_reduce_ffs3A_465, %lt3A_467 : vector<16xi32>
        %broadcast_in_dim3A_469 = arith.constant 24 : i32
        %broadcast_in_dim3A_470 = vector.broadcast %broadcast_in_dim3A_469 : i32 to vector<16xi32>
        %select_n3A_471 = arith.select %lt3A_468, %broadcast_in_dim3A_470, %broadcast_in_dim3A_3 : vector<16xi1>, vector<16xi32>
        %min3A = arith.minsi %select_n3A, %select_n3A_241 : vector<16xi32>
        %min3A_472 = arith.minsi %select_n3A_251, %select_n3A_261 : vector<16xi32>
        %min3A_473 = arith.minsi %select_n3A_271, %select_n3A_281 : vector<16xi32>
        %min3A_474 = arith.minsi %select_n3A_291, %select_n3A_301 : vector<16xi32>
        %min3A_475 = arith.minsi %select_n3A_311, %select_n3A_321 : vector<16xi32>
        %min3A_476 = arith.minsi %select_n3A_331, %select_n3A_341 : vector<16xi32>
        %min3A_477 = arith.minsi %select_n3A_351, %select_n3A_361 : vector<16xi32>
        %min3A_478 = arith.minsi %select_n3A_371, %select_n3A_381 : vector<16xi32>
        %min3A_479 = arith.minsi %select_n3A_391, %select_n3A_401 : vector<16xi32>
        %min3A_480 = arith.minsi %select_n3A_411, %select_n3A_421 : vector<16xi32>
        %min3A_481 = arith.minsi %select_n3A_431, %select_n3A_441 : vector<16xi32>
        %min3A_482 = arith.minsi %select_n3A_451, %select_n3A_461 : vector<16xi32>
        %min3A_483 = arith.minsi %min3A, %min3A_472 : vector<16xi32>
        %min3A_484 = arith.minsi %min3A_473, %min3A_474 : vector<16xi32>
        %min3A_485 = arith.minsi %min3A_475, %min3A_476 : vector<16xi32>
        %min3A_486 = arith.minsi %min3A_477, %min3A_478 : vector<16xi32>
        %min3A_487 = arith.minsi %min3A_479, %min3A_480 : vector<16xi32>
        %min3A_488 = arith.minsi %min3A_481, %min3A_482 : vector<16xi32>
        %min3A_489 = arith.minsi %min3A_483, %min3A_484 : vector<16xi32>
        %min3A_490 = arith.minsi %min3A_485, %min3A_486 : vector<16xi32>
        %min3A_491 = arith.minsi %min3A_487, %min3A_488 : vector<16xi32>
        %min3A_492 = arith.minsi %min3A_489, %min3A_490 : vector<16xi32>
        %min3A_493 = arith.minsi %min3A_491, %select_n3A_471 : vector<16xi32>
        %min3A_494 = arith.minsi %min3A_492, %min3A_493 : vector<16xi32>
        %reduce_min3A = arith.constant true
        %reduce_min3A_495 = vector.broadcast %reduce_min3A : i1 to vector<16xi1>
        %reduce_min3A_496 = arith.constant -2147483648 : i32
        %reduce_min3A_497 = vector.broadcast %reduce_min3A_496 : i32 to vector<16xi32>
        %reduce_min3A_498 = arith.xori %min3A_494, %reduce_min3A_497 : vector<16xi32>
        %reduce_min3A_499 = tpu.scan <min>, %reduce_min3A_498 masked %reduce_min3A_495 : vector<16xi32>, vector<16xi1> -> vector<16xi32>
        %reduce_min3A_500 = arith.xori %reduce_min3A_499, %reduce_min3A_497 : vector<16xi32>
        %reduce_min3A_501 = vector.extract %reduce_min3A_500[15] : i32 from vector<16xi32>
        %mul3A_502 = arith.constant 256 : i32
        %mul3A_503 = arith.muli %reduce_min3A_501, %mul3A_502 : i32
        %add3A_504 = arith.constant 0 : i32
        %add3A_505 = arith.addi %mul3A_503, %add3A_504 : i32
        %get3A_506 = arith.index_cast %add3A_505 : i32 to index
        %get3A_507 = tpu.vector_load %arg6[%get3A_506] {strides = array<i32>} : memref<6400xf32, #tpu.memory_space<vmem>>, vector<16xf32>,
        %eq3A_508 = arith.cmpf oeq, %get3A_507, %broadcast_in_dim3A_225 : vector<16xf32>
        %all_reduce_ffs3A_509 = tpu.all_reduce %eq3A_508 {dim = 0 : i64, kind = #tpu.reduction_kind<find_first_set>} : vector<16xi1> -> vector<16xi32>
        %lt3A_510 = arith.constant 16 : i32
        %lt3A_511 = vector.broadcast %lt3A_510 : i32 to vector<16xi32>
        %lt3A_512 = arith.cmpi slt, %all_reduce_ffs3A_509, %lt3A_511 : vector<16xi32>
        %broadcast_in_dim3A_513 = arith.constant 0 : i32
        %broadcast_in_dim3A_514 = vector.broadcast %broadcast_in_dim3A_513 : i32 to vector<16xi32>
        %select_n3A_515 = arith.select %lt3A_512, %broadcast_in_dim3A_514, %broadcast_in_dim3A_3 : vector<16xi1>, vector<16xi32>
        %mul3A_516 = arith.constant 256 : i32
        %mul3A_517 = arith.muli %reduce_min3A_501, %mul3A_516 : i32
        %add3A_518 = arith.constant 16 : i32
        %add3A_519 = arith.addi %mul3A_517, %add3A_518 : i32
        %get3A_520 = arith.index_cast %add3A_519 : i32 to index
        %get3A_521 = tpu.vector_load %arg6[%get3A_520] {strides = array<i32>} : memref<6400xf32, #tpu.memory_space<vmem>>, vector<16xf32>,
        %eq3A_522 = arith.cmpf oeq, %get3A_521, %broadcast_in_dim3A_225 : vector<16xf32>
        %all_reduce_ffs3A_523 = tpu.all_reduce %eq3A_522 {dim = 0 : i64, kind = #tpu.reduction_kind<find_first_set>} : vector<16xi1> -> vector<16xi32>
        %lt3A_524 = arith.constant 16 : i32
        %lt3A_525 = vector.broadcast %lt3A_524 : i32 to vector<16xi32>
        %lt3A_526 = arith.cmpi slt, %all_reduce_ffs3A_523, %lt3A_525 : vector<16xi32>
        %broadcast_in_dim3A_527 = arith.constant 1 : i32
        %broadcast_in_dim3A_528 = vector.broadcast %broadcast_in_dim3A_527 : i32 to vector<16xi32>
        %select_n3A_529 = arith.select %lt3A_526, %broadcast_in_dim3A_528, %broadcast_in_dim3A_3 : vector<16xi1>, vector<16xi32>
        %mul3A_530 = arith.constant 256 : i32
        %mul3A_531 = arith.muli %reduce_min3A_501, %mul3A_530 : i32
        %add3A_532 = arith.constant 32 : i32
        %add3A_533 = arith.addi %mul3A_531, %add3A_532 : i32
        %get3A_534 = arith.index_cast %add3A_533 : i32 to index
        %get3A_535 = tpu.vector_load %arg6[%get3A_534] {strides = array<i32>} : memref<6400xf32, #tpu.memory_space<vmem>>, vector<16xf32>,
        %eq3A_536 = arith.cmpf oeq, %get3A_535, %broadcast_in_dim3A_225 : vector<16xf32>
        %all_reduce_ffs3A_537 = tpu.all_reduce %eq3A_536 {dim = 0 : i64, kind = #tpu.reduction_kind<find_first_set>} : vector<16xi1> -> vector<16xi32>
        %lt3A_538 = arith.constant 16 : i32
        %lt3A_539 = vector.broadcast %lt3A_538 : i32 to vector<16xi32>
        %lt3A_540 = arith.cmpi slt, %all_reduce_ffs3A_537, %lt3A_539 : vector<16xi32>
        %broadcast_in_dim3A_541 = arith.constant 2 : i32
        %broadcast_in_dim3A_542 = vector.broadcast %broadcast_in_dim3A_541 : i32 to vector<16xi32>
        %select_n3A_543 = arith.select %lt3A_540, %broadcast_in_dim3A_542, %broadcast_in_dim3A_3 : vector<16xi1>, vector<16xi32>
        %mul3A_544 = arith.constant 256 : i32
        %mul3A_545 = arith.muli %reduce_min3A_501, %mul3A_544 : i32
        %add3A_546 = arith.constant 48 : i32
        %add3A_547 = arith.addi %mul3A_545, %add3A_546 : i32
        %get3A_548 = arith.index_cast %add3A_547 : i32 to index
        %get3A_549 = tpu.vector_load %arg6[%get3A_548] {strides = array<i32>} : memref<6400xf32, #tpu.memory_space<vmem>>, vector<16xf32>,
        %eq3A_550 = arith.cmpf oeq, %get3A_549, %broadcast_in_dim3A_225 : vector<16xf32>
        %all_reduce_ffs3A_551 = tpu.all_reduce %eq3A_550 {dim = 0 : i64, kind = #tpu.reduction_kind<find_first_set>} : vector<16xi1> -> vector<16xi32>
        %lt3A_552 = arith.constant 16 : i32
        %lt3A_553 = vector.broadcast %lt3A_552 : i32 to vector<16xi32>
        %lt3A_554 = arith.cmpi slt, %all_reduce_ffs3A_551, %lt3A_553 : vector<16xi32>
        %broadcast_in_dim3A_555 = arith.constant 3 : i32
        %broadcast_in_dim3A_556 = vector.broadcast %broadcast_in_dim3A_555 : i32 to vector<16xi32>
        %select_n3A_557 = arith.select %lt3A_554, %broadcast_in_dim3A_556, %broadcast_in_dim3A_3 : vector<16xi1>, vector<16xi32>
        %mul3A_558 = arith.constant 256 : i32
        %mul3A_559 = arith.muli %reduce_min3A_501, %mul3A_558 : i32
        %add3A_560 = arith.constant 64 : i32
        %add3A_561 = arith.addi %mul3A_559, %add3A_560 : i32
        %get3A_562 = arith.index_cast %add3A_561 : i32 to index
        %get3A_563 = tpu.vector_load %arg6[%get3A_562] {strides = array<i32>} : memref<6400xf32, #tpu.memory_space<vmem>>, vector<16xf32>,
        %eq3A_564 = arith.cmpf oeq, %get3A_563, %broadcast_in_dim3A_225 : vector<16xf32>
        %all_reduce_ffs3A_565 = tpu.all_reduce %eq3A_564 {dim = 0 : i64, kind = #tpu.reduction_kind<find_first_set>} : vector<16xi1> -> vector<16xi32>
        %lt3A_566 = arith.constant 16 : i32
        %lt3A_567 = vector.broadcast %lt3A_566 : i32 to vector<16xi32>
        %lt3A_568 = arith.cmpi slt, %all_reduce_ffs3A_565, %lt3A_567 : vector<16xi32>
        %broadcast_in_dim3A_569 = arith.constant 4 : i32
        %broadcast_in_dim3A_570 = vector.broadcast %broadcast_in_dim3A_569 : i32 to vector<16xi32>
        %select_n3A_571 = arith.select %lt3A_568, %broadcast_in_dim3A_570, %broadcast_in_dim3A_3 : vector<16xi1>, vector<16xi32>
        %mul3A_572 = arith.constant 256 : i32
        %mul3A_573 = arith.muli %reduce_min3A_501, %mul3A_572 : i32
        %add3A_574 = arith.constant 80 : i32
        %add3A_575 = arith.addi %mul3A_573, %add3A_574 : i32
        %get3A_576 = arith.index_cast %add3A_575 : i32 to index
        %get3A_577 = tpu.vector_load %arg6[%get3A_576] {strides = array<i32>} : memref<6400xf32, #tpu.memory_space<vmem>>, vector<16xf32>,
        %eq3A_578 = arith.cmpf oeq, %get3A_577, %broadcast_in_dim3A_225 : vector<16xf32>
        %all_reduce_ffs3A_579 = tpu.all_reduce %eq3A_578 {dim = 0 : i64, kind = #tpu.reduction_kind<find_first_set>} : vector<16xi1> -> vector<16xi32>
        %lt3A_580 = arith.constant 16 : i32
        %lt3A_581 = vector.broadcast %lt3A_580 : i32 to vector<16xi32>
        %lt3A_582 = arith.cmpi slt, %all_reduce_ffs3A_579, %lt3A_581 : vector<16xi32>
        %broadcast_in_dim3A_583 = arith.constant 5 : i32
        %broadcast_in_dim3A_584 = vector.broadcast %broadcast_in_dim3A_583 : i32 to vector<16xi32>
        %select_n3A_585 = arith.select %lt3A_582, %broadcast_in_dim3A_584, %broadcast_in_dim3A_3 : vector<16xi1>, vector<16xi32>
        %mul3A_586 = arith.constant 256 : i32
        %mul3A_587 = arith.muli %reduce_min3A_501, %mul3A_586 : i32
        %add3A_588 = arith.constant 96 : i32
        %add3A_589 = arith.addi %mul3A_587, %add3A_588 : i32
        %get3A_590 = arith.index_cast %add3A_589 : i32 to index
        %get3A_591 = tpu.vector_load %arg6[%get3A_590] {strides = array<i32>} : memref<6400xf32, #tpu.memory_space<vmem>>, vector<16xf32>,
        %eq3A_592 = arith.cmpf oeq, %get3A_591, %broadcast_in_dim3A_225 : vector<16xf32>
        %all_reduce_ffs3A_593 = tpu.all_reduce %eq3A_592 {dim = 0 : i64, kind = #tpu.reduction_kind<find_first_set>} : vector<16xi1> -> vector<16xi32>
        %lt3A_594 = arith.constant 16 : i32
        %lt3A_595 = vector.broadcast %lt3A_594 : i32 to vector<16xi32>
        %lt3A_596 = arith.cmpi slt, %all_reduce_ffs3A_593, %lt3A_595 : vector<16xi32>
        %broadcast_in_dim3A_597 = arith.constant 6 : i32
        %broadcast_in_dim3A_598 = vector.broadcast %broadcast_in_dim3A_597 : i32 to vector<16xi32>
        %select_n3A_599 = arith.select %lt3A_596, %broadcast_in_dim3A_598, %broadcast_in_dim3A_3 : vector<16xi1>, vector<16xi32>
        %mul3A_600 = arith.constant 256 : i32
        %mul3A_601 = arith.muli %reduce_min3A_501, %mul3A_600 : i32
        %add3A_602 = arith.constant 112 : i32
        %add3A_603 = arith.addi %mul3A_601, %add3A_602 : i32
        %get3A_604 = arith.index_cast %add3A_603 : i32 to index
        %get3A_605 = tpu.vector_load %arg6[%get3A_604] {strides = array<i32>} : memref<6400xf32, #tpu.memory_space<vmem>>, vector<16xf32>,
        %eq3A_606 = arith.cmpf oeq, %get3A_605, %broadcast_in_dim3A_225 : vector<16xf32>
        %all_reduce_ffs3A_607 = tpu.all_reduce %eq3A_606 {dim = 0 : i64, kind = #tpu.reduction_kind<find_first_set>} : vector<16xi1> -> vector<16xi32>
        %lt3A_608 = arith.constant 16 : i32
        %lt3A_609 = vector.broadcast %lt3A_608 : i32 to vector<16xi32>
        %lt3A_610 = arith.cmpi slt, %all_reduce_ffs3A_607, %lt3A_609 : vector<16xi32>
        %broadcast_in_dim3A_611 = arith.constant 7 : i32
        %broadcast_in_dim3A_612 = vector.broadcast %broadcast_in_dim3A_611 : i32 to vector<16xi32>
        %select_n3A_613 = arith.select %lt3A_610, %broadcast_in_dim3A_612, %broadcast_in_dim3A_3 : vector<16xi1>, vector<16xi32>
        %mul3A_614 = arith.constant 256 : i32
        %mul3A_615 = arith.muli %reduce_min3A_501, %mul3A_614 : i32
        %add3A_616 = arith.constant 128 : i32
        %add3A_617 = arith.addi %mul3A_615, %add3A_616 : i32
        %get3A_618 = arith.index_cast %add3A_617 : i32 to index
        %get3A_619 = tpu.vector_load %arg6[%get3A_618] {strides = array<i32>} : memref<6400xf32, #tpu.memory_space<vmem>>, vector<16xf32>,
        %eq3A_620 = arith.cmpf oeq, %get3A_619, %broadcast_in_dim3A_225 : vector<16xf32>
        %all_reduce_ffs3A_621 = tpu.all_reduce %eq3A_620 {dim = 0 : i64, kind = #tpu.reduction_kind<find_first_set>} : vector<16xi1> -> vector<16xi32>
        %lt3A_622 = arith.constant 16 : i32
        %lt3A_623 = vector.broadcast %lt3A_622 : i32 to vector<16xi32>
        %lt3A_624 = arith.cmpi slt, %all_reduce_ffs3A_621, %lt3A_623 : vector<16xi32>
        %broadcast_in_dim3A_625 = arith.constant 8 : i32
        %broadcast_in_dim3A_626 = vector.broadcast %broadcast_in_dim3A_625 : i32 to vector<16xi32>
        %select_n3A_627 = arith.select %lt3A_624, %broadcast_in_dim3A_626, %broadcast_in_dim3A_3 : vector<16xi1>, vector<16xi32>
        %mul3A_628 = arith.constant 256 : i32
        %mul3A_629 = arith.muli %reduce_min3A_501, %mul3A_628 : i32
        %add3A_630 = arith.constant 144 : i32
        %add3A_631 = arith.addi %mul3A_629, %add3A_630 : i32
        %get3A_632 = arith.index_cast %add3A_631 : i32 to index
        %get3A_633 = tpu.vector_load %arg6[%get3A_632] {strides = array<i32>} : memref<6400xf32, #tpu.memory_space<vmem>>, vector<16xf32>,
        %eq3A_634 = arith.cmpf oeq, %get3A_633, %broadcast_in_dim3A_225 : vector<16xf32>
        %all_reduce_ffs3A_635 = tpu.all_reduce %eq3A_634 {dim = 0 : i64, kind = #tpu.reduction_kind<find_first_set>} : vector<16xi1> -> vector<16xi32>
        %lt3A_636 = arith.constant 16 : i32
        %lt3A_637 = vector.broadcast %lt3A_636 : i32 to vector<16xi32>
        %lt3A_638 = arith.cmpi slt, %all_reduce_ffs3A_635, %lt3A_637 : vector<16xi32>
        %broadcast_in_dim3A_639 = arith.constant 9 : i32
        %broadcast_in_dim3A_640 = vector.broadcast %broadcast_in_dim3A_639 : i32 to vector<16xi32>
        %select_n3A_641 = arith.select %lt3A_638, %broadcast_in_dim3A_640, %broadcast_in_dim3A_3 : vector<16xi1>, vector<16xi32>
        %mul3A_642 = arith.constant 256 : i32
        %mul3A_643 = arith.muli %reduce_min3A_501, %mul3A_642 : i32
        %add3A_644 = arith.constant 160 : i32
        %add3A_645 = arith.addi %mul3A_643, %add3A_644 : i32
        %get3A_646 = arith.index_cast %add3A_645 : i32 to index
        %get3A_647 = tpu.vector_load %arg6[%get3A_646] {strides = array<i32>} : memref<6400xf32, #tpu.memory_space<vmem>>, vector<16xf32>,
        %eq3A_648 = arith.cmpf oeq, %get3A_647, %broadcast_in_dim3A_225 : vector<16xf32>
        %all_reduce_ffs3A_649 = tpu.all_reduce %eq3A_648 {dim = 0 : i64, kind = #tpu.reduction_kind<find_first_set>} : vector<16xi1> -> vector<16xi32>
        %lt3A_650 = arith.constant 16 : i32
        %lt3A_651 = vector.broadcast %lt3A_650 : i32 to vector<16xi32>
        %lt3A_652 = arith.cmpi slt, %all_reduce_ffs3A_649, %lt3A_651 : vector<16xi32>
        %broadcast_in_dim3A_653 = arith.constant 10 : i32
        %broadcast_in_dim3A_654 = vector.broadcast %broadcast_in_dim3A_653 : i32 to vector<16xi32>
        %select_n3A_655 = arith.select %lt3A_652, %broadcast_in_dim3A_654, %broadcast_in_dim3A_3 : vector<16xi1>, vector<16xi32>
        %mul3A_656 = arith.constant 256 : i32
        %mul3A_657 = arith.muli %reduce_min3A_501, %mul3A_656 : i32
        %add3A_658 = arith.constant 176 : i32
        %add3A_659 = arith.addi %mul3A_657, %add3A_658 : i32
        %get3A_660 = arith.index_cast %add3A_659 : i32 to index
        %get3A_661 = tpu.vector_load %arg6[%get3A_660] {strides = array<i32>} : memref<6400xf32, #tpu.memory_space<vmem>>, vector<16xf32>,
        %eq3A_662 = arith.cmpf oeq, %get3A_661, %broadcast_in_dim3A_225 : vector<16xf32>
        %all_reduce_ffs3A_663 = tpu.all_reduce %eq3A_662 {dim = 0 : i64, kind = #tpu.reduction_kind<find_first_set>} : vector<16xi1> -> vector<16xi32>
        %lt3A_664 = arith.constant 16 : i32
        %lt3A_665 = vector.broadcast %lt3A_664 : i32 to vector<16xi32>
        %lt3A_666 = arith.cmpi slt, %all_reduce_ffs3A_663, %lt3A_665 : vector<16xi32>
        %broadcast_in_dim3A_667 = arith.constant 11 : i32
        %broadcast_in_dim3A_668 = vector.broadcast %broadcast_in_dim3A_667 : i32 to vector<16xi32>
        %select_n3A_669 = arith.select %lt3A_666, %broadcast_in_dim3A_668, %broadcast_in_dim3A_3 : vector<16xi1>, vector<16xi32>
        %mul3A_670 = arith.constant 256 : i32
        %mul3A_671 = arith.muli %reduce_min3A_501, %mul3A_670 : i32
        %add3A_672 = arith.constant 192 : i32
        %add3A_673 = arith.addi %mul3A_671, %add3A_672 : i32
        %get3A_674 = arith.index_cast %add3A_673 : i32 to index
        %get3A_675 = tpu.vector_load %arg6[%get3A_674] {strides = array<i32>} : memref<6400xf32, #tpu.memory_space<vmem>>, vector<16xf32>,
        %eq3A_676 = arith.cmpf oeq, %get3A_675, %broadcast_in_dim3A_225 : vector<16xf32>
        %all_reduce_ffs3A_677 = tpu.all_reduce %eq3A_676 {dim = 0 : i64, kind = #tpu.reduction_kind<find_first_set>} : vector<16xi1> -> vector<16xi32>
        %lt3A_678 = arith.constant 16 : i32
        %lt3A_679 = vector.broadcast %lt3A_678 : i32 to vector<16xi32>
        %lt3A_680 = arith.cmpi slt, %all_reduce_ffs3A_677, %lt3A_679 : vector<16xi32>
        %broadcast_in_dim3A_681 = arith.constant 12 : i32
        %broadcast_in_dim3A_682 = vector.broadcast %broadcast_in_dim3A_681 : i32 to vector<16xi32>
        %select_n3A_683 = arith.select %lt3A_680, %broadcast_in_dim3A_682, %broadcast_in_dim3A_3 : vector<16xi1>, vector<16xi32>
        %mul3A_684 = arith.constant 256 : i32
        %mul3A_685 = arith.muli %reduce_min3A_501, %mul3A_684 : i32
        %add3A_686 = arith.constant 208 : i32
        %add3A_687 = arith.addi %mul3A_685, %add3A_686 : i32
        %get3A_688 = arith.index_cast %add3A_687 : i32 to index
        %get3A_689 = tpu.vector_load %arg6[%get3A_688] {strides = array<i32>} : memref<6400xf32, #tpu.memory_space<vmem>>, vector<16xf32>,
        %eq3A_690 = arith.cmpf oeq, %get3A_689, %broadcast_in_dim3A_225 : vector<16xf32>
        %all_reduce_ffs3A_691 = tpu.all_reduce %eq3A_690 {dim = 0 : i64, kind = #tpu.reduction_kind<find_first_set>} : vector<16xi1> -> vector<16xi32>
        %lt3A_692 = arith.constant 16 : i32
        %lt3A_693 = vector.broadcast %lt3A_692 : i32 to vector<16xi32>
        %lt3A_694 = arith.cmpi slt, %all_reduce_ffs3A_691, %lt3A_693 : vector<16xi32>
        %broadcast_in_dim3A_695 = arith.constant 13 : i32
        %broadcast_in_dim3A_696 = vector.broadcast %broadcast_in_dim3A_695 : i32 to vector<16xi32>
        %select_n3A_697 = arith.select %lt3A_694, %broadcast_in_dim3A_696, %broadcast_in_dim3A_3 : vector<16xi1>, vector<16xi32>
        %mul3A_698 = arith.constant 256 : i32
        %mul3A_699 = arith.muli %reduce_min3A_501, %mul3A_698 : i32
        %add3A_700 = arith.constant 224 : i32
        %add3A_701 = arith.addi %mul3A_699, %add3A_700 : i32
        %get3A_702 = arith.index_cast %add3A_701 : i32 to index
        %get3A_703 = tpu.vector_load %arg6[%get3A_702] {strides = array<i32>} : memref<6400xf32, #tpu.memory_space<vmem>>, vector<16xf32>,
        %eq3A_704 = arith.cmpf oeq, %get3A_703, %broadcast_in_dim3A_225 : vector<16xf32>
        %all_reduce_ffs3A_705 = tpu.all_reduce %eq3A_704 {dim = 0 : i64, kind = #tpu.reduction_kind<find_first_set>} : vector<16xi1> -> vector<16xi32>
        %lt3A_706 = arith.constant 16 : i32
        %lt3A_707 = vector.broadcast %lt3A_706 : i32 to vector<16xi32>
        %lt3A_708 = arith.cmpi slt, %all_reduce_ffs3A_705, %lt3A_707 : vector<16xi32>
        %broadcast_in_dim3A_709 = arith.constant 14 : i32
        %broadcast_in_dim3A_710 = vector.broadcast %broadcast_in_dim3A_709 : i32 to vector<16xi32>
        %select_n3A_711 = arith.select %lt3A_708, %broadcast_in_dim3A_710, %broadcast_in_dim3A_3 : vector<16xi1>, vector<16xi32>
        %mul3A_712 = arith.constant 256 : i32
        %mul3A_713 = arith.muli %reduce_min3A_501, %mul3A_712 : i32
        %add3A_714 = arith.constant 240 : i32
        %add3A_715 = arith.addi %mul3A_713, %add3A_714 : i32
        %get3A_716 = arith.index_cast %add3A_715 : i32 to index
        %get3A_717 = tpu.vector_load %arg6[%get3A_716] {strides = array<i32>} : memref<6400xf32, #tpu.memory_space<vmem>>, vector<16xf32>,
        %eq3A_718 = arith.cmpf oeq, %get3A_717, %broadcast_in_dim3A_225 : vector<16xf32>
        %all_reduce_ffs3A_719 = tpu.all_reduce %eq3A_718 {dim = 0 : i64, kind = #tpu.reduction_kind<find_first_set>} : vector<16xi1> -> vector<16xi32>
        %lt3A_720 = arith.constant 16 : i32
        %lt3A_721 = vector.broadcast %lt3A_720 : i32 to vector<16xi32>
        %lt3A_722 = arith.cmpi slt, %all_reduce_ffs3A_719, %lt3A_721 : vector<16xi32>
        %broadcast_in_dim3A_723 = arith.constant 15 : i32
        %broadcast_in_dim3A_724 = vector.broadcast %broadcast_in_dim3A_723 : i32 to vector<16xi32>
        %select_n3A_725 = arith.select %lt3A_722, %broadcast_in_dim3A_724, %broadcast_in_dim3A_3 : vector<16xi1>, vector<16xi32>
        %mul3A_726 = arith.constant 16 : i32
        %mul3A_727 = arith.muli %reduce_min3A_501, %mul3A_726 : i32
        %min3A_728 = arith.minsi %select_n3A_515, %select_n3A_529 : vector<16xi32>
        %min3A_729 = arith.minsi %select_n3A_543, %select_n3A_557 : vector<16xi32>
        %min3A_730 = arith.minsi %select_n3A_571, %select_n3A_585 : vector<16xi32>
        %min3A_731 = arith.minsi %select_n3A_599, %select_n3A_613 : vector<16xi32>
        %min3A_732 = arith.minsi %select_n3A_627, %select_n3A_641 : vector<16xi32>
        %min3A_733 = arith.minsi %select_n3A_655, %select_n3A_669 : vector<16xi32>
        %min3A_734 = arith.minsi %select_n3A_683, %select_n3A_697 : vector<16xi32>
        %min3A_735 = arith.minsi %select_n3A_711, %select_n3A_725 : vector<16xi32>
        %min3A_736 = arith.minsi %min3A_728, %min3A_729 : vector<16xi32>
        %min3A_737 = arith.minsi %min3A_730, %min3A_731 : vector<16xi32>
        %min3A_738 = arith.minsi %min3A_732, %min3A_733 : vector<16xi32>
        %min3A_739 = arith.minsi %min3A_734, %min3A_735 : vector<16xi32>
        %min3A_740 = arith.minsi %min3A_736, %min3A_737 : vector<16xi32>
        %min3A_741 = arith.minsi %min3A_738, %min3A_739 : vector<16xi32>
        %min3A_742 = arith.minsi %min3A_740, %min3A_741 : vector<16xi32>
        %reduce_min3A_743 = arith.constant true
        %reduce_min3A_744 = vector.broadcast %reduce_min3A_743 : i1 to vector<16xi1>
        %reduce_min3A_745 = arith.constant -2147483648 : i32
        %reduce_min3A_746 = vector.broadcast %reduce_min3A_745 : i32 to vector<16xi32>
        %reduce_min3A_747 = arith.xori %min3A_742, %reduce_min3A_746 : vector<16xi32>
        %reduce_min3A_748 = tpu.scan <min>, %reduce_min3A_747 masked %reduce_min3A_744 : vector<16xi32>, vector<16xi1> -> vector<16xi32>
        %reduce_min3A_749 = arith.xori %reduce_min3A_748, %reduce_min3A_746 : vector<16xi32>
        %reduce_min3A_750 = vector.extract %reduce_min3A_749[15] : i32 from vector<16xi32>
        %add3A_751 = arith.addi %mul3A_727, %reduce_min3A_750 : i32
        %mul3A_752 = arith.constant 256 : i32
        %mul3A_753 = arith.muli %add3A_751, %mul3A_752 : i32
        %add3A_754 = arith.constant 0 : i32
        %add3A_755 = arith.addi %mul3A_753, %add3A_754 : i32
        %get3A_756 = arith.index_cast %add3A_755 : i32 to index
        %get3A_757 = tpu.vector_load %arg5[%get3A_756] {strides = array<i32>} : memref<100096xf32, #tpu.memory_space<vmem>>, vector<16xf32>,
        %eq3A_758 = arith.cmpf oeq, %get3A_757, %broadcast_in_dim3A_225 : vector<16xf32>
        %all_reduce_ffs3A_759 = tpu.all_reduce %eq3A_758 {dim = 0 : i64, kind = #tpu.reduction_kind<find_first_set>} : vector<16xi1> -> vector<16xi32>
        %lt3A_760 = arith.constant 16 : i32
        %lt3A_761 = vector.broadcast %lt3A_760 : i32 to vector<16xi32>
        %lt3A_762 = arith.cmpi slt, %all_reduce_ffs3A_759, %lt3A_761 : vector<16xi32>
        %add3A_763 = arith.constant 0 : i32
        %add3A_764 = vector.broadcast %add3A_763 : i32 to vector<16xi32>
        %add3A_765 = arith.addi %all_reduce_ffs3A_759, %add3A_764 : vector<16xi32>
        %select_n3A_766 = arith.select %lt3A_762, %add3A_765, %broadcast_in_dim3A_3 : vector<16xi1>, vector<16xi32>
        %mul3A_767 = arith.constant 256 : i32
        %mul3A_768 = arith.muli %add3A_751, %mul3A_767 : i32
        %add3A_769 = arith.constant 16 : i32
        %add3A_770 = arith.addi %mul3A_768, %add3A_769 : i32
        %get3A_771 = arith.index_cast %add3A_770 : i32 to index
        %get3A_772 = tpu.vector_load %arg5[%get3A_771] {strides = array<i32>} : memref<100096xf32, #tpu.memory_space<vmem>>, vector<16xf32>,
        %eq3A_773 = arith.cmpf oeq, %get3A_772, %broadcast_in_dim3A_225 : vector<16xf32>
        %all_reduce_ffs3A_774 = tpu.all_reduce %eq3A_773 {dim = 0 : i64, kind = #tpu.reduction_kind<find_first_set>} : vector<16xi1> -> vector<16xi32>
        %lt3A_775 = arith.constant 16 : i32
        %lt3A_776 = vector.broadcast %lt3A_775 : i32 to vector<16xi32>
        %lt3A_777 = arith.cmpi slt, %all_reduce_ffs3A_774, %lt3A_776 : vector<16xi32>
        %add3A_778 = arith.constant 16 : i32
        %add3A_779 = vector.broadcast %add3A_778 : i32 to vector<16xi32>
        %add3A_780 = arith.addi %all_reduce_ffs3A_774, %add3A_779 : vector<16xi32>
        %select_n3A_781 = arith.select %lt3A_777, %add3A_780, %broadcast_in_dim3A_3 : vector<16xi1>, vector<16xi32>
        %mul3A_782 = arith.constant 256 : i32
        %mul3A_783 = arith.muli %add3A_751, %mul3A_782 : i32
        %add3A_784 = arith.constant 32 : i32
        %add3A_785 = arith.addi %mul3A_783, %add3A_784 : i32
        %get3A_786 = arith.index_cast %add3A_785 : i32 to index
        %get3A_787 = tpu.vector_load %arg5[%get3A_786] {strides = array<i32>} : memref<100096xf32, #tpu.memory_space<vmem>>, vector<16xf32>,
        %eq3A_788 = arith.cmpf oeq, %get3A_787, %broadcast_in_dim3A_225 : vector<16xf32>
        %all_reduce_ffs3A_789 = tpu.all_reduce %eq3A_788 {dim = 0 : i64, kind = #tpu.reduction_kind<find_first_set>} : vector<16xi1> -> vector<16xi32>
        %lt3A_790 = arith.constant 16 : i32
        %lt3A_791 = vector.broadcast %lt3A_790 : i32 to vector<16xi32>
        %lt3A_792 = arith.cmpi slt, %all_reduce_ffs3A_789, %lt3A_791 : vector<16xi32>
        %add3A_793 = arith.constant 32 : i32
        %add3A_794 = vector.broadcast %add3A_793 : i32 to vector<16xi32>
        %add3A_795 = arith.addi %all_reduce_ffs3A_789, %add3A_794 : vector<16xi32>
        %select_n3A_796 = arith.select %lt3A_792, %add3A_795, %broadcast_in_dim3A_3 : vector<16xi1>, vector<16xi32>
        %mul3A_797 = arith.constant 256 : i32
        %mul3A_798 = arith.muli %add3A_751, %mul3A_797 : i32
        %add3A_799 = arith.constant 48 : i32
        %add3A_800 = arith.addi %mul3A_798, %add3A_799 : i32
        %get3A_801 = arith.index_cast %add3A_800 : i32 to index
        %get3A_802 = tpu.vector_load %arg5[%get3A_801] {strides = array<i32>} : memref<100096xf32, #tpu.memory_space<vmem>>, vector<16xf32>,
        %eq3A_803 = arith.cmpf oeq, %get3A_802, %broadcast_in_dim3A_225 : vector<16xf32>
        %all_reduce_ffs3A_804 = tpu.all_reduce %eq3A_803 {dim = 0 : i64, kind = #tpu.reduction_kind<find_first_set>} : vector<16xi1> -> vector<16xi32>
        %lt3A_805 = arith.constant 16 : i32
        %lt3A_806 = vector.broadcast %lt3A_805 : i32 to vector<16xi32>
        %lt3A_807 = arith.cmpi slt, %all_reduce_ffs3A_804, %lt3A_806 : vector<16xi32>
        %add3A_808 = arith.constant 48 : i32
        %add3A_809 = vector.broadcast %add3A_808 : i32 to vector<16xi32>
        %add3A_810 = arith.addi %all_reduce_ffs3A_804, %add3A_809 : vector<16xi32>
        %select_n3A_811 = arith.select %lt3A_807, %add3A_810, %broadcast_in_dim3A_3 : vector<16xi1>, vector<16xi32>
        %mul3A_812 = arith.constant 256 : i32
        %mul3A_813 = arith.muli %add3A_751, %mul3A_812 : i32
        %add3A_814 = arith.constant 64 : i32
        %add3A_815 = arith.addi %mul3A_813, %add3A_814 : i32
        %get3A_816 = arith.index_cast %add3A_815 : i32 to index
        %get3A_817 = tpu.vector_load %arg5[%get3A_816] {strides = array<i32>} : memref<100096xf32, #tpu.memory_space<vmem>>, vector<16xf32>,
        %eq3A_818 = arith.cmpf oeq, %get3A_817, %broadcast_in_dim3A_225 : vector<16xf32>
        %all_reduce_ffs3A_819 = tpu.all_reduce %eq3A_818 {dim = 0 : i64, kind = #tpu.reduction_kind<find_first_set>} : vector<16xi1> -> vector<16xi32>
        %lt3A_820 = arith.constant 16 : i32
        %lt3A_821 = vector.broadcast %lt3A_820 : i32 to vector<16xi32>
        %lt3A_822 = arith.cmpi slt, %all_reduce_ffs3A_819, %lt3A_821 : vector<16xi32>
        %add3A_823 = arith.constant 64 : i32
        %add3A_824 = vector.broadcast %add3A_823 : i32 to vector<16xi32>
        %add3A_825 = arith.addi %all_reduce_ffs3A_819, %add3A_824 : vector<16xi32>
        %select_n3A_826 = arith.select %lt3A_822, %add3A_825, %broadcast_in_dim3A_3 : vector<16xi1>, vector<16xi32>
        %mul3A_827 = arith.constant 256 : i32
        %mul3A_828 = arith.muli %add3A_751, %mul3A_827 : i32
        %add3A_829 = arith.constant 80 : i32
        %add3A_830 = arith.addi %mul3A_828, %add3A_829 : i32
        %get3A_831 = arith.index_cast %add3A_830 : i32 to index
        %get3A_832 = tpu.vector_load %arg5[%get3A_831] {strides = array<i32>} : memref<100096xf32, #tpu.memory_space<vmem>>, vector<16xf32>,
        %eq3A_833 = arith.cmpf oeq, %get3A_832, %broadcast_in_dim3A_225 : vector<16xf32>
        %all_reduce_ffs3A_834 = tpu.all_reduce %eq3A_833 {dim = 0 : i64, kind = #tpu.reduction_kind<find_first_set>} : vector<16xi1> -> vector<16xi32>
        %lt3A_835 = arith.constant 16 : i32
        %lt3A_836 = vector.broadcast %lt3A_835 : i32 to vector<16xi32>
        %lt3A_837 = arith.cmpi slt, %all_reduce_ffs3A_834, %lt3A_836 : vector<16xi32>
        %add3A_838 = arith.constant 80 : i32
        %add3A_839 = vector.broadcast %add3A_838 : i32 to vector<16xi32>
        %add3A_840 = arith.addi %all_reduce_ffs3A_834, %add3A_839 : vector<16xi32>
        %select_n3A_841 = arith.select %lt3A_837, %add3A_840, %broadcast_in_dim3A_3 : vector<16xi1>, vector<16xi32>
        %mul3A_842 = arith.constant 256 : i32
        %mul3A_843 = arith.muli %add3A_751, %mul3A_842 : i32
        %add3A_844 = arith.constant 96 : i32
        %add3A_845 = arith.addi %mul3A_843, %add3A_844 : i32
        %get3A_846 = arith.index_cast %add3A_845 : i32 to index
        %get3A_847 = tpu.vector_load %arg5[%get3A_846] {strides = array<i32>} : memref<100096xf32, #tpu.memory_space<vmem>>, vector<16xf32>,
        %eq3A_848 = arith.cmpf oeq, %get3A_847, %broadcast_in_dim3A_225 : vector<16xf32>
        %all_reduce_ffs3A_849 = tpu.all_reduce %eq3A_848 {dim = 0 : i64, kind = #tpu.reduction_kind<find_first_set>} : vector<16xi1> -> vector<16xi32>
        %lt3A_850 = arith.constant 16 : i32
        %lt3A_851 = vector.broadcast %lt3A_850 : i32 to vector<16xi32>
        %lt3A_852 = arith.cmpi slt, %all_reduce_ffs3A_849, %lt3A_851 : vector<16xi32>
        %add3A_853 = arith.constant 96 : i32
        %add3A_854 = vector.broadcast %add3A_853 : i32 to vector<16xi32>
        %add3A_855 = arith.addi %all_reduce_ffs3A_849, %add3A_854 : vector<16xi32>
        %select_n3A_856 = arith.select %lt3A_852, %add3A_855, %broadcast_in_dim3A_3 : vector<16xi1>, vector<16xi32>
        %mul3A_857 = arith.constant 256 : i32
        %mul3A_858 = arith.muli %add3A_751, %mul3A_857 : i32
        %add3A_859 = arith.constant 112 : i32
        %add3A_860 = arith.addi %mul3A_858, %add3A_859 : i32
        %get3A_861 = arith.index_cast %add3A_860 : i32 to index
        %get3A_862 = tpu.vector_load %arg5[%get3A_861] {strides = array<i32>} : memref<100096xf32, #tpu.memory_space<vmem>>, vector<16xf32>,
        %eq3A_863 = arith.cmpf oeq, %get3A_862, %broadcast_in_dim3A_225 : vector<16xf32>
        %all_reduce_ffs3A_864 = tpu.all_reduce %eq3A_863 {dim = 0 : i64, kind = #tpu.reduction_kind<find_first_set>} : vector<16xi1> -> vector<16xi32>
        %lt3A_865 = arith.constant 16 : i32
        %lt3A_866 = vector.broadcast %lt3A_865 : i32 to vector<16xi32>
        %lt3A_867 = arith.cmpi slt, %all_reduce_ffs3A_864, %lt3A_866 : vector<16xi32>
        %add3A_868 = arith.constant 112 : i32
        %add3A_869 = vector.broadcast %add3A_868 : i32 to vector<16xi32>
        %add3A_870 = arith.addi %all_reduce_ffs3A_864, %add3A_869 : vector<16xi32>
        %select_n3A_871 = arith.select %lt3A_867, %add3A_870, %broadcast_in_dim3A_3 : vector<16xi1>, vector<16xi32>
        %mul3A_872 = arith.constant 256 : i32
        %mul3A_873 = arith.muli %add3A_751, %mul3A_872 : i32
        %add3A_874 = arith.constant 128 : i32
        %add3A_875 = arith.addi %mul3A_873, %add3A_874 : i32
        %get3A_876 = arith.index_cast %add3A_875 : i32 to index
        %get3A_877 = tpu.vector_load %arg5[%get3A_876] {strides = array<i32>} : memref<100096xf32, #tpu.memory_space<vmem>>, vector<16xf32>,
        %eq3A_878 = arith.cmpf oeq, %get3A_877, %broadcast_in_dim3A_225 : vector<16xf32>
        %all_reduce_ffs3A_879 = tpu.all_reduce %eq3A_878 {dim = 0 : i64, kind = #tpu.reduction_kind<find_first_set>} : vector<16xi1> -> vector<16xi32>
        %lt3A_880 = arith.constant 16 : i32
        %lt3A_881 = vector.broadcast %lt3A_880 : i32 to vector<16xi32>
        %lt3A_882 = arith.cmpi slt, %all_reduce_ffs3A_879, %lt3A_881 : vector<16xi32>
        %add3A_883 = arith.constant 128 : i32
        %add3A_884 = vector.broadcast %add3A_883 : i32 to vector<16xi32>
        %add3A_885 = arith.addi %all_reduce_ffs3A_879, %add3A_884 : vector<16xi32>
        %select_n3A_886 = arith.select %lt3A_882, %add3A_885, %broadcast_in_dim3A_3 : vector<16xi1>, vector<16xi32>
        %mul3A_887 = arith.constant 256 : i32
        %mul3A_888 = arith.muli %add3A_751, %mul3A_887 : i32
        %add3A_889 = arith.constant 144 : i32
        %add3A_890 = arith.addi %mul3A_888, %add3A_889 : i32
        %get3A_891 = arith.index_cast %add3A_890 : i32 to index
        %get3A_892 = tpu.vector_load %arg5[%get3A_891] {strides = array<i32>} : memref<100096xf32, #tpu.memory_space<vmem>>, vector<16xf32>,
        %eq3A_893 = arith.cmpf oeq, %get3A_892, %broadcast_in_dim3A_225 : vector<16xf32>
        %all_reduce_ffs3A_894 = tpu.all_reduce %eq3A_893 {dim = 0 : i64, kind = #tpu.reduction_kind<find_first_set>} : vector<16xi1> -> vector<16xi32>
        %lt3A_895 = arith.constant 16 : i32
        %lt3A_896 = vector.broadcast %lt3A_895 : i32 to vector<16xi32>
        %lt3A_897 = arith.cmpi slt, %all_reduce_ffs3A_894, %lt3A_896 : vector<16xi32>
        %add3A_898 = arith.constant 144 : i32
        %add3A_899 = vector.broadcast %add3A_898 : i32 to vector<16xi32>
        %add3A_900 = arith.addi %all_reduce_ffs3A_894, %add3A_899 : vector<16xi32>
        %select_n3A_901 = arith.select %lt3A_897, %add3A_900, %broadcast_in_dim3A_3 : vector<16xi1>, vector<16xi32>
        %mul3A_902 = arith.constant 256 : i32
        %mul3A_903 = arith.muli %add3A_751, %mul3A_902 : i32
        %add3A_904 = arith.constant 160 : i32
        %add3A_905 = arith.addi %mul3A_903, %add3A_904 : i32
        %get3A_906 = arith.index_cast %add3A_905 : i32 to index
        %get3A_907 = tpu.vector_load %arg5[%get3A_906] {strides = array<i32>} : memref<100096xf32, #tpu.memory_space<vmem>>, vector<16xf32>,
        %eq3A_908 = arith.cmpf oeq, %get3A_907, %broadcast_in_dim3A_225 : vector<16xf32>
        %all_reduce_ffs3A_909 = tpu.all_reduce %eq3A_908 {dim = 0 : i64, kind = #tpu.reduction_kind<find_first_set>} : vector<16xi1> -> vector<16xi32>
        %lt3A_910 = arith.constant 16 : i32
        %lt3A_911 = vector.broadcast %lt3A_910 : i32 to vector<16xi32>
        %lt3A_912 = arith.cmpi slt, %all_reduce_ffs3A_909, %lt3A_911 : vector<16xi32>
        %add3A_913 = arith.constant 160 : i32
        %add3A_914 = vector.broadcast %add3A_913 : i32 to vector<16xi32>
        %add3A_915 = arith.addi %all_reduce_ffs3A_909, %add3A_914 : vector<16xi32>
        %select_n3A_916 = arith.select %lt3A_912, %add3A_915, %broadcast_in_dim3A_3 : vector<16xi1>, vector<16xi32>
        %mul3A_917 = arith.constant 256 : i32
        %mul3A_918 = arith.muli %add3A_751, %mul3A_917 : i32
        %add3A_919 = arith.constant 176 : i32
        %add3A_920 = arith.addi %mul3A_918, %add3A_919 : i32
        %get3A_921 = arith.index_cast %add3A_920 : i32 to index
        %get3A_922 = tpu.vector_load %arg5[%get3A_921] {strides = array<i32>} : memref<100096xf32, #tpu.memory_space<vmem>>, vector<16xf32>,
        %eq3A_923 = arith.cmpf oeq, %get3A_922, %broadcast_in_dim3A_225 : vector<16xf32>
        %all_reduce_ffs3A_924 = tpu.all_reduce %eq3A_923 {dim = 0 : i64, kind = #tpu.reduction_kind<find_first_set>} : vector<16xi1> -> vector<16xi32>
        %lt3A_925 = arith.constant 16 : i32
        %lt3A_926 = vector.broadcast %lt3A_925 : i32 to vector<16xi32>
        %lt3A_927 = arith.cmpi slt, %all_reduce_ffs3A_924, %lt3A_926 : vector<16xi32>
        %add3A_928 = arith.constant 176 : i32
        %add3A_929 = vector.broadcast %add3A_928 : i32 to vector<16xi32>
        %add3A_930 = arith.addi %all_reduce_ffs3A_924, %add3A_929 : vector<16xi32>
        %select_n3A_931 = arith.select %lt3A_927, %add3A_930, %broadcast_in_dim3A_3 : vector<16xi1>, vector<16xi32>
        %mul3A_932 = arith.constant 256 : i32
        %mul3A_933 = arith.muli %add3A_751, %mul3A_932 : i32
        %add3A_934 = arith.constant 192 : i32
        %add3A_935 = arith.addi %mul3A_933, %add3A_934 : i32
        %get3A_936 = arith.index_cast %add3A_935 : i32 to index
        %get3A_937 = tpu.vector_load %arg5[%get3A_936] {strides = array<i32>} : memref<100096xf32, #tpu.memory_space<vmem>>, vector<16xf32>,
        %eq3A_938 = arith.cmpf oeq, %get3A_937, %broadcast_in_dim3A_225 : vector<16xf32>
        %all_reduce_ffs3A_939 = tpu.all_reduce %eq3A_938 {dim = 0 : i64, kind = #tpu.reduction_kind<find_first_set>} : vector<16xi1> -> vector<16xi32>
        %lt3A_940 = arith.constant 16 : i32
        %lt3A_941 = vector.broadcast %lt3A_940 : i32 to vector<16xi32>
        %lt3A_942 = arith.cmpi slt, %all_reduce_ffs3A_939, %lt3A_941 : vector<16xi32>
        %add3A_943 = arith.constant 192 : i32
        %add3A_944 = vector.broadcast %add3A_943 : i32 to vector<16xi32>
        %add3A_945 = arith.addi %all_reduce_ffs3A_939, %add3A_944 : vector<16xi32>
        %select_n3A_946 = arith.select %lt3A_942, %add3A_945, %broadcast_in_dim3A_3 : vector<16xi1>, vector<16xi32>
        %mul3A_947 = arith.constant 256 : i32
        %mul3A_948 = arith.muli %add3A_751, %mul3A_947 : i32
        %add3A_949 = arith.constant 208 : i32
        %add3A_950 = arith.addi %mul3A_948, %add3A_949 : i32
        %get3A_951 = arith.index_cast %add3A_950 : i32 to index
        %get3A_952 = tpu.vector_load %arg5[%get3A_951] {strides = array<i32>} : memref<100096xf32, #tpu.memory_space<vmem>>, vector<16xf32>,
        %eq3A_953 = arith.cmpf oeq, %get3A_952, %broadcast_in_dim3A_225 : vector<16xf32>
        %all_reduce_ffs3A_954 = tpu.all_reduce %eq3A_953 {dim = 0 : i64, kind = #tpu.reduction_kind<find_first_set>} : vector<16xi1> -> vector<16xi32>
        %lt3A_955 = arith.constant 16 : i32
        %lt3A_956 = vector.broadcast %lt3A_955 : i32 to vector<16xi32>
        %lt3A_957 = arith.cmpi slt, %all_reduce_ffs3A_954, %lt3A_956 : vector<16xi32>
        %add3A_958 = arith.constant 208 : i32
        %add3A_959 = vector.broadcast %add3A_958 : i32 to vector<16xi32>
        %add3A_960 = arith.addi %all_reduce_ffs3A_954, %add3A_959 : vector<16xi32>
        %select_n3A_961 = arith.select %lt3A_957, %add3A_960, %broadcast_in_dim3A_3 : vector<16xi1>, vector<16xi32>
        %mul3A_962 = arith.constant 256 : i32
        %mul3A_963 = arith.muli %add3A_751, %mul3A_962 : i32
        %add3A_964 = arith.constant 224 : i32
        %add3A_965 = arith.addi %mul3A_963, %add3A_964 : i32
        %get3A_966 = arith.index_cast %add3A_965 : i32 to index
        %get3A_967 = tpu.vector_load %arg5[%get3A_966] {strides = array<i32>} : memref<100096xf32, #tpu.memory_space<vmem>>, vector<16xf32>,
        %eq3A_968 = arith.cmpf oeq, %get3A_967, %broadcast_in_dim3A_225 : vector<16xf32>
        %all_reduce_ffs3A_969 = tpu.all_reduce %eq3A_968 {dim = 0 : i64, kind = #tpu.reduction_kind<find_first_set>} : vector<16xi1> -> vector<16xi32>
        %lt3A_970 = arith.constant 16 : i32
        %lt3A_971 = vector.broadcast %lt3A_970 : i32 to vector<16xi32>
        %lt3A_972 = arith.cmpi slt, %all_reduce_ffs3A_969, %lt3A_971 : vector<16xi32>
        %add3A_973 = arith.constant 224 : i32
        %add3A_974 = vector.broadcast %add3A_973 : i32 to vector<16xi32>
        %add3A_975 = arith.addi %all_reduce_ffs3A_969, %add3A_974 : vector<16xi32>
        %select_n3A_976 = arith.select %lt3A_972, %add3A_975, %broadcast_in_dim3A_3 : vector<16xi1>, vector<16xi32>
        %mul3A_977 = arith.constant 256 : i32
        %mul3A_978 = arith.muli %add3A_751, %mul3A_977 : i32
        %add3A_979 = arith.constant 240 : i32
        %add3A_980 = arith.addi %mul3A_978, %add3A_979 : i32
        %get3A_981 = arith.index_cast %add3A_980 : i32 to index
        %get3A_982 = tpu.vector_load %arg5[%get3A_981] {strides = array<i32>} : memref<100096xf32, #tpu.memory_space<vmem>>, vector<16xf32>,
        %eq3A_983 = arith.cmpf oeq, %get3A_982, %broadcast_in_dim3A_225 : vector<16xf32>
        %all_reduce_ffs3A_984 = tpu.all_reduce %eq3A_983 {dim = 0 : i64, kind = #tpu.reduction_kind<find_first_set>} : vector<16xi1> -> vector<16xi32>
        %lt3A_985 = arith.constant 16 : i32
        %lt3A_986 = vector.broadcast %lt3A_985 : i32 to vector<16xi32>
        %lt3A_987 = arith.cmpi slt, %all_reduce_ffs3A_984, %lt3A_986 : vector<16xi32>
        %add3A_988 = arith.constant 240 : i32
        %add3A_989 = vector.broadcast %add3A_988 : i32 to vector<16xi32>
        %add3A_990 = arith.addi %all_reduce_ffs3A_984, %add3A_989 : vector<16xi32>
        %select_n3A_991 = arith.select %lt3A_987, %add3A_990, %broadcast_in_dim3A_3 : vector<16xi1>, vector<16xi32>
        %min3A_992 = arith.minsi %select_n3A_766, %select_n3A_781 : vector<16xi32>
        %min3A_993 = arith.minsi %select_n3A_796, %select_n3A_811 : vector<16xi32>
        %min3A_994 = arith.minsi %select_n3A_826, %select_n3A_841 : vector<16xi32>
        %min3A_995 = arith.minsi %select_n3A_856, %select_n3A_871 : vector<16xi32>
        %min3A_996 = arith.minsi %select_n3A_886, %select_n3A_901 : vector<16xi32>
        %min3A_997 = arith.minsi %select_n3A_916, %select_n3A_931 : vector<16xi32>
        %min3A_998 = arith.minsi %select_n3A_946, %select_n3A_961 : vector<16xi32>
        %min3A_999 = arith.minsi %select_n3A_976, %select_n3A_991 : vector<16xi32>
        %min3A_1000 = arith.minsi %min3A_992, %min3A_993 : vector<16xi32>
        %min3A_1001 = arith.minsi %min3A_994, %min3A_995 : vector<16xi32>
        %min3A_1002 = arith.minsi %min3A_996, %min3A_997 : vector<16xi32>
        %min3A_1003 = arith.minsi %min3A_998, %min3A_999 : vector<16xi32>
        %min3A_1004 = arith.minsi %min3A_1000, %min3A_1001 : vector<16xi32>
        %min3A_1005 = arith.minsi %min3A_1002, %min3A_1003 : vector<16xi32>
        %min3A_1006 = arith.minsi %min3A_1004, %min3A_1005 : vector<16xi32>
        %reduce_min3A_1007 = arith.constant true
        %reduce_min3A_1008 = vector.broadcast %reduce_min3A_1007 : i1 to vector<16xi1>
        %reduce_min3A_1009 = arith.constant -2147483648 : i32
        %reduce_min3A_1010 = vector.broadcast %reduce_min3A_1009 : i32 to vector<16xi32>
        %reduce_min3A_1011 = arith.xori %min3A_1006, %reduce_min3A_1010 : vector<16xi32>
        %reduce_min3A_1012 = tpu.scan <min>, %reduce_min3A_1011 masked %reduce_min3A_1008 : vector<16xi32>, vector<16xi1> -> vector<16xi32>
        %reduce_min3A_1013 = arith.xori %reduce_min3A_1012, %reduce_min3A_1010 : vector<16xi32>
        %reduce_min3A_1014 = vector.extract %reduce_min3A_1013[15] : i32 from vector<16xi32>
        %mul3A_1015 = arith.constant 256 : i32
        %mul3A_1016 = arith.muli %add3A_751, %mul3A_1015 : i32
        %add3A_1017 = arith.addi %mul3A_1016, %reduce_min3A_1014 : i32
        %jit3A = arith.constant 16 : i32
        %div3A = arith.divsi %scan3A_149, %jit3A : i32
        %sign3A = arith.constant 0 : i32
        %sign3A_1018 = arith.cmpi sgt, %scan3A_149, %sign3A : i32
        %sign3A_1019 = arith.extui %sign3A_1018 : i1 to i32
        %sign3A_1020 = arith.constant 0 : i32
        %sign3A_1021 = arith.cmpi slt, %scan3A_149, %sign3A_1020 : i32
        %sign3A_1022 = arith.extui %sign3A_1021 : i1 to i32
        %sign3A_1023 = arith.subi %sign3A_1019, %sign3A_1022 : i32
        %sign3A_1024 = arith.constant 0 : i32
        %sign3A_1025 = arith.cmpi sgt, %jit3A, %sign3A_1024 : i32
        %sign3A_1026 = arith.extui %sign3A_1025 : i1 to i32
        %sign3A_1027 = arith.constant 0 : i32
        %sign3A_1028 = arith.cmpi slt, %jit3A, %sign3A_1027 : i32
        %sign3A_1029 = arith.extui %sign3A_1028 : i1 to i32
        %sign3A_1030 = arith.subi %sign3A_1026, %sign3A_1029 : i32
        %ne3A = arith.cmpi ne, %sign3A_1023, %sign3A_1030 : i32
        %rem3A = arith.remsi %scan3A_149, %jit3A : i32
        %ne3A_1031 = arith.constant 0 : i32
        %ne3A_1032 = arith.cmpi ne, %rem3A, %ne3A_1031 : i32
        %and3A = arith.andi %ne3A, %ne3A_1032 : i1
        %sub3A = arith.constant 1 : i32
        %sub3A_1033 = arith.subi %div3A, %sub3A : i32
        %select_n3A_1034 = arith.select %and3A, %sub3A_1033, %div3A : i32
        %mul3A_1035 = arith.constant 16 : i32
        %mul3A_1036 = arith.muli %select_n3A_1034, %mul3A_1035 : i32
        %jit3A_1037 = arith.constant 16 : i32
        %eq3A_1038 = arith.constant 0 : i32
        %eq3A_1039 = arith.cmpi eq, %jit3A_1037, %eq3A_1038 : i32
        %jit3A_1040 = arith.constant 1 : i32
        %select_n3A_1041 = arith.select %eq3A_1039, %jit3A_1040, %jit3A_1037 : i32
        %rem3A_1042 = arith.remsi %scan3A_149, %select_n3A_1041 : i32
        %ne3A_1043 = arith.constant 0 : i32
        %ne3A_1044 = arith.cmpi ne, %rem3A_1042, %ne3A_1043 : i32
        %lt3A_1045 = arith.constant 0 : i32
        %lt3A_1046 = arith.cmpi slt, %rem3A_1042, %lt3A_1045 : i32
        %lt3A_1047 = arith.constant 0 : i32
        %lt3A_1048 = arith.cmpi slt, %select_n3A_1041, %lt3A_1047 : i32
        %ne3A_1049 = arith.xori %lt3A_1046, %lt3A_1048 : i1
        %and3A_1050 = arith.andi %ne3A_1049, %ne3A_1044 : i1
        %add3A_1051 = arith.addi %rem3A_1042, %select_n3A_1041 : i32
        %select_n3A_1052 = arith.select %and3A_1050, %add3A_1051, %rem3A_1042 : i32
        %eq3A_1053 = vector.broadcast %select_n3A_1052 : i32 to vector<16xi32>
        %eq3A_1054 = arith.cmpi eq, %iota3A, %eq3A_1053 : vector<16xi32>
        %get3A_1055 = arith.index_cast %mul3A_1036 : i32 to index
        %get3A_1056 = tpu.vector_load %arg8[%get3A_1055] {strides = array<i32>} : memref<64xf32, #tpu.memory_space<vmem>>, vector<16xf32>,
        %select_n3A_1057 = arith.select %eq3A_1054, %broadcast_in_dim3A_225, %get3A_1056 : vector<16xi1>, vector<16xf32>
        %swap3A_1058 = arith.index_cast %mul3A_1036 : i32 to index
        %swap3A_1059 = tpu.vector_load %arg8[%swap3A_1058] {strides = array<i32>} : memref<64xf32, #tpu.memory_space<vmem>>, vector<16xf32>,
        tpu.vector_store %arg8[%swap3A_1058], %select_n3A_1057 {strides = array<i32>} : memref<64xf32, #tpu.memory_space<vmem>>, vector<16xf32>,
        %eq3A_1060 = vector.broadcast %select_n3A_1052 : i32 to vector<16xi32>
        %eq3A_1061 = arith.cmpi eq, %iota3A, %eq3A_1060 : vector<16xi32>
        %broadcast_in_dim3A_1062 = vector.broadcast %add3A_1017 : i32 to vector<16xi32>
        %get3A_1063 = arith.index_cast %mul3A_1036 : i32 to index
        %get3A_1064 = tpu.vector_load %arg9[%get3A_1063] {strides = array<i32>} : memref<64xi32, #tpu.memory_space<vmem>>, vector<16xi32>,
        %select_n3A_1065 = arith.select %eq3A_1061, %broadcast_in_dim3A_1062, %get3A_1064 : vector<16xi1>, vector<16xi32>
        %swap3A_1066 = arith.index_cast %mul3A_1036 : i32 to index
        %swap3A_1067 = tpu.vector_load %arg9[%swap3A_1066] {strides = array<i32>} : memref<64xi32, #tpu.memory_space<vmem>>, vector<16xi32>,
        tpu.vector_store %arg9[%swap3A_1066], %select_n3A_1065 {strides = array<i32>} : memref<64xi32, #tpu.memory_space<vmem>>, vector<16xi32>,
        %mul3A_1068 = arith.constant 256 : i32
        %mul3A_1069 = arith.muli %add3A_751, %mul3A_1068 : i32
        %jit3A_1070 = arith.constant 16 : i32
        %div3A_1071 = arith.divsi %reduce_min3A_1014, %jit3A_1070 : i32
        %sign3A_1072 = arith.constant 0 : i32
        %sign3A_1073 = arith.cmpi sgt, %reduce_min3A_1014, %sign3A_1072 : i32
        %sign3A_1074 = arith.extui %sign3A_1073 : i1 to i32
        %sign3A_1075 = arith.constant 0 : i32
        %sign3A_1076 = arith.cmpi slt, %reduce_min3A_1014, %sign3A_1075 : i32
        %sign3A_1077 = arith.extui %sign3A_1076 : i1 to i32
        %sign3A_1078 = arith.subi %sign3A_1074, %sign3A_1077 : i32
        %sign3A_1079 = arith.constant 0 : i32
        %sign3A_1080 = arith.cmpi sgt, %jit3A_1070, %sign3A_1079 : i32
        %sign3A_1081 = arith.extui %sign3A_1080 : i1 to i32
        %sign3A_1082 = arith.constant 0 : i32
        %sign3A_1083 = arith.cmpi slt, %jit3A_1070, %sign3A_1082 : i32
        %sign3A_1084 = arith.extui %sign3A_1083 : i1 to i32
        %sign3A_1085 = arith.subi %sign3A_1081, %sign3A_1084 : i32
        %ne3A_1086 = arith.cmpi ne, %sign3A_1078, %sign3A_1085 : i32
        %rem3A_1087 = arith.remsi %reduce_min3A_1014, %jit3A_1070 : i32
        %ne3A_1088 = arith.constant 0 : i32
        %ne3A_1089 = arith.cmpi ne, %rem3A_1087, %ne3A_1088 : i32
        %and3A_1090 = arith.andi %ne3A_1086, %ne3A_1089 : i1
        %sub3A_1091 = arith.constant 1 : i32
        %sub3A_1092 = arith.subi %div3A_1071, %sub3A_1091 : i32
        %select_n3A_1093 = arith.select %and3A_1090, %sub3A_1092, %div3A_1071 : i32
        %mul3A_1094 = arith.constant 16 : i32
        %mul3A_1095 = arith.muli %select_n3A_1093, %mul3A_1094 : i32
        %add3A_1096 = arith.addi %mul3A_1069, %mul3A_1095 : i32
        %jit3A_1097 = arith.constant 16 : i32
        %eq3A_1098 = arith.constant 0 : i32
        %eq3A_1099 = arith.cmpi eq, %jit3A_1097, %eq3A_1098 : i32
        %jit3A_1100 = arith.constant 1 : i32
        %select_n3A_1101 = arith.select %eq3A_1099, %jit3A_1100, %jit3A_1097 : i32
        %rem3A_1102 = arith.remsi %reduce_min3A_1014, %select_n3A_1101 : i32
        %ne3A_1103 = arith.constant 0 : i32
        %ne3A_1104 = arith.cmpi ne, %rem3A_1102, %ne3A_1103 : i32
        %lt3A_1105 = arith.constant 0 : i32
        %lt3A_1106 = arith.cmpi slt, %rem3A_1102, %lt3A_1105 : i32
        %lt3A_1107 = arith.constant 0 : i32
        %lt3A_1108 = arith.cmpi slt, %select_n3A_1101, %lt3A_1107 : i32
        %ne3A_1109 = arith.xori %lt3A_1106, %lt3A_1108 : i1
        %and3A_1110 = arith.andi %ne3A_1109, %ne3A_1104 : i1
        %add3A_1111 = arith.addi %rem3A_1102, %select_n3A_1101 : i32
        %select_n3A_1112 = arith.select %and3A_1110, %add3A_1111, %rem3A_1102 : i32
        %eq3A_1113 = vector.broadcast %select_n3A_1112 : i32 to vector<16xi32>
        %eq3A_1114 = arith.cmpi eq, %iota3A, %eq3A_1113 : vector<16xi32>
        %get3A_1115 = arith.index_cast %add3A_1096 : i32 to index
        %get3A_1116 = tpu.vector_load %arg5[%get3A_1115] {strides = array<i32>} : memref<100096xf32, #tpu.memory_space<vmem>>, vector<16xf32>,
        %select_n3A_1117 = arith.select %eq3A_1114, %broadcast_in_dim3A_1, %get3A_1116 : vector<16xi1>, vector<16xf32>
        %swap3A_1118 = arith.index_cast %add3A_1096 : i32 to index
        %swap3A_1119 = tpu.vector_load %arg5[%swap3A_1118] {strides = array<i32>} : memref<100096xf32, #tpu.memory_space<vmem>>, vector<16xf32>,
        tpu.vector_store %arg5[%swap3A_1118], %select_n3A_1117 {strides = array<i32>} : memref<100096xf32, #tpu.memory_space<vmem>>, vector<16xf32>,
        %mul3A_1120 = arith.constant 256 : i32
        %mul3A_1121 = arith.muli %add3A_751, %mul3A_1120 : i32
        %add3A_1122 = arith.constant 0 : i32
        %add3A_1123 = arith.addi %mul3A_1121, %add3A_1122 : i32
        %get3A_1124 = arith.index_cast %add3A_1123 : i32 to index
        %get3A_1125 = tpu.vector_load %arg5[%get3A_1124] {strides = array<i32>} : memref<100096xf32, #tpu.memory_space<vmem>>, vector<16xf32>,
        %mul3A_1126 = arith.constant 256 : i32
        %mul3A_1127 = arith.muli %add3A_751, %mul3A_1126 : i32
        %add3A_1128 = arith.constant 16 : i32
        %add3A_1129 = arith.addi %mul3A_1127, %add3A_1128 : i32
        %get3A_1130 = arith.index_cast %add3A_1129 : i32 to index
        %get3A_1131 = tpu.vector_load %arg5[%get3A_1130] {strides = array<i32>} : memref<100096xf32, #tpu.memory_space<vmem>>, vector<16xf32>,
        %mul3A_1132 = arith.constant 256 : i32
        %mul3A_1133 = arith.muli %add3A_751, %mul3A_1132 : i32
        %add3A_1134 = arith.constant 32 : i32
        %add3A_1135 = arith.addi %mul3A_1133, %add3A_1134 : i32
        %get3A_1136 = arith.index_cast %add3A_1135 : i32 to index
        %get3A_1137 = tpu.vector_load %arg5[%get3A_1136] {strides = array<i32>} : memref<100096xf32, #tpu.memory_space<vmem>>, vector<16xf32>,
        %mul3A_1138 = arith.constant 256 : i32
        %mul3A_1139 = arith.muli %add3A_751, %mul3A_1138 : i32
        %add3A_1140 = arith.constant 48 : i32
        %add3A_1141 = arith.addi %mul3A_1139, %add3A_1140 : i32
        %get3A_1142 = arith.index_cast %add3A_1141 : i32 to index
        %get3A_1143 = tpu.vector_load %arg5[%get3A_1142] {strides = array<i32>} : memref<100096xf32, #tpu.memory_space<vmem>>, vector<16xf32>,
        %mul3A_1144 = arith.constant 256 : i32
        %mul3A_1145 = arith.muli %add3A_751, %mul3A_1144 : i32
        %add3A_1146 = arith.constant 64 : i32
        %add3A_1147 = arith.addi %mul3A_1145, %add3A_1146 : i32
        %get3A_1148 = arith.index_cast %add3A_1147 : i32 to index
        %get3A_1149 = tpu.vector_load %arg5[%get3A_1148] {strides = array<i32>} : memref<100096xf32, #tpu.memory_space<vmem>>, vector<16xf32>,
        %mul3A_1150 = arith.constant 256 : i32
        %mul3A_1151 = arith.muli %add3A_751, %mul3A_1150 : i32
        %add3A_1152 = arith.constant 80 : i32
        %add3A_1153 = arith.addi %mul3A_1151, %add3A_1152 : i32
        %get3A_1154 = arith.index_cast %add3A_1153 : i32 to index
        %get3A_1155 = tpu.vector_load %arg5[%get3A_1154] {strides = array<i32>} : memref<100096xf32, #tpu.memory_space<vmem>>, vector<16xf32>,
        %mul3A_1156 = arith.constant 256 : i32
        %mul3A_1157 = arith.muli %add3A_751, %mul3A_1156 : i32
        %add3A_1158 = arith.constant 96 : i32
        %add3A_1159 = arith.addi %mul3A_1157, %add3A_1158 : i32
        %get3A_1160 = arith.index_cast %add3A_1159 : i32 to index
        %get3A_1161 = tpu.vector_load %arg5[%get3A_1160] {strides = array<i32>} : memref<100096xf32, #tpu.memory_space<vmem>>, vector<16xf32>,
        %mul3A_1162 = arith.constant 256 : i32
        %mul3A_1163 = arith.muli %add3A_751, %mul3A_1162 : i32
        %add3A_1164 = arith.constant 112 : i32
        %add3A_1165 = arith.addi %mul3A_1163, %add3A_1164 : i32
        %get3A_1166 = arith.index_cast %add3A_1165 : i32 to index
        %get3A_1167 = tpu.vector_load %arg5[%get3A_1166] {strides = array<i32>} : memref<100096xf32, #tpu.memory_space<vmem>>, vector<16xf32>,
        %mul3A_1168 = arith.constant 256 : i32
        %mul3A_1169 = arith.muli %add3A_751, %mul3A_1168 : i32
        %add3A_1170 = arith.constant 128 : i32
        %add3A_1171 = arith.addi %mul3A_1169, %add3A_1170 : i32
        %get3A_1172 = arith.index_cast %add3A_1171 : i32 to index
        %get3A_1173 = tpu.vector_load %arg5[%get3A_1172] {strides = array<i32>} : memref<100096xf32, #tpu.memory_space<vmem>>, vector<16xf32>,
        %mul3A_1174 = arith.constant 256 : i32
        %mul3A_1175 = arith.muli %add3A_751, %mul3A_1174 : i32
        %add3A_1176 = arith.constant 144 : i32
        %add3A_1177 = arith.addi %mul3A_1175, %add3A_1176 : i32
        %get3A_1178 = arith.index_cast %add3A_1177 : i32 to index
        %get3A_1179 = tpu.vector_load %arg5[%get3A_1178] {strides = array<i32>} : memref<100096xf32, #tpu.memory_space<vmem>>, vector<16xf32>,
        %mul3A_1180 = arith.constant 256 : i32
        %mul3A_1181 = arith.muli %add3A_751, %mul3A_1180 : i32
        %add3A_1182 = arith.constant 160 : i32
        %add3A_1183 = arith.addi %mul3A_1181, %add3A_1182 : i32
        %get3A_1184 = arith.index_cast %add3A_1183 : i32 to index
        %get3A_1185 = tpu.vector_load %arg5[%get3A_1184] {strides = array<i32>} : memref<100096xf32, #tpu.memory_space<vmem>>, vector<16xf32>,
        %mul3A_1186 = arith.constant 256 : i32
        %mul3A_1187 = arith.muli %add3A_751, %mul3A_1186 : i32
        %add3A_1188 = arith.constant 176 : i32
        %add3A_1189 = arith.addi %mul3A_1187, %add3A_1188 : i32
        %get3A_1190 = arith.index_cast %add3A_1189 : i32 to index
        %get3A_1191 = tpu.vector_load %arg5[%get3A_1190] {strides = array<i32>} : memref<100096xf32, #tpu.memory_space<vmem>>, vector<16xf32>,
        %mul3A_1192 = arith.constant 256 : i32
        %mul3A_1193 = arith.muli %add3A_751, %mul3A_1192 : i32
        %add3A_1194 = arith.constant 192 : i32
        %add3A_1195 = arith.addi %mul3A_1193, %add3A_1194 : i32
        %get3A_1196 = arith.index_cast %add3A_1195 : i32 to index
        %get3A_1197 = tpu.vector_load %arg5[%get3A_1196] {strides = array<i32>} : memref<100096xf32, #tpu.memory_space<vmem>>, vector<16xf32>,
        %mul3A_1198 = arith.constant 256 : i32
        %mul3A_1199 = arith.muli %add3A_751, %mul3A_1198 : i32
        %add3A_1200 = arith.constant 208 : i32
        %add3A_1201 = arith.addi %mul3A_1199, %add3A_1200 : i32
        %get3A_1202 = arith.index_cast %add3A_1201 : i32 to index
        %get3A_1203 = tpu.vector_load %arg5[%get3A_1202] {strides = array<i32>} : memref<100096xf32, #tpu.memory_space<vmem>>, vector<16xf32>,
        %mul3A_1204 = arith.constant 256 : i32
        %mul3A_1205 = arith.muli %add3A_751, %mul3A_1204 : i32
        %add3A_1206 = arith.constant 224 : i32
        %add3A_1207 = arith.addi %mul3A_1205, %add3A_1206 : i32
        %get3A_1208 = arith.index_cast %add3A_1207 : i32 to index
        %get3A_1209 = tpu.vector_load %arg5[%get3A_1208] {strides = array<i32>} : memref<100096xf32, #tpu.memory_space<vmem>>, vector<16xf32>,
        %mul3A_1210 = arith.constant 256 : i32
        %mul3A_1211 = arith.muli %add3A_751, %mul3A_1210 : i32
        %add3A_1212 = arith.constant 240 : i32
        %add3A_1213 = arith.addi %mul3A_1211, %add3A_1212 : i32
        %get3A_1214 = arith.index_cast %add3A_1213 : i32 to index
        %get3A_1215 = tpu.vector_load %arg5[%get3A_1214] {strides = array<i32>} : memref<100096xf32, #tpu.memory_space<vmem>>, vector<16xf32>,
        %max3A_1216 = arith.maximumf %get3A_1125, %get3A_1131 : vector<16xf32>
        %max3A_1217 = arith.maximumf %get3A_1137, %get3A_1143 : vector<16xf32>
        %max3A_1218 = arith.maximumf %get3A_1149, %get3A_1155 : vector<16xf32>
        %max3A_1219 = arith.maximumf %get3A_1161, %get3A_1167 : vector<16xf32>
        %max3A_1220 = arith.maximumf %get3A_1173, %get3A_1179 : vector<16xf32>
        %max3A_1221 = arith.maximumf %get3A_1185, %get3A_1191 : vector<16xf32>
        %max3A_1222 = arith.maximumf %get3A_1197, %get3A_1203 : vector<16xf32>
        %max3A_1223 = arith.maximumf %get3A_1209, %get3A_1215 : vector<16xf32>
        %max3A_1224 = arith.maximumf %max3A_1216, %max3A_1217 : vector<16xf32>
        %max3A_1225 = arith.maximumf %max3A_1218, %max3A_1219 : vector<16xf32>
        %max3A_1226 = arith.maximumf %max3A_1220, %max3A_1221 : vector<16xf32>
        %max3A_1227 = arith.maximumf %max3A_1222, %max3A_1223 : vector<16xf32>
        %max3A_1228 = arith.maximumf %max3A_1224, %max3A_1225 : vector<16xf32>
        %max3A_1229 = arith.maximumf %max3A_1226, %max3A_1227 : vector<16xf32>
        %max3A_1230 = arith.maximumf %max3A_1228, %max3A_1229 : vector<16xf32>
        %mul3A_1231 = arith.constant 16 : i32
        %mul3A_1232 = arith.muli %add3A_751, %mul3A_1231 : i32
        %swap3A_1233 = arith.index_cast %mul3A_1232 : i32 to index
        %swap3A_1234 = tpu.vector_load %arg6[%swap3A_1233] {strides = array<i32>} : memref<6400xf32, #tpu.memory_space<vmem>>, vector<16xf32>,
        tpu.vector_store %arg6[%swap3A_1233], %max3A_1230 {strides = array<i32>} : memref<6400xf32, #tpu.memory_space<vmem>>, vector<16xf32>,
        %mul3A_1235 = arith.constant 256 : i32
        %mul3A_1236 = arith.muli %reduce_min3A_501, %mul3A_1235 : i32
        %add3A_1237 = arith.constant 0 : i32
        %add3A_1238 = arith.addi %mul3A_1236, %add3A_1237 : i32
        %get3A_1239 = arith.index_cast %add3A_1238 : i32 to index
        %get3A_1240 = tpu.vector_load %arg6[%get3A_1239] {strides = array<i32>} : memref<6400xf32, #tpu.memory_space<vmem>>, vector<16xf32>,
        %mul3A_1241 = arith.constant 256 : i32
        %mul3A_1242 = arith.muli %reduce_min3A_501, %mul3A_1241 : i32
        %add3A_1243 = arith.constant 16 : i32
        %add3A_1244 = arith.addi %mul3A_1242, %add3A_1243 : i32
        %get3A_1245 = arith.index_cast %add3A_1244 : i32 to index
        %get3A_1246 = tpu.vector_load %arg6[%get3A_1245] {strides = array<i32>} : memref<6400xf32, #tpu.memory_space<vmem>>, vector<16xf32>,
        %mul3A_1247 = arith.constant 256 : i32
        %mul3A_1248 = arith.muli %reduce_min3A_501, %mul3A_1247 : i32
        %add3A_1249 = arith.constant 32 : i32
        %add3A_1250 = arith.addi %mul3A_1248, %add3A_1249 : i32
        %get3A_1251 = arith.index_cast %add3A_1250 : i32 to index
        %get3A_1252 = tpu.vector_load %arg6[%get3A_1251] {strides = array<i32>} : memref<6400xf32, #tpu.memory_space<vmem>>, vector<16xf32>,
        %mul3A_1253 = arith.constant 256 : i32
        %mul3A_1254 = arith.muli %reduce_min3A_501, %mul3A_1253 : i32
        %add3A_1255 = arith.constant 48 : i32
        %add3A_1256 = arith.addi %mul3A_1254, %add3A_1255 : i32
        %get3A_1257 = arith.index_cast %add3A_1256 : i32 to index
        %get3A_1258 = tpu.vector_load %arg6[%get3A_1257] {strides = array<i32>} : memref<6400xf32, #tpu.memory_space<vmem>>, vector<16xf32>,
        %mul3A_1259 = arith.constant 256 : i32
        %mul3A_1260 = arith.muli %reduce_min3A_501, %mul3A_1259 : i32
        %add3A_1261 = arith.constant 64 : i32
        %add3A_1262 = arith.addi %mul3A_1260, %add3A_1261 : i32
        %get3A_1263 = arith.index_cast %add3A_1262 : i32 to index
        %get3A_1264 = tpu.vector_load %arg6[%get3A_1263] {strides = array<i32>} : memref<6400xf32, #tpu.memory_space<vmem>>, vector<16xf32>,
        %mul3A_1265 = arith.constant 256 : i32
        %mul3A_1266 = arith.muli %reduce_min3A_501, %mul3A_1265 : i32
        %add3A_1267 = arith.constant 80 : i32
        %add3A_1268 = arith.addi %mul3A_1266, %add3A_1267 : i32
        %get3A_1269 = arith.index_cast %add3A_1268 : i32 to index
        %get3A_1270 = tpu.vector_load %arg6[%get3A_1269] {strides = array<i32>} : memref<6400xf32, #tpu.memory_space<vmem>>, vector<16xf32>,
        %mul3A_1271 = arith.constant 256 : i32
        %mul3A_1272 = arith.muli %reduce_min3A_501, %mul3A_1271 : i32
        %add3A_1273 = arith.constant 96 : i32
        %add3A_1274 = arith.addi %mul3A_1272, %add3A_1273 : i32
        %get3A_1275 = arith.index_cast %add3A_1274 : i32 to index
        %get3A_1276 = tpu.vector_load %arg6[%get3A_1275] {strides = array<i32>} : memref<6400xf32, #tpu.memory_space<vmem>>, vector<16xf32>,
        %mul3A_1277 = arith.constant 256 : i32
        %mul3A_1278 = arith.muli %reduce_min3A_501, %mul3A_1277 : i32
        %add3A_1279 = arith.constant 112 : i32
        %add3A_1280 = arith.addi %mul3A_1278, %add3A_1279 : i32
        %get3A_1281 = arith.index_cast %add3A_1280 : i32 to index
        %get3A_1282 = tpu.vector_load %arg6[%get3A_1281] {strides = array<i32>} : memref<6400xf32, #tpu.memory_space<vmem>>, vector<16xf32>,
        %mul3A_1283 = arith.constant 256 : i32
        %mul3A_1284 = arith.muli %reduce_min3A_501, %mul3A_1283 : i32
        %add3A_1285 = arith.constant 128 : i32
        %add3A_1286 = arith.addi %mul3A_1284, %add3A_1285 : i32
        %get3A_1287 = arith.index_cast %add3A_1286 : i32 to index
        %get3A_1288 = tpu.vector_load %arg6[%get3A_1287] {strides = array<i32>} : memref<6400xf32, #tpu.memory_space<vmem>>, vector<16xf32>,
        %mul3A_1289 = arith.constant 256 : i32
        %mul3A_1290 = arith.muli %reduce_min3A_501, %mul3A_1289 : i32
        %add3A_1291 = arith.constant 144 : i32
        %add3A_1292 = arith.addi %mul3A_1290, %add3A_1291 : i32
        %get3A_1293 = arith.index_cast %add3A_1292 : i32 to index
        %get3A_1294 = tpu.vector_load %arg6[%get3A_1293] {strides = array<i32>} : memref<6400xf32, #tpu.memory_space<vmem>>, vector<16xf32>,
        %mul3A_1295 = arith.constant 256 : i32
        %mul3A_1296 = arith.muli %reduce_min3A_501, %mul3A_1295 : i32
        %add3A_1297 = arith.constant 160 : i32
        %add3A_1298 = arith.addi %mul3A_1296, %add3A_1297 : i32
        %get3A_1299 = arith.index_cast %add3A_1298 : i32 to index
        %get3A_1300 = tpu.vector_load %arg6[%get3A_1299] {strides = array<i32>} : memref<6400xf32, #tpu.memory_space<vmem>>, vector<16xf32>,
        %mul3A_1301 = arith.constant 256 : i32
        %mul3A_1302 = arith.muli %reduce_min3A_501, %mul3A_1301 : i32
        %add3A_1303 = arith.constant 176 : i32
        %add3A_1304 = arith.addi %mul3A_1302, %add3A_1303 : i32
        %get3A_1305 = arith.index_cast %add3A_1304 : i32 to index
        %get3A_1306 = tpu.vector_load %arg6[%get3A_1305] {strides = array<i32>} : memref<6400xf32, #tpu.memory_space<vmem>>, vector<16xf32>,
        %mul3A_1307 = arith.constant 256 : i32
        %mul3A_1308 = arith.muli %reduce_min3A_501, %mul3A_1307 : i32
        %add3A_1309 = arith.constant 192 : i32
        %add3A_1310 = arith.addi %mul3A_1308, %add3A_1309 : i32
        %get3A_1311 = arith.index_cast %add3A_1310 : i32 to index
        %get3A_1312 = tpu.vector_load %arg6[%get3A_1311] {strides = array<i32>} : memref<6400xf32, #tpu.memory_space<vmem>>, vector<16xf32>,
        %mul3A_1313 = arith.constant 256 : i32
        %mul3A_1314 = arith.muli %reduce_min3A_501, %mul3A_1313 : i32
        %add3A_1315 = arith.constant 208 : i32
        %add3A_1316 = arith.addi %mul3A_1314, %add3A_1315 : i32
        %get3A_1317 = arith.index_cast %add3A_1316 : i32 to index
        %get3A_1318 = tpu.vector_load %arg6[%get3A_1317] {strides = array<i32>} : memref<6400xf32, #tpu.memory_space<vmem>>, vector<16xf32>,
        %mul3A_1319 = arith.constant 256 : i32
        %mul3A_1320 = arith.muli %reduce_min3A_501, %mul3A_1319 : i32
        %add3A_1321 = arith.constant 224 : i32
        %add3A_1322 = arith.addi %mul3A_1320, %add3A_1321 : i32
        %get3A_1323 = arith.index_cast %add3A_1322 : i32 to index
        %get3A_1324 = tpu.vector_load %arg6[%get3A_1323] {strides = array<i32>} : memref<6400xf32, #tpu.memory_space<vmem>>, vector<16xf32>,
        %mul3A_1325 = arith.constant 256 : i32
        %mul3A_1326 = arith.muli %reduce_min3A_501, %mul3A_1325 : i32
        %add3A_1327 = arith.constant 240 : i32
        %add3A_1328 = arith.addi %mul3A_1326, %add3A_1327 : i32
        %get3A_1329 = arith.index_cast %add3A_1328 : i32 to index
        %get3A_1330 = tpu.vector_load %arg6[%get3A_1329] {strides = array<i32>} : memref<6400xf32, #tpu.memory_space<vmem>>, vector<16xf32>,
        %max3A_1331 = arith.maximumf %get3A_1240, %get3A_1246 : vector<16xf32>
        %max3A_1332 = arith.maximumf %get3A_1252, %get3A_1258 : vector<16xf32>
        %max3A_1333 = arith.maximumf %get3A_1264, %get3A_1270 : vector<16xf32>
        %max3A_1334 = arith.maximumf %get3A_1276, %get3A_1282 : vector<16xf32>
        %max3A_1335 = arith.maximumf %get3A_1288, %get3A_1294 : vector<16xf32>
        %max3A_1336 = arith.maximumf %get3A_1300, %get3A_1306 : vector<16xf32>
        %max3A_1337 = arith.maximumf %get3A_1312, %get3A_1318 : vector<16xf32>
        %max3A_1338 = arith.maximumf %get3A_1324, %get3A_1330 : vector<16xf32>
        %max3A_1339 = arith.maximumf %max3A_1331, %max3A_1332 : vector<16xf32>
        %max3A_1340 = arith.maximumf %max3A_1333, %max3A_1334 : vector<16xf32>
        %max3A_1341 = arith.maximumf %max3A_1335, %max3A_1336 : vector<16xf32>
        %max3A_1342 = arith.maximumf %max3A_1337, %max3A_1338 : vector<16xf32>
        %max3A_1343 = arith.maximumf %max3A_1339, %max3A_1340 : vector<16xf32>
        %max3A_1344 = arith.maximumf %max3A_1341, %max3A_1342 : vector<16xf32>
        %max3A_1345 = arith.maximumf %max3A_1343, %max3A_1344 : vector<16xf32>
        %mul3A_1346 = arith.constant 16 : i32
        %mul3A_1347 = arith.muli %reduce_min3A_501, %mul3A_1346 : i32
        %swap3A_1348 = arith.index_cast %mul3A_1347 : i32 to index
        %swap3A_1349 = tpu.vector_load %arg7[%swap3A_1348] {strides = array<i32>} : memref<400xf32, #tpu.memory_space<vmem>>, vector<16xf32>,
        tpu.vector_store %arg7[%swap3A_1348], %max3A_1345 {strides = array<i32>} : memref<400xf32, #tpu.memory_space<vmem>>, vector<16xf32>,
      }
      %scan3A_144 = arith.constant 50 : i32
      %mul3A_145 = arith.constant 64 : i32
      %mul3A_146 = arith.muli %add3A_29, %mul3A_145 : i32
      "tpu.region"() ({
        %run_scoped3A = tpu.sem_alloc : memref<!tpu.dma_semaphore, #tpu.memory_space<semaphore_mem>>
        %dma_start3A_149 = tpu.memref_slice %arg3[%mul3A_146] : memref<8192xf32, #tpu.memory_space<hbm>> -> memref<64xf32, #tpu.memory_space<hbm>>
        %dma_start3A_150 = tpu.memref_slice %arg3[%mul3A_146] : memref<8192xf32, #tpu.memory_space<hbm>> -> memref<64xf32, #tpu.memory_space<hbm>>
        tpu.enqueue_dma source(%arg8 : memref<64xf32, #tpu.memory_space<vmem>>) target(%dma_start3A_150 : memref<64xf32, #tpu.memory_space<hbm>>) target_semaphore(%run_scoped3A : memref<!tpu.dma_semaphore, #tpu.memory_space<semaphore_mem>>)
        %dma_wait3A_151 = tpu.memref_slice %arg3[%mul3A_146] : memref<8192xf32, #tpu.memory_space<hbm>> -> memref<64xf32, #tpu.memory_space<hbm>>
        %dma_wait3A_152 = tpu.memref_slice %arg3[%mul3A_146] : memref<8192xf32, #tpu.memory_space<hbm>> -> memref<64xf32, #tpu.memory_space<hbm>>
        tpu.wait_dma2 semaphore(%run_scoped3A : memref<!tpu.dma_semaphore, #tpu.memory_space<semaphore_mem>>) src(%arg8 : memref<64xf32, #tpu.memory_space<vmem>>) dst(%dma_wait3A_152 : memref<64xf32, #tpu.memory_space<hbm>>)
        tpu.yield
      }) : () -> ()
      %mul3A_147 = arith.constant 64 : i32
      %mul3A_148 = arith.muli %add3A_29, %mul3A_147 : i32
      "tpu.region"() ({
        %run_scoped3A = tpu.sem_alloc : memref<!tpu.dma_semaphore, #tpu.memory_space<semaphore_mem>>
        %dma_start3A_149 = tpu.memref_slice %arg4[%mul3A_148] : memref<8192xi32, #tpu.memory_space<hbm>> -> memref<64xi32, #tpu.memory_space<hbm>>
        %dma_start3A_150 = tpu.memref_slice %arg4[%mul3A_148] : memref<8192xi32, #tpu.memory_space<hbm>> -> memref<64xi32, #tpu.memory_space<hbm>>
        tpu.enqueue_dma source(%arg9 : memref<64xi32, #tpu.memory_space<vmem>>) target(%dma_start3A_150 : memref<64xi32, #tpu.memory_space<hbm>>) target_semaphore(%run_scoped3A : memref<!tpu.dma_semaphore, #tpu.memory_space<semaphore_mem>>)
        %dma_wait3A_151 = tpu.memref_slice %arg4[%mul3A_148] : memref<8192xi32, #tpu.memory_space<hbm>> -> memref<64xi32, #tpu.memory_space<hbm>>
        %dma_wait3A_152 = tpu.memref_slice %arg4[%mul3A_148] : memref<8192xi32, #tpu.memory_space<hbm>> -> memref<64xi32, #tpu.memory_space<hbm>>
        tpu.wait_dma2 semaphore(%run_scoped3A : memref<!tpu.dma_semaphore, #tpu.memory_space<semaphore_mem>>) src(%arg9 : memref<64xi32, #tpu.memory_space<vmem>>) dst(%dma_wait3A_152 : memref<64xi32, #tpu.memory_space<hbm>>)
        tpu.yield
      }) : () -> ()
    }
    %scan3A_25 = arith.constant 4 : i32
    return
  }
}

module attributes {stable_mosaic.version = 14 : i64} {
  func.func @_sample_body(%arg0: memref<128x64xf32, #tpu.memory_space<vmem>>, %arg1: memref<128x64xi32, #tpu.memory_space<vmem>>, %arg2: memref<128x64xf32, #tpu.memory_space<vmem>>, %arg3: memref<128x1xi32, #tpu.memory_space<vmem>>) attributes {dimension_semantics = [], scalar_prefetch = 0 : i64, scratch_operands = 0 : i64, tpu.core_type = #tpu.core_type<tc>} {
    %get3A = arith.constant 0 : index
    %get3A_0 = arith.constant 0 : index
    %get3A_1 = vector.load %arg0[%get3A, %get3A_0] : memref<128x64xf32, #tpu.memory_space<vmem>>, vector<128x64xf32>
    %iota3A = tpu.iota {dimensions = array<i32: 1>} : vector<128x64xi32>
    %lt3A = arith.constant 50 : i32
    %lt3A_2 = vector.broadcast %lt3A : i32 to vector<128x64xi32>
    %lt3A_3 = arith.cmpi slt, %iota3A, %lt3A_2 : vector<128x64xi32>
    %jit3A = arith.constant 0xFF800000 : f32
    %broadcast_in_dim3A = vector.broadcast %jit3A : f32 to vector<128x64xf32>
    %select_n3A = arith.select %lt3A_3, %get3A_1, %broadcast_in_dim3A : vector<128x64xi1>, vector<128x64xf32>
    %reduce_max3A = arith.constant dense<0xFF800000> : vector<128xf32>
    %reduce_max3A_4 = vector.multi_reduction <maximumf>, %select_n3A, %reduce_max3A [1] : vector<128x64xf32> to vector<128xf32>
    %broadcast_in_dim3A_5 = vector.shape_cast %reduce_max3A_4 : vector<128xf32> to vector<128x1xf32>
    %sub3A = vector.broadcast %broadcast_in_dim3A_5 : vector<128x1xf32> to vector<128x64xf32>
    %sub3A_6 = arith.subf %select_n3A, %sub3A : vector<128x64xf32>
    %exp3A = math.exp %sub3A_6 : vector<128x64xf32>
    %jit3A_7 = arith.constant 0.000000e+00 : f32
    %broadcast_in_dim3A_8 = vector.broadcast %jit3A_7 : f32 to vector<128x64xf32>
    %select_n3A_9 = arith.select %lt3A_3, %exp3A, %broadcast_in_dim3A_8 : vector<128x64xi1>, vector<128x64xf32>
    %reduce_sum3A = arith.constant dense<0.000000e+00> : vector<128xf32>
    %reduce_sum3A_10 = vector.multi_reduction <add>, %select_n3A_9, %reduce_sum3A [1] : vector<128x64xf32> to vector<128xf32>
    %broadcast_in_dim3A_11 = vector.shape_cast %reduce_sum3A_10 : vector<128xf32> to vector<128x1xf32>
    %div3A = vector.broadcast %broadcast_in_dim3A_11 : vector<128x1xf32> to vector<128x64xf32>
    %div3A_12 = arith.divf %select_n3A_9, %div3A : vector<128x64xf32>
    %get3A_13 = arith.constant 0 : index
    %get3A_14 = arith.constant 0 : index
    %get3A_15 = vector.load %arg2[%get3A_13, %get3A_14] : memref<128x64xf32, #tpu.memory_space<vmem>>, vector<128x64xf32>
    %log3A = math.log %get3A_15 : vector<128x64xf32>
    %neg3A = arith.constant 0.000000e+00 : f32
    %neg3A_16 = vector.broadcast %neg3A : f32 to vector<128x64xf32>
    %neg3A_17 = arith.subf %neg3A_16, %log3A : vector<128x64xf32>
    %log3A_18 = math.log %neg3A_17 : vector<128x64xf32>
    %neg3A_19 = arith.constant 0.000000e+00 : f32
    %neg3A_20 = vector.broadcast %neg3A_19 : f32 to vector<128x64xf32>
    %neg3A_21 = arith.subf %neg3A_20, %log3A_18 : vector<128x64xf32>
    %add3A = arith.constant 9.99999996E-13 : f32
    %add3A_22 = vector.broadcast %add3A : f32 to vector<128x64xf32>
    %add3A_23 = arith.addf %div3A_12, %add3A_22 : vector<128x64xf32>
    %log3A_24 = math.log %add3A_23 : vector<128x64xf32>
    %add3A_25 = arith.addf %log3A_24, %neg3A_21 : vector<128x64xf32>
    %jit3A_26 = arith.constant 0xFF800000 : f32
    %broadcast_in_dim3A_27 = vector.broadcast %jit3A_26 : f32 to vector<128x64xf32>
    %select_n3A_28 = arith.select %lt3A_3, %add3A_25, %broadcast_in_dim3A_27 : vector<128x64xi1>, vector<128x64xf32>
    %reduce_max3A_29 = arith.constant dense<0xFF800000> : vector<128xf32>
    %reduce_max3A_30 = vector.multi_reduction <maximumf>, %select_n3A_28, %reduce_max3A_29 [1] : vector<128x64xf32> to vector<128xf32>
    %broadcast_in_dim3A_31 = vector.shape_cast %reduce_max3A_30 : vector<128xf32> to vector<128x1xf32>
    %eq3A = vector.broadcast %broadcast_in_dim3A_31 : vector<128x1xf32> to vector<128x64xf32>
    %eq3A_32 = arith.cmpf oeq, %select_n3A_28, %eq3A : vector<128x64xf32>
    %jit3A_33 = arith.constant 64 : i32
    %broadcast_in_dim3A_34 = vector.broadcast %jit3A_33 : i32 to vector<128x64xi32>
    %select_n3A_35 = arith.select %eq3A_32, %iota3A, %broadcast_in_dim3A_34 : vector<128x64xi1>, vector<128x64xi32>
    %reduce_min3A = arith.constant dense<2147483647> : vector<128xi32>
    %reduce_min3A_36 = vector.multi_reduction <minsi>, %select_n3A_35, %reduce_min3A [1] : vector<128x64xi32> to vector<128xi32>
    %broadcast_in_dim3A_37 = vector.shape_cast %reduce_min3A_36 : vector<128xi32> to vector<128x1xi32>
    %eq3A_38 = vector.broadcast %broadcast_in_dim3A_37 : vector<128x1xi32> to vector<128x64xi32>
    %eq3A_39 = arith.cmpi eq, %iota3A, %eq3A_38 : vector<128x64xi32>
    %get3A_40 = arith.constant 0 : index
    %get3A_41 = arith.constant 0 : index
    %get3A_42 = vector.load %arg1[%get3A_40, %get3A_41] : memref<128x64xi32, #tpu.memory_space<vmem>>, vector<128x64xi32>
    %jit3A_43 = arith.constant 0 : i32
    %broadcast_in_dim3A_44 = vector.broadcast %jit3A_43 : i32 to vector<128x64xi32>
    %select_n3A_45 = arith.select %eq3A_39, %get3A_42, %broadcast_in_dim3A_44 : vector<128x64xi1>, vector<128x64xi32>
    %reduce_sum3A_46 = arith.constant dense<0> : vector<128xi32>
    %reduce_sum3A_47 = vector.multi_reduction <add>, %select_n3A_45, %reduce_sum3A_46 [1] : vector<128x64xi32> to vector<128xi32>
    %broadcast_in_dim3A_48 = vector.shape_cast %reduce_sum3A_47 : vector<128xi32> to vector<128x1xi32>
    %swap3A = arith.constant 0 : index
    %swap3A_49 = arith.constant 0 : index
    %swap3A_50 = vector.load %arg3[%swap3A, %swap3A_49] : memref<128x1xi32, #tpu.memory_space<vmem>>, vector<128x1xi32>
    tpu.vector_store %arg3[%swap3A, %swap3A_49], %broadcast_in_dim3A_48 {strides = array<i32>} : memref<128x1xi32, #tpu.memory_space<vmem>>, vector<128x1xi32>,
    return
  }
}

</mosaic_0001>

<sc_bundles>
// kernel: kernel.4.cloned.1.call-start
scs
__scs_entry_jumppad:
0x0: {  	(pc) =	sbr.rel $0x88, $3  }
0x1: {  	(tag) =	ssettag $0x0;
	lr =	simm.s32 $0x1  }
0x2: {  	[smem:$0x3F9F] =	sst lr;
	_ =	strace $0xD0000000  }
0x3: {  	_ = 	snop  }
0x4: {  	_ = 	snop  }
0x5: {  	_ = 	snop  }
0x6: {  	_ = 	snop  }
0x7: {  	_ = 	snop  }
__scs_overlays_trampoline_lowered:
0x8: {  	[smem:$0x3FAE] =	sst s0  }
0x9: {  	[smem:$0x3FAF] =	sst s1  }
0xa: {  	[smem:$0x3FB0] =	sst s2  }
0xb: {  	[smem:$0x3FB1] =	sst s3  }
0xc: {  	[smem:$0x3FB2] =	sst s4  }
0xd: {  	[smem:$0x3FB3] =	sst s5  }
0xe: {  	[smem:$0x3FB4] =	sst s6  }
0xf: {  	[smem:$0x3FB5] =	sst s7  }
0x10: {  	[smem:$0x3FB6] =	sst s8  }
0x11: {  	[smem:$0x3FB7] =	sst s9;
	s0 =	simm.s32 @!p0 $0x0  }
0x12: {  	s1 =	sld [smem:$0x3F9D];
	s0 =	simm.s32 @p0 $0x1  }
0x13: {  	[smem:$0x3FB8] =	sst s0;
	s0 =	simm.s32 @!p1 $0x0  }
0x14: {  	s2 =	sld [smem:$0x3F9C];
	s0 =	simm.s32 @p1 $0x1  }
0x15: {  	[smem:$0x3FB9] =	sst s0;
	s0 =	simm.s32 @!p2 $0x0  }
0x16: {  	s3 =	sld [smem:$0x3FDB];
	s0 =	simm.s32 @p2 $0x1  }
0x17: {  	s4 =	simm.s32 $0x1BF5;
	[smem:$0x3FBB] =	sst s0  }
0x18: {  	s0 =	sld [smem:$0x3F9E];
	_ =	swait.ge [sflag:s4], $0x0  }
0x19: {  	s7 =	sld [smem:$0x3F9F]  }
0x1a: {  	s8 =	sadd.s32 $0xFFFFE003, lr  }
0x1b: {  	s9 =	sadd.s32 $0xFFFFFEF7, lr;
	s5 =	simm.s32 $0xFFFFFFFF;
	p2 =	slt.u32 s8, $0xFFFFF086  }
0x1c: {  	p1 =	slt.u32 s9, $0xF7A;
	s5 =	simm.s32 @!p2 $0x0  }
0x1d: {  	s5 =	simm.s32 @p1 $0x1;
	p0 =	seq.s32 s7, s2  }
0x1e: {  	s7 =	smul.u32 @!p0 $0xF7A, s2;
	p2 =	seq.s32 @!p0 s5, $0x0  }
0x1f: {  	s9 =	smul.u32 $0xF7A, s1;
	s8 =	simm.s32 @!p0 $0x1BF5;
	p2 =	por !p2, p0  }
0x20: {  	[sflag:s8] =	ssyncset.s32 @!p0 $0xFFFFF086;
	s6 =	sadd.s32 @!p0 s3, s7;
	s7 =	simm.s32 @!p0 $0x108  }
0x21: {  	s3 =	sadd.s32 s3, s9;
	s6 =	sadd.s32 @!p0 $0x88, s6;
	s7 =	simm.s32 @p2 $0x1082  }
0x22: {  	[simem:s7], [sflag:s8] =	dma.local @!p0 [hbm:s6], $0xF7A  }
0x23: {  	s9 =	sor.u32 $0xD0000000, s2;
	s6 =	simm.s32 $0x108;
	_ =	swait.ge @!p0 [sflag:s8], $0x0  }
0x24: {  	s3 =	sadd.s32 $0x88, s3;
	s6 =	simm.s32 @!p1 $0x1082;
	[sflag:s4] =	ssyncset.s32 $0xFFFFF086  }
0x25: {  	[simem:s6], [sflag:s4] =	dma.local [hbm:s3], $0xF7A  }
0x26: {  	[smem:$0x3F9F] =	sst s1;
	(tag) =	ssettag s2;
	_ =	strace s9  }
0x27: {  	s1 =	sld [smem:$0x3FAF]  }
0x28: {  	s2 =	sld [smem:$0x3FB0]  }
0x29: {  	s4 =	sld [smem:$0x3FB2]  }
0x2a: {  	p0 =	seq.s32 s5, $0x0;
	s5 =	sld [smem:$0x3FB3]  }
0x2b: {  	s6 =	sld [smem:$0x3FB4]  }
0x2c: {  	s7 =	sld [smem:$0x3FB5]  }
0x2d: {  	s3 =	simm.s32 $0x108;
	s8 =	sld [smem:$0x3FB6]  }
0x2e: {  	s3 =	simm.s32 @!p0 $0x1082;
	s9 =	sld [smem:$0x3FB7]  }
0x2f: {  	lr =	sadd.s32 s0, s3;
	s0 =	sld [smem:$0x3FAE]  }
0x30: {  	s3 =	sld [smem:$0x3FB1]  }
0x31: {  	[smem:$0x3FBA] =	sst s10  }
0x32: {  	s10 =	sld [smem:$0x3FB8];
	_ =	sdelay $0x3  }
0x33: {  	p0 =	seq.s32 s10, $0x1;
	s10 =	sld [smem:$0x3FBA];
	_ =	sdelay $0x3  }
0x34: {  	[smem:$0x3FBA] =	sst s10  }
0x35: {  	s10 =	sld [smem:$0x3FB9];
	_ =	sdelay $0x3  }
0x36: {  	p1 =	seq.s32 s10, $0x1;
	s10 =	sld [smem:$0x3FBA];
	_ =	sdelay $0x3  }
0x37: {  	[smem:$0x3FBA] =	sst s10  }
0x38: {  	s10 =	sld [smem:$0x3FBB]  }
0x39: {  	_ = 	snop;
	(pc) =	sbr.ind lr, $3  }
0x3a: {  	_ = 	snop  }
0x3b: {  	_ = 	snop  }
0x3c: {  	p2 =	seq.s32 s10, $0x1;
	s10 =	sld [smem:$0x3FBA]  }
0x3d: {  	_ =	shalt  }
0x3e: {  	_ =	shalt  }
0x3f: {  	_ =	shalt  }
0x40: {  	_ =	shalt  }
0x41: {  	_ =	shalt  }
0x42: {  	_ =	shalt  }
0x43: {  	_ =	shalt  }
0x44: {  	_ =	shalt  }
0x45: {  	_ =	shalt  }
0x46: {  	_ =	shalt  }
0x47: {  	_ =	shalt  }
0x48: {  	_ =	shalt  }
0x49: {  	_ =	shalt  }
0x4a: {  	_ =	shalt  }
0x4b: {  	_ =	shalt  }
0x4c: {  	_ =	shalt  }
0x4d: {  	_ =	shalt  }
0x4e: {  	_ =	shalt  }
0x4f: {  	_ =	shalt  }
0x50: {  	_ =	shalt  }
0x51: {  	_ =	shalt  }
0x52: {  	_ =	shalt  }
0x53: {  	_ =	shalt  }
0x54: {  	_ =	shalt  }
0x55: {  	_ =	shalt  }
0x56: {  	_ =	shalt  }
0x57: {  	_ =	shalt  }
0x58: {  	_ =	shalt  }
0x59: {  	_ =	shalt  }
0x5a: {  	_ =	shalt  }
0x5b: {  	_ =	shalt  }
0x5c: {  	_ =	shalt  }
0x5d: {  	_ =	shalt  }
0x5e: {  	_ =	shalt  }
0x5f: {  	_ =	shalt  }
0x60: {  	_ =	shalt  }
0x61: {  	_ =	shalt  }
0x62: {  	_ =	shalt  }
0x63: {  	_ =	shalt  }
0x64: {  	_ =	shalt  }
0x65: {  	_ =	shalt  }
0x66: {  	_ =	shalt  }
0x67: {  	_ =	shalt  }
0x68: {  	_ =	shalt  }
0x69: {  	_ =	shalt  }
0x6a: {  	_ =	shalt  }
0x6b: {  	_ =	shalt  }
0x6c: {  	_ =	shalt  }
0x6d: {  	_ =	shalt  }
0x6e: {  	_ =	shalt  }
0x6f: {  	_ =	shalt  }
0x70: {  	_ =	shalt  }
0x71: {  	_ =	shalt  }
0x72: {  	_ =	shalt  }
0x73: {  	_ =	shalt  }
0x74: {  	_ =	shalt  }
0x75: {  	_ =	shalt  }
0x76: {  	_ =	shalt  }
0x77: {  	_ =	shalt  }
0x78: {  	_ =	shalt  }
0x79: {  	_ =	shalt  }
0x7a: {  	_ =	shalt  }
0x7b: {  	_ =	shalt  }
0x7c: {  	_ =	shalt  }
0x7d: {  	_ =	shalt  }
0x7e: {  	_ =	shalt  }
0x7f: {  	_ =	shalt  }
0x80: {  	_ =	shalt  }
0x81: {  	_ =	shalt  }
0x82: {  	_ =	shalt  }
0x83: {  	_ =	shalt  }
0x84: {  	_ =	shalt  }
0x85: {  	_ =	shalt  }
0x86: {  	_ =	shalt  }
0x87: {  	_ =	shalt  }
.Lfunc_end0:
.L_simem_size_0:
called_computation_lowered:
.L_overlay_start_0:
0x88: {  	s2 =	sld [smem:$0x3FD9]  }
0x89: {  	s3 =	sld [smem:$0x3FFE];
	_ =	sdelay $0x1  }
0x8a: {  	s1 =	srdreg.scid  }
0x8b: {  	s0 =	sand.u32 $0x1, s1  }
0x8c: {  	s16 =	sshll.u32 s0, $0xA;
	s2 =	sadd.s32 s3, s2  }
0x8d: {  	s2 =	sadd.s32 s2, s16  }
0x8e: {  	[smem:$0x3FC6] =	sst s2  }
0x8f: {  	_ = 	snop  }
0x90: {  	(tm) =	ssettm $0x1  }
0x91: {  	s17 =	sld [smem:$0x3FFB];
	_ =	sdelay $0x3  }
0x92: {  	_ =	strace s17  }
0x93: {  	s2 =	sld [smem:$0x3FFC];
	_ =	sdelay $0x3  }
0x94: {  	_ =	strace s2  }
0x95: {  	s2 =	sld [smem:$0x3FFD];
	_ =	sdelay $0x3  }
0x96: {  	_ =	strace s2  }
0x97: {  	_ =	strace $0x8FFFFFFF  }
0x98: {  	s18 =	sld [smem:$0x3FDB];
	_ =	sdelay $0x1  }
0x99: {  	s19 =	simm.s32 $_scs_section_size  }
0x9a: {  	s4 =	simm.s32 $_size__tile_overlayer_lowered;
	s5 =	simm.s32 $_tile_overlayer_lowered  }
0x9b: {  	s22 =	simm.s32 $0x1BFF;
	s21 =	sshll.u32 s5, $0x1;
	s2 =	sadd.s32 s19, s18  }
0x9c: {  	s6 =	simm.s32 $0x0;
	s20 =	sshll.u32 s4, $0x1;
	s4 =	sadd.s32 s21, s2  }
0x9d: {  	[timem:s6], [sflag:s22] =	dma.local [hbm:s4], s20  }
0x9e: {  	_ =	swait.ge [sflag:s22], s20  }
0x9f: {  	s3 =	ssub.s32 $0x0, s20;
	[sflag:s22] =	ssyncset.done $0x0  }
0xa0: {  	[sflag:s22] =	ssyncadd.s32 s3;
	_ =	sdelay $0x1  }
0xa1: {  	s23 =	simm.s32 $0x1B8B  }
0xa2: {  	_ =	swait.ge [sflag:s23], $0x1  }
0xa3: {  	[sflag:s23] =	ssyncset.done $0x0  }
0xa4: {  	s25 =	simm.s32 $0x1B8E;
	s24 =	sld [smem:$0x3FFE];
	[sflag:s23] =	ssyncadd.s32 $0xFFFFFFFF  }
0xa5: {  	s26 =	simm.s32 $execute0_lowered;
	[smem:$0x3FD2] =	sst s25  }
0xa6: {  	s4 =	sshll.u32 s26, $0x1;
	_ =	strace $0x80000046;
	[dreg:$0x1] =	wrdreg $0xFFFFFFFF  }
0xa7: {  	s28 =	simm.s32 $_size_execute0_lowered;
	s2 =	sadd.s32 s2, s4;
	[dreg:$0x0] =	wrdreg $0x0  }
0xa8: {  	s4 =	sshll.u32 s28, $0x1;
	[dreg:$0x2] =	wrdreg s2  }
0xa9: {  	[dreg:$0x3] =	wrdreg s4  }
0xaa: {  	[dreg:$0x4] =	wrdreg $0xC0  }
0xab: {  	_ =	task [dreg:s6], $0x5FFFF  }
0xac: {  	[dreg:$0x1] =	wrdreg $0xFFFFFFFF  }
0xad: {  	[dreg:$0x0] =	wrdreg $0x60  }
0xae: {  	[dreg:$0x2] =	wrdreg s24  }
0xaf: {  	[dreg:$0x3] =	wrdreg $0x9  }
0xb0: {  	_ =	task.clear_ibuf [dreg:s6], $0x4FFFF;
	_ =	strace $0x90000046  }
0xb1: {  	s29 =	simm.s32 $0x9;
	_ =	strace $0x80000048  }
0xb2: {  	_ =	swait.ge [sflag:s29], $0x1  }
0xb3: {  	[sflag:s29] =	ssyncadd.s32 $0xFFFFFFFF  }
0xb4: {  	_ =	strace $0x90000048  }
0xb5: {  	_ =	sfence  }
0xb6: {  	s30 =	sld [smem:$0x0];
	_ =	sdelay $0x2  }
0xb7: {  	s31 =	sshll.u32 s1, $0xD;
	s1 =	sshrl.u32 s1, $0x2  }
0xb8: {  	s3 =	sand.u32 $0x4000, s31;
	s1 =	sadd.s32 s1, s30  }
0xb9: {  	s0 =	sor.u32 s3, s0;
	s1 =	sshll.u32 s1, $0x11  }
0xba: {  	s0 =	sor.u32 s1, s0  }
0xbb: {  	s0 =	sadd.s32 $0x8F2B, s0  }
0xbc: {  	[sflag:s0] =	ssyncadd.remote.s32 $0x1  }
0xbd: {  	_ =	sfence.sel $0xFFFF  }
0xbe: {  	[dreg:$0x0] =	wrdreg $0xFFFFFFFF;
	(pc) =	sbr.abs _section_cstart, $3  }
0xbf: {  	[dreg:$0x1] =	wrdreg $0xFFFFFFFF  }
0xc0: {  	_ =	task.clear_ibuf [dreg:s6], $0x2FFFF;
	_ =	strace $0x9FFFFFFF  }
0xc1: {  	(tm) =	ssettm $0x7FFFFFFF  }
tec
execute0_lowered:
.L_overlay_start_1:
0x0: {  	(tag) =	ssettag $0x1  }
0x1: {  	s5 =	rddreg [dreg:$0x0]  }
0x2: {  	s1 =	simm.s32 $0x0;
	s2 =	srdreg.scid;
	s10 =	simm.s32 $0x12600  }
0x3: {  	s11 =	simm.s32 $0x1;
	s12 =	simm.s32 $0x2;
	s13 =	simm.s32 $0x3  }
0x4: {  	s14 =	simm.s32 $0x4;
	s15 =	simm.s32 $0x1A200;
	s16 =	simm.s32 $0x5  }
0x5: {  	s17 =	simm.s32 $0x1A280;
	s18 =	simm.s32 $0x0;
	[smem:$0x7FF] =	sst s1  }
0x6: {  	s3 =	sadd.s32 $0x187600, s5;
	s6 =	sand.u32 $0x1, s2;
	s4 =	sadd.s32 $0x600, s5  }
0x7: {  	s2 =	stileid.u32;
	s5 =	sadd.s32 $0xA00, s5;
	s7 =	ssub.s32 $0x2, s6  }
0x8: {  	s9 =	sshll.u32 s2, $0x3;
	s6 =	sshll.u32 s6, $0x2;
	s8 =	sshrl.u32 s7, $0x1  }
0x9: {  	v0 =	vimm.f32 $-Inf;
	v1 =	vimm.s32 $0x0;
	v2 =	vimm.s32 $0xF;
	_ =	strace $0x80000047;
	s6 =	sor.u32 s6, s9;
	s7 =	ssub.s32 s7, s8  }
0xa: {  	v3 =	vimm.s32 $0x40000000;
	v4 =	vimm.s32 $0x8000000F;
	v5 =	vlaneseq.u32;
	s9 =	simm.s32 $0xC400;
	s8 =	simm.s32 $0x6200;
	s7 =	smax.u32 s7, $0x1  }
.LBB2_1:
0xb: {  	[tilespmem:$0x19F70] =	vst v0  }
0xc: {  	[tilespmem:$0x19F80] =	vst v0  }
0xd: {  	[tilespmem:$0x19F90] =	vst v0  }
0xe: {  	[tilespmem:$0x19FA0] =	vst v0  }
0xf: {  	[tilespmem:$0x19FB0] =	vst v0  }
0x10: {  	[tilespmem:$0x19FC0] =	vst v0  }
0x11: {  	[tilespmem:$0x19FD0] =	vst v0  }
0x12: {  	[tilespmem:$0x19FE0] =	vst v0  }
0x13: {  	[tilespmem:$0x19FF0] =	vst v0;
	s19 =	simm.s32 $0x0  }
.LBB2_2:
0x14: {  	s20 =	sadd.s32 s6, s19  }
0x15: {  	s21 =	smul.u32 $0x186A0, s20;
	_ =	sdelay $0x1  }
0x16: {  	s21 =	sshrl.u32 s21, $0x3  }
0x17: {  	s21 =	sadd.s32 s3, s21  }
0x18: {  	[tilespmem:s1], [sflag:$0x1] =	stream.linear.gather [hbm4b:s21+s1], $0x6200, $0x38;
	[tilespmem:$0x1A300] =	vst v63  }
0x19: {  	s22 =	sadd.s32 $0xC40, s21  }
0x1a: {  	[tilespmem:s8], [sflag:$0x2] =	stream.linear.gather [hbm4b:s22+s1], $0x6200, $0x38;
	[tilespmem:$0x1A300] =	vst v63  }
0x1b: {  	s31 =	sadd.s32 $0x1880, s21  }
0x1c: {  	[tilespmem:s9], [sflag:$0x3] =	stream.linear.gather [hbm4b:s31+s1], $0x6200, $0x38;
	[tilespmem:$0x1A300] =	vst v63  }
0x1d: {  	s21 =	sadd.s32 $0x24C0, s21  }
0x1e: {  	[tilespmem:s10], [sflag:$0x4] =	stream.linear.gather [hbm4b:s21+s1], $0x60A0, $0x38;
	[tilespmem:$0x1A300] =	vst v63  }
0x1f: {  	_ =	swait.ge [sflag:s11], $0x6200  }
0x20: {  	[sflag:s11] =	ssyncset.done $0x0  }
0x21: {  	s24 =	simm.s32 $0x200;
	[sflag:s11] =	ssyncadd.s32 $0xFFFF9E00  }
0x22: {  	v7 =	vld [tilespmem:s24+$0x100]  }
0x23: {  	v8 =	vld [tilespmem:s24+$0x110]  }
0x24: {  	v9 =	vld [tilespmem:s24+$0x120]  }
0x25: {  	v10 =	vld [tilespmem:s24+$0x130]  }
0x26: {  	v11 =	vld [tilespmem:s24+$0x140]  }
0x27: {  	v12 =	vld [tilespmem:s24+$0x150]  }
0x28: {  	v13 =	vld [tilespmem:s24+$0x160]  }
0x29: {  	v14 =	vld [tilespmem:s24+$0x170]  }
0x2a: {  	v15 =	vld [tilespmem:s24+$0x180]  }
0x2b: {  	v16 =	vld [tilespmem:s24+$0x190]  }
0x2c: {  	v17 =	vld [tilespmem:s24+$0x1A0]  }
0x2d: {  	v18 =	vld [tilespmem:s24+$0x1B0]  }
0x2e: {  	v19 =	vld [tilespmem:s24+$0x1C0]  }
0x2f: {  	v20 =	vld [tilespmem:s24+$0x1D0]  }
0x30: {  	v21 =	vld [tilespmem:s24+$0x1E0]  }
0x31: {  	v22 =	vld [tilespmem:s24+$0x1F0]  }
0x32: {  	v6 =	vld [tilespmem:s24+$0xFFFFFE10]  }
0x33: {  	v23 =	vld [tilespmem:s24+$0xFFFFFE20]  }
0x34: {  	v24 =	vld [tilespmem:s24+$0xFFFFFE30]  }
0x35: {  	v25 =	vld [tilespmem:s24+$0xFFFFFE40]  }
0x36: {  	v26 =	vld [tilespmem:s24+$0xFFFFFE50]  }
0x37: {  	v27 =	vld [tilespmem:s24+$0xFFFFFE60]  }
0x38: {  	v28 =	vld [tilespmem:s24+$0xFFFFFE70]  }
0x39: {  	v29 =	vld [tilespmem:s24+$0xFFFFFE80]  }
0x3a: {  	v30 =	vld [tilespmem:s24+$0xFFFFFE90]  }
0x3b: {  	v31 =	vld [tilespmem:s24+$0xFFFFFEA0]  }
0x3c: {  	v32 =	vld [tilespmem:s24+$0xFFFFFEB0]  }
0x3d: {  	v33 =	vld [tilespmem:s24+$0xFFFFFEC0]  }
0x3e: {  	v34 =	vld [tilespmem:s24+$0xFFFFFED0]  }
0x3f: {  	v35 =	vld [tilespmem:s24+$0xFFFFFEE0]  }
0x40: {  	v36 =	vld [tilespmem:s24+$0xFFFFFEF0]  }
0x41: {  	v37 =	vld [tilespmem:s24+$0xFFFFFF00]  }
0x42: {  	v38 =	vld [tilespmem:s24+$0xFFFFFF10]  }
0x43: {  	v39 =	vld [tilespmem:s24+$0xFFFFFF20]  }
0x44: {  	v40 =	vld [tilespmem:s24+$0xFFFFFF30]  }
0x45: {  	v41 =	vld [tilespmem:s24+$0xFFFFFF40]  }
0x46: {  	v42 =	vld [tilespmem:s24+$0xFFFFFF50]  }
0x47: {  	v43 =	vld [tilespmem:s24+$0xFFFFFF60]  }
0x48: {  	v44 =	vld [tilespmem:s24+$0xFFFFFF70]  }
0x49: {  	v45 =	vld [tilespmem:s24+$0xFFFFFF80]  }
0x4a: {  	v46 =	vld [tilespmem:s24+$0xFFFFFF90]  }
0x4b: {  	v47 =	vld [tilespmem:s24+$0xFFFFFFA0]  }
0x4c: {  	v48 =	vld [tilespmem:s24+$0xFFFFFFB0]  }
0x4d: {  	v49 =	vld [tilespmem:s24+$0xFFFFFFC0]  }
0x4e: {  	v50 =	vld [tilespmem:s24+$0xFFFFFFD0]  }
0x4f: {  	v51 =	vld [tilespmem:s24+$0xFFFFFFE0]  }
0x50: {  	v52 =	vld [tilespmem:s24+$0xFFFFFFF0]  }
0x51: {  	v54 =	vld [tilespmem:s24+$0x80];
	v7 =	vmax.f32 v7, v8;
	v8 =	vmax.f32 v9, v10  }
0x52: {  	v55 =	vld [tilespmem:s24+$0x90];
	v9 =	vmax.f32 v11, v12;
	v10 =	vmax.f32 v13, v14;
	v12 =	vmax.f32 v15, v16  }
0x53: {  	v11 =	vld [tilespmem:s24+$0x0];
	v13 =	vmax.f32 v17, v18;
	v15 =	vmax.f32 v19, v20;
	v16 =	vmax.f32 v21, v22  }
0x54: {  	v14 =	vld [tilespmem:s24+$0x10];
	v35 =	vmax.f32 v35, v36;
	v38 =	vmax.f32 v37, v38;
	v53 =	vmax.f32 v39, v40  }
0x55: {  	v17 =	vld [tilespmem:s24+$0x20];
	v56 =	vmax.f32 v43, v44;
	v57 =	vmax.f32 v45, v46;
	v59 =	vmax.f32 v47, v48  }
0x56: {  	v18 =	vld [tilespmem:s24+$0x50];
	v60 =	vmax.f32 v49, v50;
	v61 =	vmax.f32 v51, v52;
	v7 =	vmax.f32 v7, v8  }
0x57: {  	v19 =	vld [tilespmem:s24+$0x60];
	v8 =	vmax.f32 v9, v10;
	v9 =	vmax.f32 v12, v13;
	v10 =	vmax.f32 v15, v16  }
0x58: {  	v36 =	vld [tilespmem:s24+$0x70];
	v12 =	vmax.f32 v31, v32;
	v63 =	vmax.f32 v60, v61;
	v8 =	vmax.f32 v7, v8  }
0x59: {  	v13 =	vld [tilespmem:s24+$0x30];
	v9 =	vmax.f32 v9, v10;
	v7 =	vmax.f32 v23, v24;
	v10 =	vmax.f32 v29, v30  }
0x5a: {  	v15 =	vld [tilespmem:s24+$0x40];
	v16 =	vmax.f32 v8, v9;
	v10 =	vmax.f32 v10, v12;
	v12 =	vmax.f32 v33, v34  }
0x5b: {  	v58 =	vld [tilespmem:s24+$0xA0];
	v8 =	vmax.f32 v25, v26;
	v9 =	vmax.f32 v27, v28;
	v12 =	vmax.f32 v12, v35  }
0x5c: {  	v62 =	vld [tilespmem:s24+$0xB0];
	v8 =	vmax.f32 v8, v9;
	v9 =	vmax.f32 v10, v12;
	v10 =	vmax.f32 v41, v42  }
0x5d: {  	v24 =	vmax.f32 v57, v59;
	v12 =	vmax.f32 v38, v53;
	v22 =	vmax.f32 v10, v56;
	v10 =	vld [tilespmem:s24+$0xC0]  }
0x5e: {  	v24 =	vmax.f32 v24, v63;
	v11 =	vmax.f32 v11, v14;
	v22 =	vmax.f32 v12, v22;
	v12 =	vld [tilespmem:s24+$0xD0]  }
0x5f: {  	s22 =	simm.s32 $0x18720;
	v14 =	vmax.f32 v17, v13;
	v15 =	vmax.f32 v15, v18;
	v17 =	vmax.f32 v19, v36;
	v13 =	vld [tilespmem:s24+$0xE0]  }
0x60: {  	[tilespmem:s22+$0x10] =	vst v16;
	v11 =	vmax.f32 v11, v14;
	v15 =	vmax.f32 v15, v17;
	v14 =	vld [tilespmem:s24+$0xF0];
	v16 =	vmax.f32 v22, v24  }
0x61: {  	s23 =	simm.s32 $0x0;
	s21 =	simm.s32 $0x18D00;
	v17 =	vmax.f32 v58, v62;
	v11 =	vmax.f32 v11, v15;
	v15 =	vld [tilespmem:s24+$0xFFFFFE00];
	s24 =	simm.s32 $0x600;
	[tilespmem:s22+$0xFFFFFFF0] =	vst v16;
	v16 =	vmax.f32 v54, v55  }
.LBB2_3:
0x62: {  	v18 =	vld [tilespmem:s24+$0x100];
	v16 =	vmax.f32 v16, v17  }
0x63: {  	v17 =	vld [tilespmem:s24+$0x110];
	v10 =	vmax.f32 v10, v12  }
0x64: {  	v12 =	vld [tilespmem:s24+$0x120]  }
0x65: {  	v19 =	vld [tilespmem:s24+$0x130];
	v13 =	vmax.f32 v13, v14  }
0x66: {  	v14 =	vld [tilespmem:s24+$0x140];
	v6 =	vmax.f32 v15, v6;
	v10 =	vmax.f32 v10, v13  }
0x67: {  	v13 =	vld [tilespmem:s24+$0x150];
	v6 =	vmax.f32 v6, v7;
	v7 =	vmax.f32 v16, v10  }
0x68: {  	v10 =	vld [tilespmem:s24+$0x160];
	v6 =	vmax.f32 v6, v8;
	v7 =	vmax.f32 v11, v7  }
0x69: {  	v8 =	vld [tilespmem:s24+$0x170];
	v6 =	vmax.f32 v6, v9;
	[tilespmem:s22+$0x0] =	vst v7  }
0x6a: {  	v7 =	vld [tilespmem:s24+$0x180];
	[tilespmem:s22+$0xFFFFFFE0] =	vst v6  }
0x6b: {  	v9 =	vld [tilespmem:s24+$0x190]  }
0x6c: {  	v11 =	vld [tilespmem:s24+$0x1A0]  }
0x6d: {  	v15 =	vld [tilespmem:s24+$0x1B0]  }
0x6e: {  	v16 =	vld [tilespmem:s24+$0x1C0]  }
0x6f: {  	v20 =	vld [tilespmem:s24+$0x1D0]  }
0x70: {  	v21 =	vld [tilespmem:s24+$0x1E0]  }
0x71: {  	s23 =	sadd.s32 $0x4, s23;
	v22 =	vld [tilespmem:s24+$0x1F0]  }
0x72: {  	p0 =	slt.u32 s23, $0x5C;
	v6 =	vld [tilespmem:s24+$0xFFFFFE10]  }
0x73: {  	v23 =	vld [tilespmem:s24+$0xFFFFFE20]  }
0x74: {  	v17 =	vmax.f32 v18, v17;
	v12 =	vmax.f32 v12, v19;
	v13 =	vmax.f32 v14, v13;
	v24 =	vld [tilespmem:s24+$0xFFFFFE30]  }
0x75: {  	v8 =	vmax.f32 v10, v8;
	v7 =	vmax.f32 v7, v9;
	v9 =	vmax.f32 v11, v15;
	v14 =	vld [tilespmem:s24+$0xFFFFFE40]  }
0x76: {  	v12 =	vmax.f32 v17, v12;
	v11 =	vmax.f32 v16, v20;
	v10 =	vld [tilespmem:s24+$0xFFFFFE50];
	v15 =	vmax.f32 v21, v22  }
0x77: {  	v8 =	vmax.f32 v13, v8;
	v7 =	vmax.f32 v7, v9;
	v16 =	vld [tilespmem:s24+$0xFFFFFE60];
	v9 =	vmax.f32 v11, v15  }
0x78: {  	v8 =	vmax.f32 v12, v8;
	v11 =	vld [tilespmem:s24+$0xFFFFFE70];
	v9 =	vmax.f32 v7, v9  }
0x79: {  	s22 =	sadd.s32 $0x40, s22;
	v12 =	vld [tilespmem:s24+$0xFFFFFE80];
	v7 =	vmax.f32 v23, v24;
	v8 =	vmax.f32 v8, v9  }
0x7a: {  	s25 =	simm.s32 $0x0;
	v9 =	vld [tilespmem:s24+$0xFFFFFE90];
	[tilespmem:s22+$0x10] =	vst v8  }
0x7b: {  	v13 =	vld [tilespmem:s24+$0xFFFFFEA0];
	v8 =	vmax.f32 v14, v10  }
0x7c: {  	v10 =	vld [tilespmem:s24+$0xFFFFFEB0]  }
0x7d: {  	v14 =	vld [tilespmem:s24+$0xFFFFFEC0];
	v11 =	vmax.f32 v16, v11  }
0x7e: {  	v15 =	vld [tilespmem:s24+$0xFFFFFED0];
	v8 =	vmax.f32 v8, v11  }
0x7f: {  	v11 =	vld [tilespmem:s24+$0xFFFFFEE0];
	v9 =	vmax.f32 v12, v9  }
0x80: {  	v12 =	vld [tilespmem:s24+$0xFFFFFEF0]  }
0x81: {  	v10 =	vmax.f32 v13, v10;
	v13 =	vld [tilespmem:s24+$0xFFFFFF00]  }
0x82: {  	v9 =	vmax.f32 v9, v10;
	v10 =	vld [tilespmem:s24+$0xFFFFFF10]  }
0x83: {  	v14 =	vmax.f32 v14, v15;
	v15 =	vld [tilespmem:s24+$0xFFFFFF20]  }
0x84: {  	v16 =	vld [tilespmem:s24+$0xFFFFFF30]  }
0x85: {  	v11 =	vmax.f32 v11, v12;
	v12 =	vld [tilespmem:s24+$0xFFFFFF40]  }
0x86: {  	v11 =	vmax.f32 v14, v11;
	v14 =	vld [tilespmem:s24+$0xFFFFFF50]  }
0x87: {  	v9 =	vmax.f32 v9, v11;
	v11 =	vld [tilespmem:s24+$0xFFFFFF60];
	v10 =	vmax.f32 v13, v10  }
0x88: {  	v13 =	vld [tilespmem:s24+$0xFFFFFF70]  }
0x89: {  	v17 =	vld [tilespmem:s24+$0xFFFFFF80];
	v15 =	vmax.f32 v15, v16  }
0x8a: {  	v16 =	vld [tilespmem:s24+$0xFFFFFF90];
	v10 =	vmax.f32 v10, v15  }
0x8b: {  	v15 =	vld [tilespmem:s24+$0xFFFFFFA0];
	v12 =	vmax.f32 v12, v14  }
0x8c: {  	v14 =	vld [tilespmem:s24+$0xFFFFFFB0]  }
0x8d: {  	v18 =	vld [tilespmem:s24+$0xFFFFFFC0];
	v11 =	vmax.f32 v11, v13  }
0x8e: {  	v13 =	vld [tilespmem:s24+$0xFFFFFFD0];
	v11 =	vmax.f32 v12, v11  }
0x8f: {  	v12 =	vld [tilespmem:s24+$0xFFFFFFE0];
	v16 =	vmax.f32 v17, v16;
	v10 =	vmax.f32 v10, v11  }
0x90: {  	v11 =	vld [tilespmem:s24+$0xFFFFFFF0]  }
0x91: {  	v14 =	vmax.f32 v15, v14;
	v15 =	vld [tilespmem:s24+$0x0]  }
0x92: {  	v14 =	vmax.f32 v16, v14;
	v16 =	vld [tilespmem:s24+$0x10]  }
0x93: {  	v13 =	vmax.f32 v18, v13;
	v17 =	vld [tilespmem:s24+$0x20]  }
0x94: {  	v18 =	vld [tilespmem:s24+$0x30]  }
0x95: {  	v11 =	vmax.f32 v12, v11;
	v12 =	vld [tilespmem:s24+$0x40]  }
0x96: {  	v11 =	vmax.f32 v13, v11;
	v13 =	vld [tilespmem:s24+$0x50]  }
0x97: {  	v11 =	vmax.f32 v14, v11;
	v14 =	vld [tilespmem:s24+$0x60];
	v15 =	vmax.f32 v15, v16  }
0x98: {  	v10 =	vmax.f32 v10, v11;
	v11 =	vld [tilespmem:s24+$0x70]  }
0x99: {  	[tilespmem:s22+$0xFFFFFFF0] =	vst v10;
	v16 =	vld [tilespmem:s24+$0x80];
	v10 =	vmax.f32 v17, v18  }
0x9a: {  	v17 =	vld [tilespmem:s24+$0x90];
	v15 =	vmax.f32 v15, v10  }
0x9b: {  	v18 =	vld [tilespmem:s24+$0xA0];
	v13 =	vmax.f32 v12, v13  }
0x9c: {  	v19 =	vld [tilespmem:s24+$0xB0]  }
.Ltmp0:
0x9d: {  	v10 =	vld [tilespmem:s24+$0xC0];
	v11 =	vmax.f32 v14, v11;
	(pc) =	sbr.rel @p0 .LBB2_3-.Ltmp0, $4  }
0x9e: {  	v12 =	vld [tilespmem:s24+$0xD0];
	v11 =	vmax.f32 v13, v11  }
0x9f: {  	v13 =	vld [tilespmem:s24+$0xE0];
	v16 =	vmax.f32 v16, v17;
	v11 =	vmax.f32 v15, v11  }
0xa0: {  	v14 =	vld [tilespmem:s24+$0xF0]  }
0xa1: {  	v15 =	vld [tilespmem:s24+$0xFFFFFE00];
	v17 =	vmax.f32 v18, v19;
	s24 =	sadd.s32 $0x400, s24  }
0xa2: {  	_ =	sdelay $0x2  }
0xa3: {  	v10 =	vmax.f32 v10, v12;
	v62 =	vmax.f32 v13, v14  }
0xa4: {  	v63 =	vmax.f32 v16, v17;
	v6 =	vmax.f32 v15, v6;
	v10 =	vmax.f32 v10, v62  }
0xa5: {  	v6 =	vmax.f32 v6, v7;
	v7 =	vmax.f32 v63, v10  }
0xa6: {  	v6 =	vmax.f32 v6, v8;
	v7 =	vmax.f32 v11, v7  }
0xa7: {  	v6 =	vmax.f32 v6, v9;
	[tilespmem:s22+$0x0] =	vst v7  }
0xa8: {  	[tilespmem:s22+$0xFFFFFFE0] =	vst v6  }
.LBB2_5:
0xa9: {  	s22 =	sshra.s32 s25, $0x2  }
0xaa: {  	v6 =	vld [tilespmem:s22+$0x6000]  }
0xab: {  	v7 =	vld [tilespmem:s22+$0x6010]  }
0xac: {  	v8 =	vld [tilespmem:s22+$0x6020]  }
0xad: {  	v9 =	vld [tilespmem:s22+$0x6030]  }
0xae: {  	v10 =	vld [tilespmem:s22+$0x6040]  }
0xaf: {  	v11 =	vld [tilespmem:s22+$0x6050]  }
0xb0: {  	v12 =	vld [tilespmem:s22+$0x6060]  }
0xb1: {  	v13 =	vld [tilespmem:s22+$0x6070]  }
0xb2: {  	v14 =	vld [tilespmem:s22+$0x6080]  }
0xb3: {  	v15 =	vld [tilespmem:s22+$0x6090]  }
0xb4: {  	v16 =	vld [tilespmem:s22+$0x60A0]  }
0xb5: {  	v17 =	vld [tilespmem:s22+$0x60B0]  }
0xb6: {  	v18 =	vld [tilespmem:s22+$0x60C0]  }
0xb7: {  	v19 =	vld [tilespmem:s22+$0x60D0]  }
0xb8: {  	v20 =	vld [tilespmem:s22+$0x60E0]  }
0xb9: {  	v21 =	vld [tilespmem:s22+$0x60F0];
	_ =	sdelay $0x2  }
0xba: {  	v6 =	vmax.f32 v6, v7;
	v7 =	vmax.f32 v8, v9;
	v56 =	vmax.f32 v10, v11  }
0xbb: {  	p0 =	sne.s32 s25, $0x400;
	v57 =	vmax.f32 v12, v13;
	v58 =	vmax.f32 v14, v15;
	v59 =	vmax.f32 v16, v17  }
.Ltmp1:
0xbc: {  	v60 =	vmax.f32 v18, v19;
	v61 =	vmax.f32 v20, v21;
	v6 =	vmax.f32 v6, v7;
	(pc) =	sbr.rel @p0 .LBB2_5-.Ltmp1, $4  }
0xbd: {  	v7 =	vmax.f32 v56, v57;
	v62 =	vmax.f32 v58, v59;
	v63 =	vmax.f32 v60, v61  }
0xbe: {  	v6 =	vmax.f32 v6, v7;
	v7 =	vmax.f32 v62, v63  }
0xbf: {  	v6 =	vmax.f32 v6, v7  }
0xc0: {  	s25 =	sadd.s32 $0x400, s25;
	[tilespmem:s21+$0x0] =	vst v6;
	s21 =	sadd.s32 $0x10, s21  }
0xc1: {  	_ =	swait.ge [sflag:s12], $0x6200  }
0xc2: {  	[sflag:s12] =	ssyncset.done $0x0  }
0xc3: {  	s24 =	simm.s32 $0x65F0;
	[sflag:s12] =	ssyncadd.s32 $0xFFFF9E00  }
0xc4: {  	v7 =	vld [tilespmem:s24+$0xFFFFFF10]  }
0xc5: {  	v8 =	vld [tilespmem:s24+$0xFFFFFF20]  }
0xc6: {  	v9 =	vld [tilespmem:s24+$0xFFFFFF30]  }
0xc7: {  	v10 =	vld [tilespmem:s24+$0xFFFFFF40]  }
0xc8: {  	v11 =	vld [tilespmem:s24+$0xFFFFFF50]  }
0xc9: {  	v12 =	vld [tilespmem:s24+$0xFFFFFF60]  }
0xca: {  	v13 =	vld [tilespmem:s24+$0xFFFFFF70]  }
0xcb: {  	v14 =	vld [tilespmem:s24+$0xFFFFFF80]  }
0xcc: {  	v15 =	vld [tilespmem:s24+$0xFFFFFF90]  }
0xcd: {  	v16 =	vld [tilespmem:s24+$0xFFFFFFA0]  }
0xce: {  	v17 =	vld [tilespmem:s24+$0xFFFFFFB0]  }
0xcf: {  	v18 =	vld [tilespmem:s24+$0xFFFFFFC0]  }
0xd0: {  	v19 =	vld [tilespmem:s24+$0xFFFFFFD0]  }
0xd1: {  	v20 =	vld [tilespmem:s24+$0xFFFFFFE0]  }
0xd2: {  	v21 =	vld [tilespmem:s24+$0xFFFFFFF0]  }
0xd3: {  	v22 =	vld [tilespmem:s24+$0x0]  }
0xd4: {  	v6 =	vld [tilespmem:s24+$0xFFFFFC20]  }
0xd5: {  	v23 =	vld [tilespmem:s24+$0xFFFFFC30]  }
0xd6: {  	v24 =	vld [tilespmem:s24+$0xFFFFFC40]  }
0xd7: {  	v25 =	vld [tilespmem:s24+$0xFFFFFC50]  }
0xd8: {  	v26 =	vld [tilespmem:s24+$0xFFFFFC60]  }
0xd9: {  	v27 =	vld [tilespmem:s24+$0xFFFFFC70]  }
0xda: {  	v28 =	vld [tilespmem:s24+$0xFFFFFC80]  }
0xdb: {  	v29 =	vld [tilespmem:s24+$0xFFFFFC90]  }
0xdc: {  	v30 =	vld [tilespmem:s24+$0xFFFFFCA0]  }
0xdd: {  	v31 =	vld [tilespmem:s24+$0xFFFFFCB0]  }
0xde: {  	v32 =	vld [tilespmem:s24+$0xFFFFFCC0]  }
0xdf: {  	v33 =	vld [tilespmem:s24+$0xFFFFFCD0]  }
0xe0: {  	v34 =	vld [tilespmem:s24+$0xFFFFFCE0]  }
0xe1: {  	v35 =	vld [tilespmem:s24+$0xFFFFFCF0]  }
0xe2: {  	v36 =	vld [tilespmem:s24+$0xFFFFFD00]  }
0xe3: {  	v37 =	vld [tilespmem:s24+$0xFFFFFD10]  }
0xe4: {  	v38 =	vld [tilespmem:s24+$0xFFFFFD20]  }
0xe5: {  	v39 =	vld [tilespmem:s24+$0xFFFFFD30]  }
0xe6: {  	v40 =	vld [tilespmem:s24+$0xFFFFFD40]  }
0xe7: {  	v41 =	vld [tilespmem:s24+$0xFFFFFD50]  }
0xe8: {  	v42 =	vld [tilespmem:s24+$0xFFFFFD60]  }
0xe9: {  	v43 =	vld [tilespmem:s24+$0xFFFFFD70]  }
0xea: {  	v44 =	vld [tilespmem:s24+$0xFFFFFD80]  }
0xeb: {  	v45 =	vld [tilespmem:s24+$0xFFFFFD90]  }
0xec: {  	v46 =	vld [tilespmem:s24+$0xFFFFFDA0]  }
0xed: {  	v47 =	vld [tilespmem:s24+$0xFFFFFDB0]  }
0xee: {  	v48 =	vld [tilespmem:s24+$0xFFFFFDC0]  }
0xef: {  	v49 =	vld [tilespmem:s24+$0xFFFFFDD0]  }
0xf0: {  	v50 =	vld [tilespmem:s24+$0xFFFFFDE0]  }
0xf1: {  	v51 =	vld [tilespmem:s24+$0xFFFFFDF0]  }
0xf2: {  	v52 =	vld [tilespmem:s24+$0xFFFFFE00]  }
0xf3: {  	v54 =	vld [tilespmem:s24+$0xFFFFFE90];
	v7 =	vmax.f32 v7, v8;
	v8 =	vmax.f32 v9, v10  }
0xf4: {  	v55 =	vld [tilespmem:s24+$0xFFFFFEA0];
	v9 =	vmax.f32 v11, v12;
	v10 =	vmax.f32 v13, v14;
	v12 =	vmax.f32 v15, v16  }
0xf5: {  	v11 =	vld [tilespmem:s24+$0xFFFFFE10];
	v13 =	vmax.f32 v17, v18;
	v15 =	vmax.f32 v19, v20;
	v16 =	vmax.f32 v21, v22  }
0xf6: {  	v14 =	vld [tilespmem:s24+$0xFFFFFE20];
	v35 =	vmax.f32 v35, v36;
	v38 =	vmax.f32 v37, v38;
	v53 =	vmax.f32 v39, v40  }
0xf7: {  	v17 =	vld [tilespmem:s24+$0xFFFFFE30];
	v56 =	vmax.f32 v43, v44;
	v57 =	vmax.f32 v45, v46;
	v59 =	vmax.f32 v47, v48  }
0xf8: {  	v18 =	vld [tilespmem:s24+$0xFFFFFE60];
	v60 =	vmax.f32 v49, v50;
	v61 =	vmax.f32 v51, v52;
	v7 =	vmax.f32 v7, v8  }
0xf9: {  	v19 =	vld [tilespmem:s24+$0xFFFFFE70];
	v8 =	vmax.f32 v9, v10;
	v9 =	vmax.f32 v12, v13;
	v10 =	vmax.f32 v15, v16  }
0xfa: {  	v36 =	vld [tilespmem:s24+$0xFFFFFE80];
	v12 =	vmax.f32 v31, v32;
	v63 =	vmax.f32 v60, v61;
	v8 =	vmax.f32 v7, v8  }
0xfb: {  	v13 =	vld [tilespmem:s24+$0xFFFFFE40];
	v9 =	vmax.f32 v9, v10;
	v7 =	vmax.f32 v23, v24;
	v10 =	vmax.f32 v29, v30  }
0xfc: {  	v15 =	vld [tilespmem:s24+$0xFFFFFE50];
	v16 =	vmax.f32 v8, v9;
	v10 =	vmax.f32 v10, v12;
	v12 =	vmax.f32 v33, v34  }
0xfd: {  	v58 =	vld [tilespmem:s24+$0xFFFFFEB0];
	v8 =	vmax.f32 v25, v26;
	v9 =	vmax.f32 v27, v28;
	v12 =	vmax.f32 v12, v35  }
0xfe: {  	v62 =	vld [tilespmem:s24+$0xFFFFFEC0];
	v8 =	vmax.f32 v8, v9;
	v9 =	vmax.f32 v10, v12;
	v10 =	vmax.f32 v41, v42  }
0xff: {  	v24 =	vmax.f32 v57, v59;
	v12 =	vmax.f32 v38, v53;
	v22 =	vmax.f32 v10, v56;
	v10 =	vld [tilespmem:s24+$0xFFFFFED0]  }
0x100: {  	v24 =	vmax.f32 v24, v63;
	v11 =	vmax.f32 v11, v14;
	v22 =	vmax.f32 v12, v22;
	v12 =	vld [tilespmem:s24+$0xFFFFFEE0]  }
0x101: {  	s22 =	simm.s32 $0x18D50;
	v14 =	vmax.f32 v17, v13;
	v15 =	vmax.f32 v15, v18;
	v17 =	vmax.f32 v19, v36;
	v13 =	vld [tilespmem:s24+$0xFFFFFEF0]  }
0x102: {  	[tilespmem:s22+$0x0] =	vst v16;
	v11 =	vmax.f32 v11, v14;
	v15 =	vmax.f32 v15, v17;
	v14 =	vld [tilespmem:s24+$0xFFFFFF00];
	v16 =	vmax.f32 v22, v24  }
0x103: {  	s23 =	simm.s32 $0x62;
	s21 =	simm.s32 $0x19320;
	v17 =	vmax.f32 v58, v62;
	v11 =	vmax.f32 v11, v15;
	v15 =	vld [tilespmem:s24+$0xFFFFFC10];
	s24 =	simm.s32 $0x69F0;
	[tilespmem:s22+$0xFFFFFFE0] =	vst v16;
	v16 =	vmax.f32 v54, v55  }
.LBB2_7:
0x104: {  	v18 =	vld [tilespmem:s24+$0xFFFFFF10];
	v16 =	vmax.f32 v16, v17  }
0x105: {  	v17 =	vld [tilespmem:s24+$0xFFFFFF20];
	v10 =	vmax.f32 v10, v12  }
0x106: {  	v12 =	vld [tilespmem:s24+$0xFFFFFF30]  }
0x107: {  	v19 =	vld [tilespmem:s24+$0xFFFFFF40];
	v13 =	vmax.f32 v13, v14  }
0x108: {  	v14 =	vld [tilespmem:s24+$0xFFFFFF50];
	v6 =	vmax.f32 v15, v6;
	v10 =	vmax.f32 v10, v13  }
0x109: {  	v13 =	vld [tilespmem:s24+$0xFFFFFF60];
	v6 =	vmax.f32 v6, v7;
	v7 =	vmax.f32 v16, v10  }
0x10a: {  	v10 =	vld [tilespmem:s24+$0xFFFFFF70];
	v6 =	vmax.f32 v6, v8;
	v7 =	vmax.f32 v11, v7  }
0x10b: {  	v8 =	vld [tilespmem:s24+$0xFFFFFF80];
	v6 =	vmax.f32 v6, v9;
	[tilespmem:s22+$0xFFFFFFF0] =	vst v7  }
0x10c: {  	v7 =	vld [tilespmem:s24+$0xFFFFFF90];
	[tilespmem:s22+$0xFFFFFFD0] =	vst v6  }
0x10d: {  	v9 =	vld [tilespmem:s24+$0xFFFFFFA0]  }
0x10e: {  	v11 =	vld [tilespmem:s24+$0xFFFFFFB0]  }
0x10f: {  	v15 =	vld [tilespmem:s24+$0xFFFFFFC0]  }
0x110: {  	v16 =	vld [tilespmem:s24+$0xFFFFFFD0]  }
0x111: {  	v20 =	vld [tilespmem:s24+$0xFFFFFFE0]  }
0x112: {  	v21 =	vld [tilespmem:s24+$0xFFFFFFF0]  }
0x113: {  	s23 =	sadd.s32 $0x4, s23;
	v22 =	vld [tilespmem:s24+$0x0]  }
0x114: {  	p0 =	slt.u32 s23, $0xBE;
	v6 =	vld [tilespmem:s24+$0xFFFFFC20]  }
0x115: {  	v23 =	vld [tilespmem:s24+$0xFFFFFC30]  }
0x116: {  	v17 =	vmax.f32 v18, v17;
	v12 =	vmax.f32 v12, v19;
	v13 =	vmax.f32 v14, v13;
	v24 =	vld [tilespmem:s24+$0xFFFFFC40]  }
0x117: {  	v8 =	vmax.f32 v10, v8;
	v7 =	vmax.f32 v7, v9;
	v9 =	vmax.f32 v11, v15;
	v14 =	vld [tilespmem:s24+$0xFFFFFC50]  }
0x118: {  	v12 =	vmax.f32 v17, v12;
	v11 =	vmax.f32 v16, v20;
	v10 =	vld [tilespmem:s24+$0xFFFFFC60];
	v15 =	vmax.f32 v21, v22  }
0x119: {  	v8 =	vmax.f32 v13, v8;
	v7 =	vmax.f32 v7, v9;
	v16 =	vld [tilespmem:s24+$0xFFFFFC70];
	v9 =	vmax.f32 v11, v15  }
0x11a: {  	v8 =	vmax.f32 v12, v8;
	v11 =	vld [tilespmem:s24+$0xFFFFFC80];
	v9 =	vmax.f32 v7, v9  }
0x11b: {  	s22 =	sadd.s32 $0x40, s22;
	v12 =	vld [tilespmem:s24+$0xFFFFFC90];
	v7 =	vmax.f32 v23, v24;
	v8 =	vmax.f32 v8, v9  }
0x11c: {  	s25 =	simm.s32 $0x0;
	v9 =	vld [tilespmem:s24+$0xFFFFFCA0];
	[tilespmem:s22+$0x0] =	vst v8  }
0x11d: {  	v13 =	vld [tilespmem:s24+$0xFFFFFCB0];
	v8 =	vmax.f32 v14, v10  }
0x11e: {  	v10 =	vld [tilespmem:s24+$0xFFFFFCC0]  }
0x11f: {  	v14 =	vld [tilespmem:s24+$0xFFFFFCD0];
	v11 =	vmax.f32 v16, v11  }
0x120: {  	v15 =	vld [tilespmem:s24+$0xFFFFFCE0];
	v8 =	vmax.f32 v8, v11  }
0x121: {  	v11 =	vld [tilespmem:s24+$0xFFFFFCF0];
	v9 =	vmax.f32 v12, v9  }
0x122: {  	v12 =	vld [tilespmem:s24+$0xFFFFFD00]  }
0x123: {  	v10 =	vmax.f32 v13, v10;
	v13 =	vld [tilespmem:s24+$0xFFFFFD10]  }
0x124: {  	v9 =	vmax.f32 v9, v10;
	v10 =	vld [tilespmem:s24+$0xFFFFFD20]  }
0x125: {  	v14 =	vmax.f32 v14, v15;
	v15 =	vld [tilespmem:s24+$0xFFFFFD30]  }
0x126: {  	v16 =	vld [tilespmem:s24+$0xFFFFFD40]  }
0x127: {  	v11 =	vmax.f32 v11, v12;
	v12 =	vld [tilespmem:s24+$0xFFFFFD50]  }
0x128: {  	v11 =	vmax.f32 v14, v11;
	v14 =	vld [tilespmem:s24+$0xFFFFFD60]  }
0x129: {  	v9 =	vmax.f32 v9, v11;
	v11 =	vld [tilespmem:s24+$0xFFFFFD70];
	v10 =	vmax.f32 v13, v10  }
0x12a: {  	v13 =	vld [tilespmem:s24+$0xFFFFFD80]  }
0x12b: {  	v17 =	vld [tilespmem:s24+$0xFFFFFD90];
	v15 =	vmax.f32 v15, v16  }
0x12c: {  	v16 =	vld [tilespmem:s24+$0xFFFFFDA0];
	v10 =	vmax.f32 v10, v15  }
0x12d: {  	v15 =	vld [tilespmem:s24+$0xFFFFFDB0];
	v12 =	vmax.f32 v12, v14  }
0x12e: {  	v14 =	vld [tilespmem:s24+$0xFFFFFDC0]  }
0x12f: {  	v18 =	vld [tilespmem:s24+$0xFFFFFDD0];
	v11 =	vmax.f32 v11, v13  }
0x130: {  	v13 =	vld [tilespmem:s24+$0xFFFFFDE0];
	v11 =	vmax.f32 v12, v11  }
0x131: {  	v12 =	vld [tilespmem:s24+$0xFFFFFDF0];
	v16 =	vmax.f32 v17, v16;
	v10 =	vmax.f32 v10, v11  }
0x132: {  	v11 =	vld [tilespmem:s24+$0xFFFFFE00]  }
0x133: {  	v14 =	vmax.f32 v15, v14;
	v15 =	vld [tilespmem:s24+$0xFFFFFE10]  }
0x134: {  	v14 =	vmax.f32 v16, v14;
	v16 =	vld [tilespmem:s24+$0xFFFFFE20]  }
0x135: {  	v13 =	vmax.f32 v18, v13;
	v17 =	vld [tilespmem:s24+$0xFFFFFE30]  }
0x136: {  	v18 =	vld [tilespmem:s24+$0xFFFFFE40]  }
0x137: {  	v11 =	vmax.f32 v12, v11;
	v12 =	vld [tilespmem:s24+$0xFFFFFE50]  }
0x138: {  	v11 =	vmax.f32 v13, v11;
	v13 =	vld [tilespmem:s24+$0xFFFFFE60]  }
0x139: {  	v11 =	vmax.f32 v14, v11;
	v14 =	vld [tilespmem:s24+$0xFFFFFE70];
	v15 =	vmax.f32 v15, v16  }
0x13a: {  	v10 =	vmax.f32 v10, v11;
	v11 =	vld [tilespmem:s24+$0xFFFFFE80]  }
0x13b: {  	[tilespmem:s22+$0xFFFFFFE0] =	vst v10;
	v16 =	vld [tilespmem:s24+$0xFFFFFE90];
	v10 =	vmax.f32 v17, v18  }
0x13c: {  	v17 =	vld [tilespmem:s24+$0xFFFFFEA0];
	v15 =	vmax.f32 v15, v10  }
0x13d: {  	v18 =	vld [tilespmem:s24+$0xFFFFFEB0];
	v13 =	vmax.f32 v12, v13  }
0x13e: {  	v19 =	vld [tilespmem:s24+$0xFFFFFEC0]  }
.Ltmp2:
0x13f: {  	v10 =	vld [tilespmem:s24+$0xFFFFFED0];
	v11 =	vmax.f32 v14, v11;
	(pc) =	sbr.rel @p0 .LBB2_7-.Ltmp2, $4  }
0x140: {  	v12 =	vld [tilespmem:s24+$0xFFFFFEE0];
	v11 =	vmax.f32 v13, v11  }
0x141: {  	v13 =	vld [tilespmem:s24+$0xFFFFFEF0];
	v16 =	vmax.f32 v16, v17;
	v11 =	vmax.f32 v15, v11  }
0x142: {  	v14 =	vld [tilespmem:s24+$0xFFFFFF00]  }
0x143: {  	v15 =	vld [tilespmem:s24+$0xFFFFFC10];
	v17 =	vmax.f32 v18, v19;
	s24 =	sadd.s32 $0x400, s24  }
0x144: {  	_ =	sdelay $0x2  }
0x145: {  	v10 =	vmax.f32 v10, v12;
	v62 =	vmax.f32 v13, v14  }
0x146: {  	v63 =	vmax.f32 v16, v17;
	v6 =	vmax.f32 v15, v6;
	v10 =	vmax.f32 v10, v62  }
0x147: {  	v6 =	vmax.f32 v6, v7;
	v7 =	vmax.f32 v63, v10  }
0x148: {  	v6 =	vmax.f32 v6, v8;
	v7 =	vmax.f32 v11, v7  }
0x149: {  	v6 =	vmax.f32 v6, v9;
	[tilespmem:s22+$0xFFFFFFF0] =	vst v7  }
0x14a: {  	[tilespmem:s22+$0xFFFFFFD0] =	vst v6  }
.LBB2_9:
0x14b: {  	s22 =	sshra.s32 s25, $0x2  }
0x14c: {  	v6 =	vld [tilespmem:s22+$0xC200]  }
0x14d: {  	v7 =	vld [tilespmem:s22+$0xC210]  }
0x14e: {  	v8 =	vld [tilespmem:s22+$0xC220]  }
0x14f: {  	v9 =	vld [tilespmem:s22+$0xC230]  }
0x150: {  	v10 =	vld [tilespmem:s22+$0xC240]  }
0x151: {  	v11 =	vld [tilespmem:s22+$0xC250]  }
0x152: {  	v12 =	vld [tilespmem:s22+$0xC260]  }
0x153: {  	v13 =	vld [tilespmem:s22+$0xC270]  }
0x154: {  	v14 =	vld [tilespmem:s22+$0xC280]  }
0x155: {  	v15 =	vld [tilespmem:s22+$0xC290]  }
0x156: {  	v16 =	vld [tilespmem:s22+$0xC2A0]  }
0x157: {  	v17 =	vld [tilespmem:s22+$0xC2B0]  }
0x158: {  	v18 =	vld [tilespmem:s22+$0xC2C0]  }
0x159: {  	v19 =	vld [tilespmem:s22+$0xC2D0]  }
0x15a: {  	v20 =	vld [tilespmem:s22+$0xC2E0]  }
0x15b: {  	v21 =	vld [tilespmem:s22+$0xC2F0];
	_ =	sdelay $0x2  }
0x15c: {  	v6 =	vmax.f32 v6, v7;
	v7 =	vmax.f32 v8, v9;
	v56 =	vmax.f32 v10, v11  }
0x15d: {  	p0 =	sne.s32 s25, $0x400;
	v57 =	vmax.f32 v12, v13;
	v58 =	vmax.f32 v14, v15;
	v59 =	vmax.f32 v16, v17  }
.Ltmp3:
0x15e: {  	v60 =	vmax.f32 v18, v19;
	v61 =	vmax.f32 v20, v21;
	v6 =	vmax.f32 v6, v7;
	(pc) =	sbr.rel @p0 .LBB2_9-.Ltmp3, $4  }
0x15f: {  	v7 =	vmax.f32 v56, v57;
	v62 =	vmax.f32 v58, v59;
	v63 =	vmax.f32 v60, v61  }
0x160: {  	v6 =	vmax.f32 v6, v7;
	v7 =	vmax.f32 v62, v63  }
0x161: {  	v6 =	vmax.f32 v6, v7  }
0x162: {  	s25 =	sadd.s32 $0x400, s25;
	[tilespmem:s21+$0x0] =	vst v6;
	s21 =	sadd.s32 $0x10, s21  }
0x163: {  	_ =	swait.ge [sflag:s13], $0x6200  }
0x164: {  	[sflag:s13] =	ssyncset.done $0x0  }
0x165: {  	s24 =	simm.s32 $0xC7F0;
	[sflag:s13] =	ssyncadd.s32 $0xFFFF9E00  }
0x166: {  	v7 =	vld [tilespmem:s24+$0xFFFFFF10]  }
0x167: {  	v8 =	vld [tilespmem:s24+$0xFFFFFF20]  }
0x168: {  	v9 =	vld [tilespmem:s24+$0xFFFFFF30]  }
0x169: {  	v10 =	vld [tilespmem:s24+$0xFFFFFF40]  }
0x16a: {  	v11 =	vld [tilespmem:s24+$0xFFFFFF50]  }
0x16b: {  	v12 =	vld [tilespmem:s24+$0xFFFFFF60]  }
0x16c: {  	v13 =	vld [tilespmem:s24+$0xFFFFFF70]  }
0x16d: {  	v14 =	vld [tilespmem:s24+$0xFFFFFF80]  }
0x16e: {  	v15 =	vld [tilespmem:s24+$0xFFFFFF90]  }
0x16f: {  	v16 =	vld [tilespmem:s24+$0xFFFFFFA0]  }
0x170: {  	v17 =	vld [tilespmem:s24+$0xFFFFFFB0]  }
0x171: {  	v18 =	vld [tilespmem:s24+$0xFFFFFFC0]  }
0x172: {  	v19 =	vld [tilespmem:s24+$0xFFFFFFD0]  }
0x173: {  	v20 =	vld [tilespmem:s24+$0xFFFFFFE0]  }
0x174: {  	v21 =	vld [tilespmem:s24+$0xFFFFFFF0]  }
0x175: {  	v22 =	vld [tilespmem:s24+$0x0]  }
0x176: {  	v6 =	vld [tilespmem:s24+$0xFFFFFC20]  }
0x177: {  	v23 =	vld [tilespmem:s24+$0xFFFFFC30]  }
0x178: {  	v24 =	vld [tilespmem:s24+$0xFFFFFC40]  }
0x179: {  	v25 =	vld [tilespmem:s24+$0xFFFFFC50]  }
0x17a: {  	v26 =	vld [tilespmem:s24+$0xFFFFFC60]  }
0x17b: {  	v27 =	vld [tilespmem:s24+$0xFFFFFC70]  }
0x17c: {  	v28 =	vld [tilespmem:s24+$0xFFFFFC80]  }
0x17d: {  	v29 =	vld [tilespmem:s24+$0xFFFFFC90]  }
0x17e: {  	v30 =	vld [tilespmem:s24+$0xFFFFFCA0]  }
0x17f: {  	v31 =	vld [tilespmem:s24+$0xFFFFFCB0]  }
0x180: {  	v32 =	vld [tilespmem:s24+$0xFFFFFCC0]  }
0x181: {  	v33 =	vld [tilespmem:s24+$0xFFFFFCD0]  }
0x182: {  	v34 =	vld [tilespmem:s24+$0xFFFFFCE0]  }
0x183: {  	v35 =	vld [tilespmem:s24+$0xFFFFFCF0]  }
0x184: {  	v36 =	vld [tilespmem:s24+$0xFFFFFD00]  }
0x185: {  	v37 =	vld [tilespmem:s24+$0xFFFFFD10]  }
0x186: {  	v38 =	vld [tilespmem:s24+$0xFFFFFD20]  }
0x187: {  	v39 =	vld [tilespmem:s24+$0xFFFFFD30]  }
0x188: {  	v40 =	vld [tilespmem:s24+$0xFFFFFD40]  }
0x189: {  	v41 =	vld [tilespmem:s24+$0xFFFFFD50]  }
0x18a: {  	v42 =	vld [tilespmem:s24+$0xFFFFFD60]  }
0x18b: {  	v43 =	vld [tilespmem:s24+$0xFFFFFD70]  }
0x18c: {  	v44 =	vld [tilespmem:s24+$0xFFFFFD80]  }
0x18d: {  	v45 =	vld [tilespmem:s24+$0xFFFFFD90]  }
0x18e: {  	v46 =	vld [tilespmem:s24+$0xFFFFFDA0]  }
0x18f: {  	v47 =	vld [tilespmem:s24+$0xFFFFFDB0]  }
0x190: {  	v48 =	vld [tilespmem:s24+$0xFFFFFDC0]  }
0x191: {  	v49 =	vld [tilespmem:s24+$0xFFFFFDD0]  }
0x192: {  	v50 =	vld [tilespmem:s24+$0xFFFFFDE0]  }
0x193: {  	v51 =	vld [tilespmem:s24+$0xFFFFFDF0]  }
0x194: {  	v52 =	vld [tilespmem:s24+$0xFFFFFE00]  }
0x195: {  	v54 =	vld [tilespmem:s24+$0xFFFFFE90];
	v7 =	vmax.f32 v7, v8;
	v8 =	vmax.f32 v9, v10  }
0x196: {  	v55 =	vld [tilespmem:s24+$0xFFFFFEA0];
	v9 =	vmax.f32 v11, v12;
	v10 =	vmax.f32 v13, v14;
	v12 =	vmax.f32 v15, v16  }
0x197: {  	v11 =	vld [tilespmem:s24+$0xFFFFFE10];
	v13 =	vmax.f32 v17, v18;
	v15 =	vmax.f32 v19, v20;
	v16 =	vmax.f32 v21, v22  }
0x198: {  	v14 =	vld [tilespmem:s24+$0xFFFFFE20];
	v35 =	vmax.f32 v35, v36;
	v38 =	vmax.f32 v37, v38;
	v53 =	vmax.f32 v39, v40  }
0x199: {  	v17 =	vld [tilespmem:s24+$0xFFFFFE30];
	v56 =	vmax.f32 v43, v44;
	v57 =	vmax.f32 v45, v46;
	v59 =	vmax.f32 v47, v48  }
0x19a: {  	v18 =	vld [tilespmem:s24+$0xFFFFFE60];
	v60 =	vmax.f32 v49, v50;
	v61 =	vmax.f32 v51, v52;
	v7 =	vmax.f32 v7, v8  }
0x19b: {  	v19 =	vld [tilespmem:s24+$0xFFFFFE70];
	v8 =	vmax.f32 v9, v10;
	v9 =	vmax.f32 v12, v13;
	v10 =	vmax.f32 v15, v16  }
0x19c: {  	v36 =	vld [tilespmem:s24+$0xFFFFFE80];
	v12 =	vmax.f32 v31, v32;
	v63 =	vmax.f32 v60, v61;
	v8 =	vmax.f32 v7, v8  }
0x19d: {  	v13 =	vld [tilespmem:s24+$0xFFFFFE40];
	v9 =	vmax.f32 v9, v10;
	v7 =	vmax.f32 v23, v24;
	v10 =	vmax.f32 v29, v30  }
0x19e: {  	v15 =	vld [tilespmem:s24+$0xFFFFFE50];
	v16 =	vmax.f32 v8, v9;
	v10 =	vmax.f32 v10, v12;
	v12 =	vmax.f32 v33, v34  }
0x19f: {  	v58 =	vld [tilespmem:s24+$0xFFFFFEB0];
	v8 =	vmax.f32 v25, v26;
	v9 =	vmax.f32 v27, v28;
	v12 =	vmax.f32 v12, v35  }
0x1a0: {  	v62 =	vld [tilespmem:s24+$0xFFFFFEC0];
	v8 =	vmax.f32 v8, v9;
	v9 =	vmax.f32 v10, v12;
	v10 =	vmax.f32 v41, v42  }
0x1a1: {  	v24 =	vmax.f32 v57, v59;
	v12 =	vmax.f32 v38, v53;
	v22 =	vmax.f32 v10, v56;
	v10 =	vld [tilespmem:s24+$0xFFFFFED0]  }
0x1a2: {  	v24 =	vmax.f32 v24, v63;
	v11 =	vmax.f32 v11, v14;
	v22 =	vmax.f32 v12, v22;
	v12 =	vld [tilespmem:s24+$0xFFFFFEE0]  }
0x1a3: {  	s22 =	simm.s32 $0x19370;
	v14 =	vmax.f32 v17, v13;
	v15 =	vmax.f32 v15, v18;
	v17 =	vmax.f32 v19, v36;
	v13 =	vld [tilespmem:s24+$0xFFFFFEF0]  }
0x1a4: {  	[tilespmem:s22+$0x0] =	vst v16;
	v11 =	vmax.f32 v11, v14;
	v15 =	vmax.f32 v15, v17;
	v14 =	vld [tilespmem:s24+$0xFFFFFF00];
	v16 =	vmax.f32 v22, v24  }
0x1a5: {  	s23 =	simm.s32 $0xC4;
	s21 =	simm.s32 $0x19940;
	v17 =	vmax.f32 v58, v62;
	v11 =	vmax.f32 v11, v15;
	v15 =	vld [tilespmem:s24+$0xFFFFFC10];
	s24 =	simm.s32 $0xCBF0;
	[tilespmem:s22+$0xFFFFFFE0] =	vst v16;
	v16 =	vmax.f32 v54, v55  }
.LBB2_11:
0x1a6: {  	v18 =	vld [tilespmem:s24+$0xFFFFFF10];
	v16 =	vmax.f32 v16, v17  }
0x1a7: {  	v17 =	vld [tilespmem:s24+$0xFFFFFF20];
	v10 =	vmax.f32 v10, v12  }
0x1a8: {  	v12 =	vld [tilespmem:s24+$0xFFFFFF30]  }
0x1a9: {  	v19 =	vld [tilespmem:s24+$0xFFFFFF40];
	v13 =	vmax.f32 v13, v14  }
0x1aa: {  	v14 =	vld [tilespmem:s24+$0xFFFFFF50];
	v6 =	vmax.f32 v15, v6;
	v10 =	vmax.f32 v10, v13  }
0x1ab: {  	v13 =	vld [tilespmem:s24+$0xFFFFFF60];
	v6 =	vmax.f32 v6, v7;
	v7 =	vmax.f32 v16, v10  }
0x1ac: {  	v10 =	vld [tilespmem:s24+$0xFFFFFF70];
	v6 =	vmax.f32 v6, v8;
	v7 =	vmax.f32 v11, v7  }
0x1ad: {  	v8 =	vld [tilespmem:s24+$0xFFFFFF80];
	v6 =	vmax.f32 v6, v9;
	[tilespmem:s22+$0xFFFFFFF0] =	vst v7  }
0x1ae: {  	v7 =	vld [tilespmem:s24+$0xFFFFFF90];
	[tilespmem:s22+$0xFFFFFFD0] =	vst v6  }
0x1af: {  	v9 =	vld [tilespmem:s24+$0xFFFFFFA0]  }
0x1b0: {  	v11 =	vld [tilespmem:s24+$0xFFFFFFB0]  }
0x1b1: {  	v15 =	vld [tilespmem:s24+$0xFFFFFFC0]  }
0x1b2: {  	v16 =	vld [tilespmem:s24+$0xFFFFFFD0]  }
0x1b3: {  	v20 =	vld [tilespmem:s24+$0xFFFFFFE0]  }
0x1b4: {  	v21 =	vld [tilespmem:s24+$0xFFFFFFF0]  }
0x1b5: {  	s23 =	sadd.s32 $0x4, s23;
	v22 =	vld [tilespmem:s24+$0x0]  }
0x1b6: {  	p0 =	slt.u32 s23, $0x120;
	v6 =	vld [tilespmem:s24+$0xFFFFFC20]  }
0x1b7: {  	v23 =	vld [tilespmem:s24+$0xFFFFFC30]  }
0x1b8: {  	v17 =	vmax.f32 v18, v17;
	v12 =	vmax.f32 v12, v19;
	v13 =	vmax.f32 v14, v13;
	v24 =	vld [tilespmem:s24+$0xFFFFFC40]  }
0x1b9: {  	v8 =	vmax.f32 v10, v8;
	v7 =	vmax.f32 v7, v9;
	v9 =	vmax.f32 v11, v15;
	v14 =	vld [tilespmem:s24+$0xFFFFFC50]  }
0x1ba: {  	v12 =	vmax.f32 v17, v12;
	v11 =	vmax.f32 v16, v20;
	v10 =	vld [tilespmem:s24+$0xFFFFFC60];
	v15 =	vmax.f32 v21, v22  }
0x1bb: {  	v8 =	vmax.f32 v13, v8;
	v7 =	vmax.f32 v7, v9;
	v16 =	vld [tilespmem:s24+$0xFFFFFC70];
	v9 =	vmax.f32 v11, v15  }
0x1bc: {  	v8 =	vmax.f32 v12, v8;
	v11 =	vld [tilespmem:s24+$0xFFFFFC80];
	v9 =	vmax.f32 v7, v9  }
0x1bd: {  	s22 =	sadd.s32 $0x40, s22;
	v12 =	vld [tilespmem:s24+$0xFFFFFC90];
	v7 =	vmax.f32 v23, v24;
	v8 =	vmax.f32 v8, v9  }
0x1be: {  	s25 =	simm.s32 $0x0;
	v9 =	vld [tilespmem:s24+$0xFFFFFCA0];
	[tilespmem:s22+$0x0] =	vst v8  }
0x1bf: {  	v13 =	vld [tilespmem:s24+$0xFFFFFCB0];
	v8 =	vmax.f32 v14, v10  }
0x1c0: {  	v10 =	vld [tilespmem:s24+$0xFFFFFCC0]  }
0x1c1: {  	v14 =	vld [tilespmem:s24+$0xFFFFFCD0];
	v11 =	vmax.f32 v16, v11  }
0x1c2: {  	v15 =	vld [tilespmem:s24+$0xFFFFFCE0];
	v8 =	vmax.f32 v8, v11  }
0x1c3: {  	v11 =	vld [tilespmem:s24+$0xFFFFFCF0];
	v9 =	vmax.f32 v12, v9  }
0x1c4: {  	v12 =	vld [tilespmem:s24+$0xFFFFFD00]  }
0x1c5: {  	v10 =	vmax.f32 v13, v10;
	v13 =	vld [tilespmem:s24+$0xFFFFFD10]  }
0x1c6: {  	v9 =	vmax.f32 v9, v10;
	v10 =	vld [tilespmem:s24+$0xFFFFFD20]  }
0x1c7: {  	v14 =	vmax.f32 v14, v15;
	v15 =	vld [tilespmem:s24+$0xFFFFFD30]  }
0x1c8: {  	v16 =	vld [tilespmem:s24+$0xFFFFFD40]  }
0x1c9: {  	v11 =	vmax.f32 v11, v12;
	v12 =	vld [tilespmem:s24+$0xFFFFFD50]  }
0x1ca: {  	v11 =	vmax.f32 v14, v11;
	v14 =	vld [tilespmem:s24+$0xFFFFFD60]  }
0x1cb: {  	v9 =	vmax.f32 v9, v11;
	v11 =	vld [tilespmem:s24+$0xFFFFFD70];
	v10 =	vmax.f32 v13, v10  }
0x1cc: {  	v13 =	vld [tilespmem:s24+$0xFFFFFD80]  }
0x1cd: {  	v17 =	vld [tilespmem:s24+$0xFFFFFD90];
	v15 =	vmax.f32 v15, v16  }
0x1ce: {  	v16 =	vld [tilespmem:s24+$0xFFFFFDA0];
	v10 =	vmax.f32 v10, v15  }
0x1cf: {  	v15 =	vld [tilespmem:s24+$0xFFFFFDB0];
	v12 =	vmax.f32 v12, v14  }
0x1d0: {  	v14 =	vld [tilespmem:s24+$0xFFFFFDC0]  }
0x1d1: {  	v18 =	vld [tilespmem:s24+$0xFFFFFDD0];
	v11 =	vmax.f32 v11, v13  }
0x1d2: {  	v13 =	vld [tilespmem:s24+$0xFFFFFDE0];
	v11 =	vmax.f32 v12, v11  }
0x1d3: {  	v12 =	vld [tilespmem:s24+$0xFFFFFDF0];
	v16 =	vmax.f32 v17, v16;
	v10 =	vmax.f32 v10, v11  }
0x1d4: {  	v11 =	vld [tilespmem:s24+$0xFFFFFE00]  }
0x1d5: {  	v14 =	vmax.f32 v15, v14;
	v15 =	vld [tilespmem:s24+$0xFFFFFE10]  }
0x1d6: {  	v14 =	vmax.f32 v16, v14;
	v16 =	vld [tilespmem:s24+$0xFFFFFE20]  }
0x1d7: {  	v13 =	vmax.f32 v18, v13;
	v17 =	vld [tilespmem:s24+$0xFFFFFE30]  }
0x1d8: {  	v18 =	vld [tilespmem:s24+$0xFFFFFE40]  }
0x1d9: {  	v11 =	vmax.f32 v12, v11;
	v12 =	vld [tilespmem:s24+$0xFFFFFE50]  }
0x1da: {  	v11 =	vmax.f32 v13, v11;
	v13 =	vld [tilespmem:s24+$0xFFFFFE60]  }
0x1db: {  	v11 =	vmax.f32 v14, v11;
	v14 =	vld [tilespmem:s24+$0xFFFFFE70];
	v15 =	vmax.f32 v15, v16  }
0x1dc: {  	v10 =	vmax.f32 v10, v11;
	v11 =	vld [tilespmem:s24+$0xFFFFFE80]  }
0x1dd: {  	[tilespmem:s22+$0xFFFFFFE0] =	vst v10;
	v16 =	vld [tilespmem:s24+$0xFFFFFE90];
	v10 =	vmax.f32 v17, v18  }
0x1de: {  	v17 =	vld [tilespmem:s24+$0xFFFFFEA0];
	v15 =	vmax.f32 v15, v10  }
0x1df: {  	v18 =	vld [tilespmem:s24+$0xFFFFFEB0];
	v13 =	vmax.f32 v12, v13  }
0x1e0: {  	v19 =	vld [tilespmem:s24+$0xFFFFFEC0]  }
.Ltmp4:
0x1e1: {  	v10 =	vld [tilespmem:s24+$0xFFFFFED0];
	v11 =	vmax.f32 v14, v11;
	(pc) =	sbr.rel @p0 .LBB2_11-.Ltmp4, $4  }
0x1e2: {  	v12 =	vld [tilespmem:s24+$0xFFFFFEE0];
	v11 =	vmax.f32 v13, v11  }
0x1e3: {  	v13 =	vld [tilespmem:s24+$0xFFFFFEF0];
	v16 =	vmax.f32 v16, v17;
	v11 =	vmax.f32 v15, v11  }
0x1e4: {  	v14 =	vld [tilespmem:s24+$0xFFFFFF00]  }
0x1e5: {  	v15 =	vld [tilespmem:s24+$0xFFFFFC10];
	v17 =	vmax.f32 v18, v19;
	s24 =	sadd.s32 $0x400, s24  }
0x1e6: {  	_ =	sdelay $0x2  }
0x1e7: {  	v10 =	vmax.f32 v10, v12;
	v62 =	vmax.f32 v13, v14  }
0x1e8: {  	v63 =	vmax.f32 v16, v17;
	v6 =	vmax.f32 v15, v6;
	v10 =	vmax.f32 v10, v62  }
0x1e9: {  	v6 =	vmax.f32 v6, v7;
	v7 =	vmax.f32 v63, v10  }
0x1ea: {  	v6 =	vmax.f32 v6, v8;
	v7 =	vmax.f32 v11, v7  }
0x1eb: {  	v6 =	vmax.f32 v6, v9;
	[tilespmem:s22+$0xFFFFFFF0] =	vst v7  }
0x1ec: {  	[tilespmem:s22+$0xFFFFFFD0] =	vst v6  }
.LBB2_13:
0x1ed: {  	s22 =	sshra.s32 s25, $0x2  }
0x1ee: {  	v6 =	vld [tilespmem:s22+$0x12400]  }
0x1ef: {  	v7 =	vld [tilespmem:s22+$0x12410]  }
0x1f0: {  	v8 =	vld [tilespmem:s22+$0x12420]  }
0x1f1: {  	v9 =	vld [tilespmem:s22+$0x12430]  }
0x1f2: {  	v10 =	vld [tilespmem:s22+$0x12440]  }
0x1f3: {  	v11 =	vld [tilespmem:s22+$0x12450]  }
0x1f4: {  	v12 =	vld [tilespmem:s22+$0x12460]  }
0x1f5: {  	v13 =	vld [tilespmem:s22+$0x12470]  }
0x1f6: {  	v14 =	vld [tilespmem:s22+$0x12480]  }
0x1f7: {  	v15 =	vld [tilespmem:s22+$0x12490]  }
0x1f8: {  	v16 =	vld [tilespmem:s22+$0x124A0]  }
0x1f9: {  	v17 =	vld [tilespmem:s22+$0x124B0]  }
0x1fa: {  	v18 =	vld [tilespmem:s22+$0x124C0]  }
0x1fb: {  	v19 =	vld [tilespmem:s22+$0x124D0]  }
0x1fc: {  	v20 =	vld [tilespmem:s22+$0x124E0]  }
0x1fd: {  	v21 =	vld [tilespmem:s22+$0x124F0];
	_ =	sdelay $0x2  }
0x1fe: {  	v6 =	vmax.f32 v6, v7;
	v7 =	vmax.f32 v8, v9;
	v56 =	vmax.f32 v10, v11  }
0x1ff: {  	p0 =	sne.s32 s25, $0x400;
	v57 =	vmax.f32 v12, v13;
	v58 =	vmax.f32 v14, v15;
	v59 =	vmax.f32 v16, v17  }
.Ltmp5:
0x200: {  	v60 =	vmax.f32 v18, v19;
	v61 =	vmax.f32 v20, v21;
	v6 =	vmax.f32 v6, v7;
	(pc) =	sbr.rel @p0 .LBB2_13-.Ltmp5, $4  }
0x201: {  	v7 =	vmax.f32 v56, v57;
	v62 =	vmax.f32 v58, v59;
	v63 =	vmax.f32 v60, v61  }
0x202: {  	v6 =	vmax.f32 v6, v7;
	v7 =	vmax.f32 v62, v63  }
0x203: {  	v6 =	vmax.f32 v6, v7  }
0x204: {  	s25 =	sadd.s32 $0x400, s25;
	[tilespmem:s21+$0x0] =	vst v6;
	s21 =	sadd.s32 $0x10, s21  }
0x205: {  	_ =	swait.ge [sflag:s14], $0x60A0  }
0x206: {  	[sflag:s14] =	ssyncset.done $0x0  }
0x207: {  	[sflag:s14] =	ssyncadd.s32 $0xFFFF9F60  }
0x208: {  	[tilespmem:$0x186A0] =	vst v0  }
0x209: {  	[tilespmem:$0x186B0] =	vst v0  }
0x20a: {  	[tilespmem:$0x186C0] =	vst v0  }
0x20b: {  	[tilespmem:$0x186D0] =	vst v0  }
0x20c: {  	[tilespmem:$0x186E0] =	vst v0  }
0x20d: {  	s23 =	simm.s32 $0x129F0;
	[tilespmem:$0x186F0] =	vst v0  }
0x20e: {  	v7 =	vld [tilespmem:s23+$0xFFFFFF10]  }
0x20f: {  	v8 =	vld [tilespmem:s23+$0xFFFFFF20]  }
0x210: {  	v9 =	vld [tilespmem:s23+$0xFFFFFF30]  }
0x211: {  	v10 =	vld [tilespmem:s23+$0xFFFFFF40]  }
0x212: {  	v11 =	vld [tilespmem:s23+$0xFFFFFF50]  }
0x213: {  	v12 =	vld [tilespmem:s23+$0xFFFFFF60]  }
0x214: {  	v13 =	vld [tilespmem:s23+$0xFFFFFF70]  }
0x215: {  	v14 =	vld [tilespmem:s23+$0xFFFFFF80]  }
0x216: {  	v15 =	vld [tilespmem:s23+$0xFFFFFF90]  }
0x217: {  	v16 =	vld [tilespmem:s23+$0xFFFFFFA0]  }
0x218: {  	v17 =	vld [tilespmem:s23+$0xFFFFFFB0]  }
0x219: {  	v18 =	vld [tilespmem:s23+$0xFFFFFFC0]  }
0x21a: {  	v19 =	vld [tilespmem:s23+$0xFFFFFFD0]  }
0x21b: {  	v20 =	vld [tilespmem:s23+$0xFFFFFFE0]  }
0x21c: {  	v21 =	vld [tilespmem:s23+$0xFFFFFFF0]  }
0x21d: {  	v22 =	vld [tilespmem:s23+$0x0]  }
0x21e: {  	v6 =	vld [tilespmem:s23+$0xFFFFFC20]  }
0x21f: {  	v23 =	vld [tilespmem:s23+$0xFFFFFC30]  }
0x220: {  	v24 =	vld [tilespmem:s23+$0xFFFFFC40]  }
0x221: {  	v25 =	vld [tilespmem:s23+$0xFFFFFC50]  }
0x222: {  	v26 =	vld [tilespmem:s23+$0xFFFFFC60]  }
0x223: {  	v27 =	vld [tilespmem:s23+$0xFFFFFC70]  }
0x224: {  	v28 =	vld [tilespmem:s23+$0xFFFFFC80]  }
0x225: {  	v29 =	vld [tilespmem:s23+$0xFFFFFC90]  }
0x226: {  	v30 =	vld [tilespmem:s23+$0xFFFFFCA0]  }
0x227: {  	v31 =	vld [tilespmem:s23+$0xFFFFFCB0]  }
0x228: {  	v32 =	vld [tilespmem:s23+$0xFFFFFCC0]  }
0x229: {  	v33 =	vld [tilespmem:s23+$0xFFFFFCD0]  }
0x22a: {  	v34 =	vld [tilespmem:s23+$0xFFFFFCE0]  }
0x22b: {  	v35 =	vld [tilespmem:s23+$0xFFFFFCF0]  }
0x22c: {  	v36 =	vld [tilespmem:s23+$0xFFFFFD00]  }
0x22d: {  	v37 =	vld [tilespmem:s23+$0xFFFFFD10]  }
0x22e: {  	v38 =	vld [tilespmem:s23+$0xFFFFFD20]  }
0x22f: {  	v39 =	vld [tilespmem:s23+$0xFFFFFD30]  }
0x230: {  	v40 =	vld [tilespmem:s23+$0xFFFFFD40]  }
0x231: {  	v41 =	vld [tilespmem:s23+$0xFFFFFD50]  }
0x232: {  	v42 =	vld [tilespmem:s23+$0xFFFFFD60]  }
0x233: {  	v43 =	vld [tilespmem:s23+$0xFFFFFD70]  }
0x234: {  	v44 =	vld [tilespmem:s23+$0xFFFFFD80]  }
0x235: {  	v45 =	vld [tilespmem:s23+$0xFFFFFD90]  }
0x236: {  	v46 =	vld [tilespmem:s23+$0xFFFFFDA0]  }
0x237: {  	v47 =	vld [tilespmem:s23+$0xFFFFFDB0]  }
0x238: {  	v48 =	vld [tilespmem:s23+$0xFFFFFDC0]  }
0x239: {  	v49 =	vld [tilespmem:s23+$0xFFFFFDD0]  }
0x23a: {  	v50 =	vld [tilespmem:s23+$0xFFFFFDE0]  }
0x23b: {  	v51 =	vld [tilespmem:s23+$0xFFFFFDF0]  }
0x23c: {  	v52 =	vld [tilespmem:s23+$0xFFFFFE00]  }
0x23d: {  	v54 =	vld [tilespmem:s23+$0xFFFFFE90];
	v7 =	vmax.f32 v7, v8;
	v8 =	vmax.f32 v9, v10  }
0x23e: {  	v55 =	vld [tilespmem:s23+$0xFFFFFEA0];
	v9 =	vmax.f32 v11, v12;
	v10 =	vmax.f32 v13, v14;
	v12 =	vmax.f32 v15, v16  }
0x23f: {  	v11 =	vld [tilespmem:s23+$0xFFFFFE10];
	v13 =	vmax.f32 v17, v18;
	v15 =	vmax.f32 v19, v20;
	v16 =	vmax.f32 v21, v22  }
0x240: {  	v14 =	vld [tilespmem:s23+$0xFFFFFE20];
	v35 =	vmax.f32 v35, v36;
	v38 =	vmax.f32 v37, v38;
	v53 =	vmax.f32 v39, v40  }
0x241: {  	v17 =	vld [tilespmem:s23+$0xFFFFFE30];
	v56 =	vmax.f32 v43, v44;
	v57 =	vmax.f32 v45, v46;
	v59 =	vmax.f32 v47, v48  }
0x242: {  	v18 =	vld [tilespmem:s23+$0xFFFFFE60];
	v60 =	vmax.f32 v49, v50;
	v61 =	vmax.f32 v51, v52;
	v7 =	vmax.f32 v7, v8  }
0x243: {  	v19 =	vld [tilespmem:s23+$0xFFFFFE70];
	v8 =	vmax.f32 v9, v10;
	v9 =	vmax.f32 v12, v13;
	v10 =	vmax.f32 v15, v16  }
0x244: {  	v36 =	vld [tilespmem:s23+$0xFFFFFE80];
	v12 =	vmax.f32 v31, v32;
	v63 =	vmax.f32 v60, v61;
	v8 =	vmax.f32 v7, v8  }
0x245: {  	v13 =	vld [tilespmem:s23+$0xFFFFFE40];
	v9 =	vmax.f32 v9, v10;
	v7 =	vmax.f32 v23, v24;
	v10 =	vmax.f32 v29, v30  }
0x246: {  	v15 =	vld [tilespmem:s23+$0xFFFFFE50];
	v16 =	vmax.f32 v8, v9;
	v10 =	vmax.f32 v10, v12;
	v12 =	vmax.f32 v33, v34  }
0x247: {  	v58 =	vld [tilespmem:s23+$0xFFFFFEB0];
	v8 =	vmax.f32 v25, v26;
	v9 =	vmax.f32 v27, v28;
	v12 =	vmax.f32 v12, v35  }
0x248: {  	v62 =	vld [tilespmem:s23+$0xFFFFFEC0];
	v8 =	vmax.f32 v8, v9;
	v9 =	vmax.f32 v10, v12;
	v10 =	vmax.f32 v41, v42  }
0x249: {  	v24 =	vmax.f32 v57, v59;
	v12 =	vmax.f32 v38, v53;
	v22 =	vmax.f32 v10, v56;
	v10 =	vld [tilespmem:s23+$0xFFFFFED0]  }
0x24a: {  	v24 =	vmax.f32 v24, v63;
	v11 =	vmax.f32 v11, v14;
	v22 =	vmax.f32 v12, v22;
	v12 =	vld [tilespmem:s23+$0xFFFFFEE0]  }
0x24b: {  	s21 =	simm.s32 $0x19990;
	v14 =	vmax.f32 v17, v13;
	v15 =	vmax.f32 v15, v18;
	v17 =	vmax.f32 v19, v36;
	v13 =	vld [tilespmem:s23+$0xFFFFFEF0]  }
0x24c: {  	[tilespmem:s21+$0x0] =	vst v16;
	v11 =	vmax.f32 v11, v14;
	v15 =	vmax.f32 v15, v17;
	v14 =	vld [tilespmem:s23+$0xFFFFFF00];
	v16 =	vmax.f32 v22, v24  }
0x24d: {  	s22 =	simm.s32 $0x126;
	v17 =	vmax.f32 v58, v62;
	v11 =	vmax.f32 v11, v15;
	v15 =	vld [tilespmem:s23+$0xFFFFFC10];
	s23 =	simm.s32 $0x12DF0;
	[tilespmem:s21+$0xFFFFFFE0] =	vst v16;
	v16 =	vmax.f32 v54, v55  }
.LBB2_15:
0x24e: {  	v18 =	vld [tilespmem:s23+$0xFFFFFF10];
	v16 =	vmax.f32 v16, v17  }
0x24f: {  	v17 =	vld [tilespmem:s23+$0xFFFFFF20];
	v10 =	vmax.f32 v10, v12  }
0x250: {  	v12 =	vld [tilespmem:s23+$0xFFFFFF30]  }
0x251: {  	v19 =	vld [tilespmem:s23+$0xFFFFFF40];
	v13 =	vmax.f32 v13, v14  }
0x252: {  	v14 =	vld [tilespmem:s23+$0xFFFFFF50];
	v6 =	vmax.f32 v15, v6;
	v10 =	vmax.f32 v10, v13  }
0x253: {  	v13 =	vld [tilespmem:s23+$0xFFFFFF60];
	v6 =	vmax.f32 v6, v7;
	v7 =	vmax.f32 v16, v10  }
0x254: {  	v10 =	vld [tilespmem:s23+$0xFFFFFF70];
	v6 =	vmax.f32 v6, v8;
	v7 =	vmax.f32 v11, v7  }
0x255: {  	v8 =	vld [tilespmem:s23+$0xFFFFFF80];
	v6 =	vmax.f32 v6, v9;
	[tilespmem:s21+$0xFFFFFFF0] =	vst v7  }
0x256: {  	v7 =	vld [tilespmem:s23+$0xFFFFFF90];
	[tilespmem:s21+$0xFFFFFFD0] =	vst v6  }
0x257: {  	v9 =	vld [tilespmem:s23+$0xFFFFFFA0]  }
0x258: {  	v11 =	vld [tilespmem:s23+$0xFFFFFFB0]  }
0x259: {  	v15 =	vld [tilespmem:s23+$0xFFFFFFC0]  }
0x25a: {  	v16 =	vld [tilespmem:s23+$0xFFFFFFD0]  }
0x25b: {  	v20 =	vld [tilespmem:s23+$0xFFFFFFE0]  }
0x25c: {  	v21 =	vld [tilespmem:s23+$0xFFFFFFF0]  }
0x25d: {  	s22 =	sadd.s32 $0x4, s22;
	v22 =	vld [tilespmem:s23+$0x0]  }
0x25e: {  	p0 =	slt.u32 s22, $0x182;
	v6 =	vld [tilespmem:s23+$0xFFFFFC20]  }
0x25f: {  	v23 =	vld [tilespmem:s23+$0xFFFFFC30]  }
0x260: {  	v17 =	vmax.f32 v18, v17;
	v12 =	vmax.f32 v12, v19;
	v13 =	vmax.f32 v14, v13;
	v24 =	vld [tilespmem:s23+$0xFFFFFC40]  }
0x261: {  	v8 =	vmax.f32 v10, v8;
	v7 =	vmax.f32 v7, v9;
	v9 =	vmax.f32 v11, v15;
	v14 =	vld [tilespmem:s23+$0xFFFFFC50]  }
0x262: {  	v12 =	vmax.f32 v17, v12;
	v11 =	vmax.f32 v16, v20;
	v10 =	vld [tilespmem:s23+$0xFFFFFC60];
	v15 =	vmax.f32 v21, v22  }
0x263: {  	v8 =	vmax.f32 v13, v8;
	v7 =	vmax.f32 v7, v9;
	v16 =	vld [tilespmem:s23+$0xFFFFFC70];
	v9 =	vmax.f32 v11, v15  }
0x264: {  	v8 =	vmax.f32 v12, v8;
	v11 =	vld [tilespmem:s23+$0xFFFFFC80];
	v9 =	vmax.f32 v7, v9  }
0x265: {  	s21 =	sadd.s32 $0x40, s21;
	v12 =	vld [tilespmem:s23+$0xFFFFFC90];
	v7 =	vmax.f32 v23, v24;
	v8 =	vmax.f32 v8, v9  }
0x266: {  	v9 =	vld [tilespmem:s23+$0xFFFFFCA0];
	[tilespmem:s21+$0x0] =	vst v8  }
0x267: {  	v13 =	vld [tilespmem:s23+$0xFFFFFCB0];
	v8 =	vmax.f32 v14, v10  }
0x268: {  	v10 =	vld [tilespmem:s23+$0xFFFFFCC0]  }
0x269: {  	v14 =	vld [tilespmem:s23+$0xFFFFFCD0];
	v11 =	vmax.f32 v16, v11  }
0x26a: {  	v15 =	vld [tilespmem:s23+$0xFFFFFCE0];
	v8 =	vmax.f32 v8, v11  }
0x26b: {  	v11 =	vld [tilespmem:s23+$0xFFFFFCF0];
	v9 =	vmax.f32 v12, v9  }
0x26c: {  	v12 =	vld [tilespmem:s23+$0xFFFFFD00]  }
0x26d: {  	v10 =	vmax.f32 v13, v10;
	v13 =	vld [tilespmem:s23+$0xFFFFFD10]  }
0x26e: {  	v9 =	vmax.f32 v9, v10;
	v10 =	vld [tilespmem:s23+$0xFFFFFD20]  }
0x26f: {  	v14 =	vmax.f32 v14, v15;
	v15 =	vld [tilespmem:s23+$0xFFFFFD30]  }
0x270: {  	v16 =	vld [tilespmem:s23+$0xFFFFFD40]  }
0x271: {  	v11 =	vmax.f32 v11, v12;
	v12 =	vld [tilespmem:s23+$0xFFFFFD50]  }
0x272: {  	v11 =	vmax.f32 v14, v11;
	v14 =	vld [tilespmem:s23+$0xFFFFFD60]  }
0x273: {  	v9 =	vmax.f32 v9, v11;
	v11 =	vld [tilespmem:s23+$0xFFFFFD70];
	v10 =	vmax.f32 v13, v10  }
0x274: {  	v13 =	vld [tilespmem:s23+$0xFFFFFD80]  }
0x275: {  	v17 =	vld [tilespmem:s23+$0xFFFFFD90];
	v15 =	vmax.f32 v15, v16  }
0x276: {  	v16 =	vld [tilespmem:s23+$0xFFFFFDA0];
	v10 =	vmax.f32 v10, v15  }
0x277: {  	v15 =	vld [tilespmem:s23+$0xFFFFFDB0];
	v12 =	vmax.f32 v12, v14  }
0x278: {  	v14 =	vld [tilespmem:s23+$0xFFFFFDC0]  }
0x279: {  	v18 =	vld [tilespmem:s23+$0xFFFFFDD0];
	v11 =	vmax.f32 v11, v13  }
0x27a: {  	v13 =	vld [tilespmem:s23+$0xFFFFFDE0];
	v11 =	vmax.f32 v12, v11  }
0x27b: {  	v12 =	vld [tilespmem:s23+$0xFFFFFDF0];
	v16 =	vmax.f32 v17, v16;
	v10 =	vmax.f32 v10, v11  }
0x27c: {  	v11 =	vld [tilespmem:s23+$0xFFFFFE00]  }
0x27d: {  	v14 =	vmax.f32 v15, v14;
	v15 =	vld [tilespmem:s23+$0xFFFFFE10]  }
0x27e: {  	v14 =	vmax.f32 v16, v14;
	v16 =	vld [tilespmem:s23+$0xFFFFFE20]  }
0x27f: {  	v13 =	vmax.f32 v18, v13;
	v17 =	vld [tilespmem:s23+$0xFFFFFE30]  }
0x280: {  	v18 =	vld [tilespmem:s23+$0xFFFFFE40]  }
0x281: {  	v11 =	vmax.f32 v12, v11;
	v12 =	vld [tilespmem:s23+$0xFFFFFE50]  }
0x282: {  	v11 =	vmax.f32 v13, v11;
	v13 =	vld [tilespmem:s23+$0xFFFFFE60]  }
0x283: {  	v11 =	vmax.f32 v14, v11;
	v14 =	vld [tilespmem:s23+$0xFFFFFE70];
	v15 =	vmax.f32 v15, v16  }
0x284: {  	v10 =	vmax.f32 v10, v11;
	v11 =	vld [tilespmem:s23+$0xFFFFFE80]  }
0x285: {  	[tilespmem:s21+$0xFFFFFFE0] =	vst v10;
	v16 =	vld [tilespmem:s23+$0xFFFFFE90];
	v10 =	vmax.f32 v17, v18  }
0x286: {  	v17 =	vld [tilespmem:s23+$0xFFFFFEA0];
	v15 =	vmax.f32 v15, v10  }
0x287: {  	v18 =	vld [tilespmem:s23+$0xFFFFFEB0];
	v13 =	vmax.f32 v12, v13  }
0x288: {  	v19 =	vld [tilespmem:s23+$0xFFFFFEC0]  }
.Ltmp6:
0x289: {  	v10 =	vld [tilespmem:s23+$0xFFFFFED0];
	v11 =	vmax.f32 v14, v11;
	(pc) =	sbr.rel @p0 .LBB2_15-.Ltmp6, $4  }
0x28a: {  	v12 =	vld [tilespmem:s23+$0xFFFFFEE0];
	v11 =	vmax.f32 v13, v11  }
0x28b: {  	v13 =	vld [tilespmem:s23+$0xFFFFFEF0];
	v16 =	vmax.f32 v16, v17;
	v11 =	vmax.f32 v15, v11  }
0x28c: {  	v14 =	vld [tilespmem:s23+$0xFFFFFF00]  }
0x28d: {  	v15 =	vld [tilespmem:s23+$0xFFFFFC10];
	v17 =	vmax.f32 v18, v19;
	s23 =	sadd.s32 $0x400, s23  }
0x28e: {  	_ =	sdelay $0x2  }
0x28f: {  	v10 =	vmax.f32 v10, v12;
	v12 =	vmax.f32 v13, v14  }
0x290: {  	v13 =	vmax.f32 v16, v17;
	v6 =	vmax.f32 v15, v6;
	v10 =	vmax.f32 v10, v12  }
0x291: {  	v6 =	vmax.f32 v6, v7;
	v7 =	vmax.f32 v13, v10  }
0x292: {  	v6 =	vmax.f32 v6, v8;
	v7 =	vmax.f32 v11, v7  }
0x293: {  	v6 =	vmax.f32 v6, v9;
	[tilespmem:s21+$0xFFFFFFF0] =	vst v7  }
0x294: {  	[tilespmem:s21+$0xFFFFFFD0] =	vst v6  }
0x295: {  	v6 =	vld [tilespmem:$0x18600]  }
0x296: {  	v7 =	vld [tilespmem:$0x18610]  }
0x297: {  	v8 =	vld [tilespmem:$0x18620]  }
0x298: {  	v9 =	vld [tilespmem:$0x18630]  }
0x299: {  	v10 =	vld [tilespmem:$0x18640]  }
0x29a: {  	v11 =	vld [tilespmem:$0x18650]  }
0x29b: {  	v12 =	vld [tilespmem:$0x18660]  }
0x29c: {  	v13 =	vld [tilespmem:$0x18670]  }
0x29d: {  	v14 =	vld [tilespmem:$0x18680]  }
0x29e: {  	v15 =	vld [tilespmem:$0x18690]  }
0x29f: {  	v16 =	vld [tilespmem:$0x186A0]  }
0x2a0: {  	v17 =	vld [tilespmem:$0x186B0]  }
0x2a1: {  	v18 =	vld [tilespmem:$0x186C0]  }
0x2a2: {  	v19 =	vld [tilespmem:$0x186D0]  }
0x2a3: {  	v20 =	vld [tilespmem:$0x186E0]  }
0x2a4: {  	v21 =	vld [tilespmem:$0x186F0];
	_ =	sdelay $0x2  }
0x2a5: {  	v6 =	vmax.f32 v6, v7;
	v7 =	vmax.f32 v8, v9;
	v8 =	vmax.f32 v10, v11  }
0x2a6: {  	v9 =	vmax.f32 v12, v13;
	v10 =	vmax.f32 v14, v15;
	v11 =	vmax.f32 v16, v17  }
0x2a7: {  	v12 =	vmax.f32 v18, v19;
	v13 =	vmax.f32 v20, v21;
	v6 =	vmax.f32 v6, v7  }
0x2a8: {  	v7 =	vmax.f32 v8, v9;
	v8 =	vmax.f32 v10, v11;
	v9 =	vmax.f32 v12, v13  }
0x2a9: {  	v6 =	vmax.f32 v6, v7;
	v7 =	vmax.f32 v8, v9  }
0x2aa: {  	v6 =	vmax.f32 v6, v7  }
0x2ab: {  	s21 =	simm.s32 $0x18780;
	[tilespmem:$0x19F60] =	vst v6  }
0x2ac: {  	v6 =	vld [tilespmem:s21+$0xFFFFFF90]  }
0x2ad: {  	v7 =	vld [tilespmem:s21+$0xFFFFFF80]  }
0x2ae: {  	v8 =	vld [tilespmem:s21+$0xFFFFFFA0]  }
0x2af: {  	v10 =	vld [tilespmem:s21+$0xFFFFFFB0]  }
0x2b0: {  	v9 =	vld [tilespmem:s21+$0xFFFFFFC0]  }
0x2b1: {  	v11 =	vld [tilespmem:s21+$0xFFFFFFD0]  }
0x2b2: {  	v12 =	vld [tilespmem:s21+$0xFFFFFFE0]  }
0x2b3: {  	v13 =	vld [tilespmem:s21+$0xFFFFFFF0]  }
0x2b4: {  	v14 =	vld [tilespmem:s21+$0x0]  }
0x2b5: {  	v15 =	vld [tilespmem:s21+$0x10]  }
0x2b6: {  	v16 =	vld [tilespmem:s21+$0x20]  }
0x2b7: {  	v17 =	vld [tilespmem:s21+$0x30]  }
0x2b8: {  	v18 =	vld [tilespmem:s21+$0x40]  }
0x2b9: {  	v19 =	vld [tilespmem:s21+$0x50]  }
0x2ba: {  	v20 =	vld [tilespmem:s21+$0x60]  }
0x2bb: {  	s22 =	simm.s32 $0x0;
	s23 =	simm.s32 $0x40;
	v21 =	vld [tilespmem:s21+$0x70]  }
.LBB2_17:
0x2bc: {  	p0 =	sne.s32 s23, $0x600  }
0x2bd: {  	v6 =	vmax.f32 v7, v6;
	v7 =	vmax.f32 v8, v10  }
0x2be: {  	v6 =	vmax.f32 v6, v7  }
0x2bf: {  	v8 =	vmax.f32 v12, v13;
	v7 =	vmax.f32 v9, v11;
	v9 =	vmax.f32 v14, v15  }
0x2c0: {  	v10 =	vmax.f32 v16, v17;
	v11 =	vmax.f32 v18, v19;
	v12 =	vmax.f32 v20, v21  }
0x2c1: {  	v7 =	vmax.f32 v7, v8;
	v8 =	vmax.f32 v9, v10;
	v9 =	vmax.f32 v11, v12  }
0x2c2: {  	v6 =	vmax.f32 v6, v7;
	v7 =	vmax.f32 v8, v9  }
0x2c3: {  	s24 =	sshra.s32 s22, $0x2;
	s22 =	smov.u32 s23;
	v6 =	vmax.f32 v6, v7  }
0x2c4: {  	s21 =	sadd.s32 $0x100, s21;
	[tilespmem:s24+$0x1A000] =	vst v6  }
0x2c5: {  	v6 =	vld [tilespmem:s21+$0xFFFFFF90]  }
0x2c6: {  	v7 =	vld [tilespmem:s21+$0xFFFFFF80]  }
0x2c7: {  	v8 =	vld [tilespmem:s21+$0xFFFFFFA0]  }
0x2c8: {  	v10 =	vld [tilespmem:s21+$0xFFFFFFB0]  }
0x2c9: {  	v9 =	vld [tilespmem:s21+$0xFFFFFFC0]  }
0x2ca: {  	v11 =	vld [tilespmem:s21+$0xFFFFFFD0]  }
0x2cb: {  	v12 =	vld [tilespmem:s21+$0xFFFFFFE0]  }
0x2cc: {  	v13 =	vld [tilespmem:s21+$0xFFFFFFF0]  }
0x2cd: {  	v14 =	vld [tilespmem:s21+$0x0]  }
0x2ce: {  	v15 =	vld [tilespmem:s21+$0x10]  }
0x2cf: {  	v16 =	vld [tilespmem:s21+$0x20]  }
.Ltmp7:
0x2d0: {  	v17 =	vld [tilespmem:s21+$0x30];
	(pc) =	sbr.rel @p0 .LBB2_17-.Ltmp7, $4  }
0x2d1: {  	v18 =	vld [tilespmem:s21+$0x40]  }
0x2d2: {  	v19 =	vld [tilespmem:s21+$0x50]  }
0x2d3: {  	v20 =	vld [tilespmem:s21+$0x60]  }
0x2d4: {  	s23 =	sadd.s32 $0x40, s23;
	v21 =	vld [tilespmem:s21+$0x70]  }
0x2d5: {  	_ =	sdelay $0x1  }
0x2d6: {  	v6 =	vmax.f32 v7, v6;
	v7 =	vmax.f32 v8, v10;
	v57 =	vmax.f32 v12, v13  }
0x2d7: {  	v58 =	vmax.f32 v14, v15;
	v59 =	vmax.f32 v16, v17;
	v6 =	vmax.f32 v6, v7  }
0x2d8: {  	v7 =	vmax.f32 v9, v11;
	v60 =	vmax.f32 v18, v19;
	v61 =	vmax.f32 v20, v21  }
0x2d9: {  	v62 =	vmax.f32 v58, v59;
	v7 =	vmax.f32 v7, v57;
	v63 =	vmax.f32 v60, v61  }
0x2da: {  	v6 =	vmax.f32 v6, v7;
	v7 =	vmax.f32 v62, v63  }
0x2db: {  	s21 =	sshra.s32 s22, $0x2;
	v6 =	vmax.f32 v6, v7  }
0x2dc: {  	[tilespmem:s21+$0x1A000] =	vst v6  }
0x2dd: {  	[tilespmem:$0x1A200] =	vst v0  }
0x2de: {  	[tilespmem:$0x1A280] =	vst v1  }
0x2df: {  	[tilespmem:$0x1A210] =	vst v0  }
0x2e0: {  	[tilespmem:$0x1A290] =	vst v1  }
0x2e1: {  	[tilespmem:$0x1A220] =	vst v0  }
0x2e2: {  	[tilespmem:$0x1A2A0] =	vst v1  }
0x2e3: {  	[tilespmem:$0x1A230] =	vst v0  }
0x2e4: {  	s21 =	simm.s32 $0x0;
	[tilespmem:$0x1A2B0] =	vst v1  }
.LBB2_19:
0x2e5: {  	v7 =	vld [tilespmem:$0x1A000]  }
0x2e6: {  	v8 =	vld [tilespmem:$0x1A010]  }
0x2e7: {  	v9 =	vld [tilespmem:$0x1A020]  }
0x2e8: {  	v10 =	vld [tilespmem:$0x1A030]  }
0x2e9: {  	v11 =	vld [tilespmem:$0x1A040]  }
0x2ea: {  	v12 =	vld [tilespmem:$0x1A050]  }
0x2eb: {  	v13 =	vld [tilespmem:$0x1A060]  }
0x2ec: {  	v14 =	vld [tilespmem:$0x1A070]  }
0x2ed: {  	v15 =	vld [tilespmem:$0x1A080]  }
0x2ee: {  	v16 =	vld [tilespmem:$0x1A090]  }
0x2ef: {  	v17 =	vld [tilespmem:$0x1A0A0]  }
0x2f0: {  	v18 =	vld [tilespmem:$0x1A0B0]  }
0x2f1: {  	v19 =	vld [tilespmem:$0x1A0C0]  }
0x2f2: {  	v20 =	vld [tilespmem:$0x1A0D0]  }
0x2f3: {  	v21 =	vld [tilespmem:$0x1A0E0]  }
0x2f4: {  	v22 =	vld [tilespmem:$0x1A0F0]  }
0x2f5: {  	v23 =	vld [tilespmem:$0x1A100]  }
0x2f6: {  	v24 =	vld [tilespmem:$0x1A110]  }
0x2f7: {  	v25 =	vld [tilespmem:$0x1A120]  }
0x2f8: {  	v26 =	vld [tilespmem:$0x1A130]  }
0x2f9: {  	v27 =	vld [tilespmem:$0x1A140]  }
0x2fa: {  	v28 =	vld [tilespmem:$0x1A150]  }
0x2fb: {  	v29 =	vld [tilespmem:$0x1A160]  }
0x2fc: {  	v30 =	vld [tilespmem:$0x1A170];
	_ =	sdelay $0x1  }
0x2fd: {  	v6 =	vmax.f32 v7, v8;
	v31 =	vmax.f32 v9, v10;
	v32 =	vmax.f32 v11, v12  }
0x2fe: {  	v33 =	vmax.f32 v13, v14;
	v34 =	vmax.f32 v15, v16;
	v35 =	vmax.f32 v17, v18  }
0x2ff: {  	v36 =	vld [tilespmem:$0x1A180];
	v37 =	vmax.f32 v19, v20;
	v38 =	vmax.f32 v21, v22;
	v39 =	vmax.f32 v23, v24  }
0x300: {  	v40 =	vmax.f32 v25, v26;
	v41 =	vmax.f32 v27, v28;
	v42 =	vmax.f32 v29, v30  }
0x301: {  	v6 =	vmax.f32 v6, v31;
	v62 =	vmax.f32 v32, v33;
	v63 =	vmax.f32 v34, v35  }
0x302: {  	v38 =	vmax.f32 v37, v38;
	v39 =	vmax.f32 v39, v40;
	v40 =	vmax.f32 v41, v42  }
0x303: {  	v6 =	vmax.f32 v6, v62;
	v41 =	vmax.f32 v63, v38;
	v42 =	vmax.f32 v39, v40  }
0x304: {  	v6 =	vmax.f32 v6, v41;
	v43 =	vmax.f32 v42, v36  }
0x305: {  	v6 =	vmax.f32 v6, v43  }
0x306: {  	(xrf0) =	vmax.scan.msk.f32 $0xffff, v6;
	_ =	sdelay $0x5  }
0x307: {  	v6, _, _ =	vpop (xrf0)  }
0x308: {  	v6 =	vbroadcast v6, $0xF;
	_ =	sdelay $0x1  }
0x309: {  	vm0 =	veq.f32 v9, v6;
	vm1 =	veq.f32 v8, v6  }
0x30a: {  	vm4 =	veq.f32 v10, v6;
	vm5 =	veq.f32 v11, v6;
	vm6 =	veq.f32 v12, v6  }
0x30b: {  	vm2 =	veq.f32 v13, v6;
	vm7 =	veq.f32 v14, v6;
	vm8 =	veq.f32 v15, v6  }
0x30c: {  	vm9 =	veq.f32 v16, v6;
	v44 =	vmctz.xlane vm0;
	v45 =	vmctz.xlane vm1  }
0x30d: {  	vm10 =	veq.f32 v17, v6;
	v46 =	vmctz.xlane vm4;
	v47 =	vmctz.xlane vm5  }
0x30e: {  	vm11 =	veq.f32 v18, v6;
	v48 =	vmctz.xlane vm6;
	v49 =	vmctz.xlane vm2  }
0x30f: {  	vm12 =	veq.f32 v22, v6;
	v50 =	vmctz.xlane vm7;
	v51 =	vmctz.xlane vm8  }
0x310: {  	vm13 =	veq.f32 v19, v6;
	v52 =	vmctz.xlane vm9;
	v53 =	vmctz.xlane vm10  }
0x311: {  	vm14 =	veq.f32 v20, v6;
	v54 =	vmctz.xlane vm11;
	v55 =	vmctz.xlane vm12  }
0x312: {  	vm15 =	veq.f32 v21, v6;
	v19 =	vmctz.xlane vm13;
	v20 =	vmctz.xlane vm14  }
0x313: {  	v21 =	vmctz.xlane vm15;
	vm5 =	veq.f32 v23, v6;
	vm6 =	veq.f32 v24, v6  }
0x314: {  	vm7 =	veq.f32 v25, v6;
	vm8 =	veq.f32 v26, v6;
	vm9 =	veq.f32 v27, v6  }
0x315: {  	vm10 =	veq.f32 v28, v6;
	v56 =	vmctz.xlane vm5;
	v57 =	vmctz.xlane vm6  }
0x316: {  	vm12 =	veq.f32 v29, v6;
	v58 =	vmctz.xlane vm7;
	v59 =	vmctz.xlane vm8  }
0x317: {  	vm15 =	veq.f32 v36, v6;
	v60 =	vmctz.xlane vm9;
	v61 =	vmctz.xlane vm10  }
0x318: {  	v62 =	vmctz.xlane vm12;
	v63 =	vmctz.xlane vm15;
	vm6 =	veq.f32 v30, v6  }
0x319: {  	vm0 =	vlt.s32 v44, $0x10;
	vm4 =	vgt.s32 v55, $0xF;
	vm11 =	vlt.s32 v21, $0x10  }
0x31a: {  	vm13 =	vlt.s32 v20, $0x10;
	vm14 =	vlt.s32 v19, $0x10;
	vm5 =	vlt.s32 v53, $0x10  }
0x31b: {  	v30 =	vmctz.xlane vm6;
	vm7 =	vlt.s32 v52, $0x10;
	v18 =	vsel vm4, $0x40000000, v2  }
0x31c: {  	vm8 =	vlt.s32 v51, $0x10;
	vm10 =	vlt.s32 v50, $0x10;
	v18 =	vsel vm11, $0xE, v18  }
0x31d: {  	vm4 =	vlt.s32 v54, $0x10;
	vm9 =	vlt.s32 v63, $0x10;
	v18 =	vsel vm13, $0xD, v18  }
0x31e: {  	vm15 =	vlt.s32 v61, $0x10;
	vm6 =	vlt.s32 v59, $0x10;
	v28 =	vsel vm14, $0xC, v18  }
0x31f: {  	v33 =	vsel vm9, $0x18, v3;
	vm11 =	vlt.s32 v49, $0x10;
	v29 =	vsel vm4, $0xB, v28  }
0x320: {  	vm12 =	vlt.s32 v30, $0x10;
	vm9 =	vlt.s32 v57, $0x10;
	v31 =	vsel vm5, $0xA, v29  }
0x321: {  	vm13 =	vlt.s32 v62, $0x10;
	v36 =	vsel vm12, $0x17, v33;
	v32 =	vsel vm7, $0x9, v31  }
0x322: {  	vm14 =	vlt.s32 v48, $0x10;
	v37 =	vsel vm13, $0x16, v36;
	v34 =	vsel vm8, $0x8, v32  }
0x323: {  	vm4 =	vlt.s32 v60, $0x10;
	v11 =	vsel vm15, $0x15, v37;
	v35 =	vsel vm10, $0x7, v34  }
0x324: {  	vm5 =	vlt.s32 v47, $0x10;
	v38 =	vsel vm4, $0x14, v11;
	v12 =	vsel vm11, $0x6, v35  }
0x325: {  	vm7 =	vlt.s32 v58, $0x10;
	v10 =	vsel vm6, $0x13, v38;
	v12 =	vsel vm14, $0x5, v12  }
0x326: {  	vm8 =	vlt.s32 v46, $0x10;
	v40 =	vsel vm7, $0x12, v10;
	v39 =	vsel vm5, $0x4, v12  }
0x327: {  	vm10 =	vlt.s32 v56, $0x10;
	v8 =	vsel vm9, $0x11, v40;
	v41 =	vsel vm8, $0x3, v39  }
0x328: {  	vm11 =	veq.f32 v7, v6;
	v8 =	vsel vm10, $0x10, v8;
	v7 =	vsel vm0, $0x2, v41  }
0x329: {  	v42 =	vmctz.xlane vm11;
	v7 =	vmin.u32 v7, v8  }
0x32a: {  	vm12 =	vlt.s32 v45, $0x10;
	v7 =	vxor.u32 $0x80000000, v7  }
0x32b: {  	vm13 =	vlt.s32 v42, $0x10;
	v7 =	vsel vm12, $0x80000001, v7  }
0x32c: {  	v7 =	vsel vm13, $0x80000000, v7  }
0x32d: {  	(xrf0) =	vmin.scan.msk.u32 $0xffff, v7;
	_ =	sdelay $0x5  }
0x32e: {  	v7, _, _ =	vpop (xrf0)  }
0x32f: {  	(v2sf) =	vpush v7, $0xF;
	_ =	sdelay $0xe  }
0x330: {  	s23 =	spop (v2sf)  }
0x331: {  	s22 =	sshll.u32 s23, $0xA  }
0x332: {  	s22 =	sshra.s32 s22, $0x2  }
0x333: {  	v7 =	vld [tilespmem:s22+$0x18700]  }
0x334: {  	v43 =	vld [tilespmem:s22+$0x18720]  }
0x335: {  	v44 =	vld [tilespmem:s22+$0x18740]  }
0x336: {  	v45 =	vld [tilespmem:s22+$0x18760]  }
0x337: {  	v46 =	vld [tilespmem:s22+$0x18780]  }
0x338: {  	v47 =	vld [tilespmem:s22+$0x187A0]  }
0x339: {  	v49 =	vld [tilespmem:s22+$0x187F0]  }
0x33a: {  	v50 =	vld [tilespmem:s22+$0x187E0]  }
0x33b: {  	v48 =	vld [tilespmem:s22+$0x187C0]  }
0x33c: {  	v51 =	vld [tilespmem:s22+$0x187B0]  }
0x33d: {  	vm0 =	veq.f32 v7, v6;
	vm14 =	veq.f32 v43, v6;
	v7 =	vld [tilespmem:s22+$0x187D0]  }
0x33e: {  	vm15 =	veq.f32 v44, v6;
	vm4 =	veq.f32 v45, v6;
	vm5 =	veq.f32 v46, v6  }
0x33f: {  	vm6 =	veq.f32 v47, v6;
	vm7 =	veq.f32 v49, v6;
	vm8 =	veq.f32 v50, v6  }
0x340: {  	vm9 =	veq.f32 v48, v6;
	v8 =	vmctz.xlane vm14;
	v9 =	vmctz.xlane vm15  }
0x341: {  	v53 =	vld [tilespmem:s22+$0x18790];
	vm12 =	veq.f32 v51, v6;
	v10 =	vmctz.xlane vm4;
	v55 =	vmctz.xlane vm7  }
0x342: {  	v52 =	vmctz.xlane vm5;
	v56 =	vmctz.xlane vm8;
	vm10 =	veq.f32 v7, v6  }
0x343: {  	v54 =	vmctz.xlane vm6;
	vm11 =	vgt.s32 v55, $0xF;
	v7 =	vld [tilespmem:s22+$0x18770];
	v58 =	vmctz.xlane vm10  }
0x344: {  	v57 =	vmctz.xlane vm9;
	vm13 =	vlt.s32 v56, $0x10;
	v59 =	vsel vm11, $0xC0000000, v4  }
0x345: {  	v60 =	vld [tilespmem:s22+$0x18750];
	v61 =	vmctz.xlane vm12;
	v11 =	vsel vm13, $0x8000000E, v59;
	vm14 =	vlt.s32 v58, $0x10  }
0x346: {  	vm15 =	veq.f32 v53, v6;
	vm4 =	vlt.s32 v57, $0x10;
	v11 =	vsel vm14, $0x8000000D, v11  }
0x347: {  	v62 =	vld [tilespmem:s22+$0x18730];
	v63 =	vmctz.xlane vm15;
	vm5 =	vlt.s32 v61, $0x10;
	v11 =	vsel vm4, $0x8000000C, v11  }
0x348: {  	vm7 =	vlt.s32 v54, $0x10;
	vm6 =	veq.f32 v7, v6;
	v7 =	vsel vm5, $0x8000000B, v11  }
0x349: {  	v18 =	vld [tilespmem:s22+$0x18710];
	vm8 =	vlt.s32 v63, $0x10;
	v19 =	vmctz.xlane vm6;
	v7 =	vsel vm7, $0x8000000A, v7  }
0x34a: {  	vm9 =	veq.f32 v60, v6;
	vm10 =	vlt.s32 v52, $0x10;
	v7 =	vsel vm8, $0x80000009, v7  }
0x34b: {  	v13 =	vmctz.xlane vm9;
	vm11 =	vlt.s32 v19, $0x10;
	v7 =	vsel vm10, $0x80000008, v7  }
0x34c: {  	vm12 =	veq.f32 v62, v6;
	vm13 =	vlt.s32 v10, $0x10;
	v7 =	vsel vm11, $0x80000007, v7  }
0x34d: {  	v20 =	vmctz.xlane vm12;
	vm14 =	vlt.s32 v13, $0x10;
	v7 =	vsel vm13, $0x80000006, v7  }
0x34e: {  	vm15 =	veq.f32 v18, v6;
	vm4 =	vlt.s32 v9, $0x10;
	v7 =	vsel vm14, $0x80000005, v7  }
0x34f: {  	v21 =	vmctz.xlane vm15;
	vm5 =	vlt.s32 v20, $0x10;
	v7 =	vsel vm4, $0x80000004, v7  }
0x350: {  	v22 =	vmctz.xlane vm0;
	vm6 =	vlt.s32 v8, $0x10;
	v7 =	vsel vm5, $0x80000003, v7  }
0x351: {  	vm7 =	vlt.s32 v21, $0x10;
	v7 =	vsel vm6, $0x80000002, v7  }
0x352: {  	vm8 =	vlt.s32 v22, $0x10;
	v7 =	vsel vm7, $0x80000001, v7  }
0x353: {  	v7 =	vsel vm8, $0x80000000, v7  }
0x354: {  	(xrf0) =	vmin.scan.msk.u32 $0xffff, v7;
	_ =	sdelay $0x5  }
0x355: {  	v7, _, _ =	vpop (xrf0)  }
0x356: {  	(v2sf) =	vpush v7, $0xF;
	_ =	sdelay $0xe  }
0x357: {  	s23 =	sshll.u32 s23, $0x4;
	s24 =	spop (v2sf)  }
0x358: {  	s24 =	sadd.s32 s23, s24  }
0x359: {  	s25 =	sshll.u32 s24, $0x8  }
0x35a: {  	v7 =	vld [tilespmem:s25+$0x0]  }
0x35b: {  	v23 =	vld [tilespmem:s25+$0x10]  }
0x35c: {  	v24 =	vld [tilespmem:s25+$0x20]  }
0x35d: {  	v26 =	vld [tilespmem:s25+$0x40]  }
0x35e: {  	v27 =	vld [tilespmem:s25+$0x50]  }
0x35f: {  	v32 =	vld [tilespmem:s25+$0x70]  }
0x360: {  	v46 =	vld [tilespmem:s25+$0xF0]  }
0x361: {  	vm9 =	veq.f32 v7, v6  }
0x362: {  	vm10 =	veq.f32 v23, v6;
	vm12 =	veq.f32 v24, v6;
	vm15 =	veq.f32 v26, v6  }
0x363: {  	vm7 =	veq.f32 v27, v6;
	v25 =	vmctz.xlane vm9;
	v8 =	vmctz.xlane vm10  }
0x364: {  	v33 =	vld [tilespmem:s25+$0x80];
	v28 =	vmctz.xlane vm12;
	v31 =	vmctz.xlane vm15;
	vm10 =	veq.f32 v32, v6  }
0x365: {  	v36 =	vld [tilespmem:s25+$0xA0];
	v34 =	vmctz.xlane vm7;
	v38 =	vmctz.xlane vm10;
	vm10 =	veq.f32 v46, v6  }
0x366: {  	v45 =	vld [tilespmem:s25+$0xE0];
	vm11 =	vlt.s32 v25, $0x10;
	vm13 =	vlt.s32 v8, $0x10;
	v8 =	vadd.s32 $0x10, v8  }
0x367: {  	v7 =	vld [tilespmem:s25+$0x30];
	vm4 =	vlt.s32 v28, $0x10;
	v30 =	vadd.s32 $0x20, v28;
	vm6 =	vlt.s32 v31, $0x10  }
0x368: {  	v12 =	vadd.s32 $0x40, v31;
	vm9 =	vlt.s32 v34, $0x10;
	v15 =	vadd.s32 $0x50, v34  }
0x369: {  	v50 =	vmctz.xlane vm10;
	v10 =	vnsel vm11, $0x40000000, v25;
	v8 =	vnsel vm13, $0x40000000, v8  }
0x36a: {  	v11 =	vnsel vm4, $0x40000000, v30;
	v12 =	vnsel vm6, $0x40000000, v12;
	v15 =	vnsel vm9, $0x40000000, v15  }
0x36b: {  	vm11 =	veq.f32 v33, v6;
	vm1 =	vlt.s32 v38, $0x10;
	v16 =	vadd.s32 $0x70, v38  }
0x36c: {  	vm13 =	veq.f32 v36, v6;
	vm9 =	veq.f32 v45, v6;
	vm14 =	veq.f32 v7, v6;
	v7 =	vld [tilespmem:s25+$0x60]  }
0x36d: {  	v39 =	vld [tilespmem:s25+$0xB0];
	v40 =	vmctz.xlane vm11;
	v43 =	vmctz.xlane vm13;
	v16 =	vnsel vm1, $0x40000000, v16  }
0x36e: {  	v21 =	vmctz.xlane vm9;
	vm13 =	vlt.s32 v50, $0x10;
	v29 =	vmctz.xlane vm14  }
0x36f: {  	v44 =	vld [tilespmem:s25+$0xD0];
	vm14 =	vlt.s32 v40, $0x10;
	v42 =	vadd.s32 $0x80, v40;
	vm4 =	vlt.s32 v43, $0x10  }
0x370: {  	v18 =	vadd.s32 $0xA0, v43;
	vm5 =	vlt.s32 v29, $0x10;
	v13 =	vadd.s32 $0x30, v29  }
0x371: {  	v17 =	vnsel vm14, $0x40000000, v42;
	v18 =	vnsel vm4, $0x40000000, v18;
	vm8 =	veq.f32 v7, v6;
	v7 =	vld [tilespmem:s25+$0x90]  }
0x372: {  	vm14 =	vlt.s32 v10, v8;
	v13 =	vnsel vm5, $0x40000000, v13;
	vm5 =	veq.f32 v39, v6  }
0x373: {  	vm4 =	vlt.s32 v12, v15;
	v8 =	vsel vm14, v10, v8;
	v47 =	vmctz.xlane vm5  }
0x374: {  	v52 =	vsel vm4, v12, v15;
	v35 =	vmctz.xlane vm8;
	vm8 =	veq.f32 v44, v6  }
0x375: {  	vm7 =	vlt.s32 v47, $0x10;
	v22 =	vadd.s32 $0xB0, v47;
	v20 =	vmctz.xlane vm8  }
0x376: {  	vm2 =	vlt.s32 v35, $0x10;
	v37 =	vadd.s32 $0x60, v35;
	vm12 =	veq.f32 v7, v6;
	v7 =	vld [tilespmem:s25+$0xC0]  }
0x377: {  	v49 =	vnsel vm7, $0x40000000, v22;
	v22 =	vadd.s32 $0xF0, v50;
	v14 =	vnsel vm2, $0x40000000, v37  }
0x378: {  	vm11 =	vlt.s32 v20, $0x10;
	v20 =	vadd.s32 $0xD0, v20;
	v22 =	vnsel vm13, $0x40000000, v22  }
0x379: {  	vm7 =	vlt.s32 v18, v49;
	v20 =	vnsel vm11, $0x40000000, v20;
	vm5 =	vlt.s32 v14, v16  }
0x37a: {  	v9 =	vsel vm7, v18, v49;
	v41 =	vmctz.xlane vm12;
	vm12 =	vlt.s32 v21, $0x10  }
0x37b: {  	v21 =	vadd.s32 $0xE0, v21;
	v53 =	vsel vm5, v14, v16;
	vm6 =	veq.f32 v7, v6  }
0x37c: {  	v21 =	vnsel vm12, $0x40000000, v21;
	vm11 =	vlt.s32 v52, v53;
	v48 =	vmctz.xlane vm6  }
0x37d: {  	vm15 =	vlt.s32 v41, $0x10;
	v19 =	vadd.s32 $0x90, v41;
	vm9 =	vlt.s32 v21, v22  }
0x37e: {  	v7 =	vnsel vm15, $0x40000000, v19;
	vm2 =	vlt.s32 v48, $0x10;
	v19 =	vadd.s32 $0xC0, v48  }
0x37f: {  	v56 =	vsel vm11, v52, v53;
	v55 =	vsel vm9, v21, v22;
	v19 =	vnsel vm2, $0x40000000, v19  }
0x380: {  	vm15 =	vlt.s32 v11, v13;
	vm6 =	vlt.s32 v17, v7;
	vm8 =	vlt.s32 v19, v20  }
0x381: {  	v51 =	vsel vm15, v11, v13;
	v7 =	vsel vm6, v17, v7;
	v54 =	vsel vm8, v19, v20  }
0x382: {  	vm10 =	vlt.s32 v8, v51;
	vm12 =	vlt.s32 v7, v9;
	vm13 =	vlt.s32 v54, v55  }
0x383: {  	v8 =	vsel vm10, v8, v51;
	v7 =	vsel vm12, v7, v9;
	v57 =	vsel vm13, v54, v55  }
0x384: {  	vm0 =	vlt.s32 v8, v56;
	vm1 =	vlt.s32 v7, v57  }
0x385: {  	v8 =	vsel vm0, v8, v56;
	v7 =	vsel vm1, v7, v57  }
0x386: {  	vm0 =	vlt.s32 v8, v7  }
0x387: {  	v7 =	vsel vm0, v8, v7  }
0x388: {  	v7 =	vxor.u32 $0x80000000, v7  }
0x389: {  	(xrf0) =	vmin.scan.msk.u32 $0xffff, v7;
	_ =	sdelay $0x5  }
0x38a: {  	v7, _, _ =	vpop (xrf0)  }
0x38b: {  	(v2sf) =	vpush v7, $0xF;
	_ =	sdelay $0xe  }
0x38c: {  	s26 =	spop (v2sf)  }
0x38d: {  	s28 =	sxor.u32 $0x80000000, s26  }
0x38e: {  	s29 =	sshra.s32 s28, $0x1F  }
0x38f: {  	s29 =	sshrl.u32 s29, $0x1C  }
0x390: {  	s29 =	sadd.s32 s29, s28  }
0x391: {  	p1 =	sgt.s32 s26, $0xFFFFFFFF;
	p0 =	slt.s32 s28, $0x1;
	s30 =	sand.u32 $0xFFFFFFF0, s29  }
0x392: {  	s31 =	sand.u32 $0x30, s21;
	p0 =	por p1, p0;
	p6 =	sne.s32 s28, s30  }
0x393: {  	v7 =	vld [tilespmem:s31+$0x1A200];
	p0 =	por !p0, !p6  }
0x394: {  	v58 =	vld [tilespmem:s31+$0x1A280];
	s30 =	simm.s32 $0x1;
	p0 =	por !p0, !p0  }
0x395: {  	s0 =	sand.u32 $0xF, s21;
	s29 =	sshrl.u32 s29, $0x4;
	s30 =	simm.s32 @!p0 $0x0  }
0x396: {  	v59 =	vmov s0;
	s29 =	ssub.s32 s29, s30  }
0x397: {  	vm14 =	veq.s32 v59, v5;
	s0 =	sshll.u32 s29, $0x4  }
0x398: {  	v6 =	vsel vm14, v6, v7;
	s28 =	sadd.s32 s25, s28;
	s30 =	sadd.s32 s25, s0  }
0x399: {  	[tilespmem:s31+$0x1A200] =	vst v6;
	v6 =	vsel vm14, s28, v58;
	s0 =	sand.u32 $0x70, s0;
	s30 =	sand.u32 $0xFFFFFF80, s30  }
0x39a: {  	[tilespmem:s31+$0x1A280] =	vst v6;
	s0 =	sor.u32 s0, s30  }
0x39b: {  	v6 =	vld [tilespmem:s0+$0x0];
	_ =	sdelay $0x1  }
0x39c: {  	s26 =	sand.u32 $0xF, s26  }
0x39d: {  	v7 =	vmov s26  }
0x39e: {  	vm15 =	veq.s32 v7, v5  }
0x39f: {  	v6 =	vsel vm15, $0xFF800000, v6  }
0x3a0: {  	[tilespmem:s0+$0x0] =	vst v6  }
0x3a1: {  	v6 =	vld [tilespmem:s25+$0x0]  }
0x3a2: {  	v7 =	vld [tilespmem:s25+$0x10]  }
0x3a3: {  	v60 =	vld [tilespmem:s25+$0x20]  }
0x3a4: {  	v61 =	vld [tilespmem:s25+$0x30]  }
0x3a5: {  	v62 =	vld [tilespmem:s25+$0x40]  }
0x3a6: {  	v63 =	vld [tilespmem:s25+$0x50]  }
0x3a7: {  	v24 =	vld [tilespmem:s25+$0x60]  }
0x3a8: {  	v25 =	vld [tilespmem:s25+$0x70]  }
0x3a9: {  	v26 =	vld [tilespmem:s25+$0x80]  }
0x3aa: {  	v27 =	vld [tilespmem:s25+$0x90]  }
0x3ab: {  	v28 =	vld [tilespmem:s25+$0xA0]  }
0x3ac: {  	v29 =	vld [tilespmem:s25+$0xB0]  }
0x3ad: {  	v30 =	vld [tilespmem:s25+$0xC0]  }
0x3ae: {  	v31 =	vld [tilespmem:s25+$0xD0]  }
0x3af: {  	v32 =	vld [tilespmem:s25+$0xE0]  }
0x3b0: {  	v33 =	vld [tilespmem:s25+$0xF0];
	_ =	sdelay $0x2  }
0x3b1: {  	v6 =	vmax.f32 v6, v7;
	v7 =	vmax.f32 v60, v61;
	v34 =	vmax.f32 v62, v63  }
0x3b2: {  	v35 =	vmax.f32 v24, v25;
	v36 =	vmax.f32 v26, v27;
	v37 =	vmax.f32 v28, v29  }
0x3b3: {  	v38 =	vmax.f32 v30, v31;
	v39 =	vmax.f32 v32, v33;
	v6 =	vmax.f32 v6, v7  }
0x3b4: {  	v7 =	vmax.f32 v34, v35;
	v40 =	vmax.f32 v36, v37;
	v41 =	vmax.f32 v38, v39  }
0x3b5: {  	s31 =	sshll.u32 s24, $0x6;
	v6 =	vmax.f32 v6, v7;
	v7 =	vmax.f32 v40, v41  }
0x3b6: {  	s0 =	sshra.s32 s31, $0x2;
	v6 =	vmax.f32 v6, v7  }
0x3b7: {  	[tilespmem:s0+$0x18700] =	vst v6  }
0x3b8: {  	v6 =	vld [tilespmem:s22+$0x18700]  }
0x3b9: {  	v7 =	vld [tilespmem:s22+$0x18710]  }
0x3ba: {  	v42 =	vld [tilespmem:s22+$0x18720]  }
0x3bb: {  	v43 =	vld [tilespmem:s22+$0x18730]  }
0x3bc: {  	v44 =	vld [tilespmem:s22+$0x18740]  }
0x3bd: {  	v45 =	vld [tilespmem:s22+$0x18750]  }
0x3be: {  	v46 =	vld [tilespmem:s22+$0x18760]  }
0x3bf: {  	v47 =	vld [tilespmem:s22+$0x18770]  }
0x3c0: {  	v48 =	vld [tilespmem:s22+$0x18780]  }
0x3c1: {  	v49 =	vld [tilespmem:s22+$0x18790]  }
0x3c2: {  	v50 =	vld [tilespmem:s22+$0x187A0]  }
0x3c3: {  	v51 =	vld [tilespmem:s22+$0x187B0]  }
0x3c4: {  	v52 =	vld [tilespmem:s22+$0x187C0]  }
0x3c5: {  	v53 =	vld [tilespmem:s22+$0x187D0]  }
0x3c6: {  	v54 =	vld [tilespmem:s22+$0x187E0]  }
0x3c7: {  	v55 =	vld [tilespmem:s22+$0x187F0];
	_ =	sdelay $0x2  }
0x3c8: {  	v6 =	vmax.f32 v6, v7;
	v7 =	vmax.f32 v42, v43;
	v56 =	vmax.f32 v44, v45  }
0x3c9: {  	p0 =	sne.s32 s21, $0x31;
	v57 =	vmax.f32 v46, v47;
	v58 =	vmax.f32 v48, v49;
	v59 =	vmax.f32 v50, v51  }
.Ltmp8:
0x3ca: {  	v60 =	vmax.f32 v52, v53;
	v61 =	vmax.f32 v54, v55;
	v6 =	vmax.f32 v6, v7;
	(pc) =	sbr.rel @p0 .LBB2_19-.Ltmp8, $4  }
0x3cb: {  	v7 =	vmax.f32 v56, v57;
	v62 =	vmax.f32 v58, v59;
	v63 =	vmax.f32 v60, v61  }
0x3cc: {  	v6 =	vmax.f32 v6, v7;
	v7 =	vmax.f32 v62, v63  }
0x3cd: {  	v6 =	vmax.f32 v6, v7  }
0x3ce: {  	s21 =	sadd.s32 $0x1, s21;
	[tilespmem:s23+$0x1A000] =	vst v6  }
0x3cf: {  	s0 =	sshll.u32 s20, $0x3  }
0x3d0: {  	s20 =	sadd.s32 s4, s0  }
0x3d1: {  	[hbm4b:s20+s1] =	stream.linear.scatter [tilespmem:s15], [sflag:$0x5], $0x40, $0x38;
	[tilespmem:$0x1A300] =	vst v63  }
0x3d2: {  	s19 =	sadd.s32 $0x1, s19;
	_ =	swait.ge [sflag:s16], $0x40  }
0x3d3: {  	p0 =	sne.s32 s19, $0x4;
	[sflag:s16] =	ssyncset.done $0x0  }
.Ltmp9:
0x3d4: {  	s0 =	sadd.s32 s5, s0;
	[sflag:s16] =	ssyncadd.s32 $0xFFFFFFC0;
	(pc) =	sbr.rel @p0 .LBB2_2-.Ltmp9, $4  }
0x3d5: {  	[hbm4b:s0+s1] =	stream.linear.scatter [tilespmem:s17], [sflag:$0x5], $0x40, $0x38;
	[tilespmem:$0x1A300] =	vst v63  }
0x3d6: {  	_ =	swait.ge [sflag:s16], $0x40  }
0x3d7: {  	[sflag:s16] =	ssyncset.done $0x0  }
0x3d8: {  	[sflag:s16] =	ssyncadd.s32 $0xFFFFFFC0  }
0x3d9: {  	s18 =	sadd.s32 $0x1, s18  }
0x3da: {  	p0 =	sne.s32 s18, s7  }
.Ltmp10:
0x3db: {  	_ = 	snop;
	(pc) =	sbr.rel @p0 .LBB2_1-.Ltmp10, $1  }
0x3dc: {  	_ =	sdelay $0x3  }
0x3dd: {  	_ =	sfence.sel $0x180000  }
0x3de: {  	[bflag:$0x0] =	sbarrier.arrive $0xFFFF  }
0x3df: {  	_ =	strace $0x90000047  }
0x3e0: {  	[bflag:$0x2] =	sbarrier.arrive $0xFFFF  }
0x3e1: {  	p0 =	sne.s32 s2, $0x0;
	s0 =	rddreg [dreg:$0x1]  }
0x3e2: {  	s0 =	sadd.s32 @!p0 $0x100000, s0  }
0x3e3: {  	[sflag:s0] =	ssyncadd.tile.s32 @!p0 $0x1;
	_ =	shalt  }
.Lfunc_end2:
_tile_overlayer_lowered:
.L_overlay_start_2:
0x3e4: {  	(tag) =	ssettag $0x2  }
0x3e5: {  	s0 =	rddreg [dreg:$0x0];
	s2 =	stileid.u32  }
0x3e6: {  	s1 =	rddreg [dreg:$0x1];
	p0 =	sne.s32 s2, $0x0  }
0x3e7: {  	s3 =	rddreg [dreg:$0x2];
	[bflag:$0x3] =	sbarrier.arrive $0xFFFF;
	s2 =	simm.s32 @!p0 $0x1C05  }
0x3e8: {  	[timem:s3], [sflag:s2] =	dma.local @!p0 [hbm:s0], s1  }
0x3e9: {  	s0 =	simm.s32 @!p0 $0x5  }
0x3ea: {  	_ =	swait.ge @!p0 [sflag:s0], s1  }
0x3eb: {  	s1 =	ssub.s32 @!p0 $0x0, s1;
	[sflag:s0] =	ssyncset.done @!p0 $0x0  }
0x3ec: {  	[sflag:s0] =	ssyncadd.s32 @!p0 s1  }
0x3ed: {  	[bflag:$0x3] =	sbarrier.arrive $0xFFFF  }
0x3ee: {  	_ =	shalt  }

</sc_bundles>
